<compile_context>
chip_gen: v7x
topology: tpu7x:2x2x1
jax: 0.10.2.dev20260603
libtpu: 0.0.44.dev20260713+nightly
codegen_flags: <defaults>
</compile_context>

<pallas_src>
import functools
import math

import jax
import jax.numpy as jnp
from jax import lax
from jax.experimental import pallas as pl
from jax.experimental.pallas import tpu as pltpu
from jax.experimental.pallas import tpu_sc as plsc

_B = 16384
_D = 64
_EPS = 1e-5

_NC = 2
_NS = 16
_NW = _NC * _NS
_PS = _B // _NS
_CHK = 64
_NR = _PS // _CHK
_INFLIGHT = 16


def _gather_body(utab, itab, ids, uout, iout,
                 ids_v, out_v, sem, osem):
    wid = lax.axis_index("s") * _NC + lax.axis_index("c")
    pltpu.sync_copy(ids.at[wid], ids_v)

    def do_table(tab, out_hbm, obase):
        def round_body(r, carry):
            def chunk_body(c, c2):
                j = c * 2 * _INFLIGHT
                v0 = ids_v[pl.ds(r * _CHK + j, _INFLIGHT)]
                v1 = ids_v[pl.ds(r * _CHK + j + _INFLIGHT, _INFLIGHT)]
                cps = [
                    pltpu.async_copy(
                        tab.at[pl.ds(v[t], 1)],
                        out_v.at[pl.ds(j + b * _INFLIGHT + t, 1)], sem)
                    for b, v in enumerate((v0, v1))
                    for t in range(_INFLIGHT)
                ]
                for cp in cps:
                    cp.wait()
                return c2
            lax.fori_loop(0, _CHK // (2 * _INFLIGHT), chunk_body, 0)
            pltpu.async_copy(
                out_v, out_hbm.at[pl.ds(obase + r * _CHK, _CHK)], osem).wait()
            return carry
        lax.fori_loop(0, _NR, round_body, 0)

    @pl.when(wid < _NS)
    def _():
        do_table(utab, uout, wid * _PS)

    @pl.when(wid >= _NS)
    def _():
        do_table(itab, iout, (wid - _NS) * _PS)


@functools.cache
def _gather2():
    return pl.kernel(
        _gather_body,
        mesh=plsc.VectorSubcoreMesh(core_axis_name="c", subcore_axis_name="s"),
        out_type=(
            jax.ShapeDtypeStruct((_B, _D), jnp.float32),
            jax.ShapeDtypeStruct((_B, _D), jnp.float32),
        ),
        scratch_types=[
            pltpu.VMEM((_PS,), jnp.int32),
            pltpu.VMEM((_CHK, _D), jnp.float32),
            pltpu.SemaphoreType.DMA,
            pltpu.SemaphoreType.DMA,
        ],
    )


_BM = 2048


def _dense_body(t_ref, d_ref, ue_ref, ie_ref,
                ct_ref, cd_ref, au_ref, ai_ref, c1_ref,
                a2_ref, c2_ref, a3_ref, c3_ref, o_ref):
    h1 = jnp.dot(t_ref[...], ct_ref[...], preferred_element_type=jnp.float32)
    h1 += jnp.dot(d_ref[...], cd_ref[...], preferred_element_type=jnp.float32)
    h1 += jnp.dot(ue_ref[...], au_ref[...], preferred_element_type=jnp.float32)
    h1 += jnp.dot(ie_ref[...], ai_ref[...], preferred_element_type=jnp.float32)
    h1 = jnp.maximum(h1 + c1_ref[...], 0.0)
    h2 = jnp.maximum(
        jnp.dot(h1, a2_ref[...], preferred_element_type=jnp.float32)
        + c2_ref[...], 0.0)
    o_ref[...] = (jnp.dot(h2, a3_ref[...], preferred_element_type=jnp.float32)
                  + c3_ref[...])


def kernel(user_ids, item_ids, title_embeddings, description_embeddings,
           title_embeddings_user_avg, description_embeddings_user_avg,
           user_table, item_table, Wt, bt, Wd, bd,
           W1, b1, W2, b2, W3, b3, g1, be1, g2, be2, g3, be3):
    uid = user_ids.astype(jnp.int32)
    iid = item_ids.astype(jnp.int32)
    ids = jnp.concatenate([uid, iid]).reshape(_NW, _PS)
    ue, ie = _gather2()(user_table, item_table, ids)

    s = 1.0 / math.sqrt(1.0 + _EPS)
    w1e = W1 * (s * g1)[None, :]
    b1e = b1 + be1 @ W1.T
    w1u, w1i = w1e[:, :_D], w1e[:, _D:2 * _D]
    w1t, w1d = w1e[:, 2 * _D:2 * _D + _D], w1e[:, 3 * _D:]
    ct = (w1t @ Wt).T
    cd = (w1d @ Wd).T
    c1 = (b1e + bt @ w1t.T + bd @ w1d.T)[None, :]
    au, ai = w1u.T, w1i.T
    a2 = (W2 * (s * g2)[None, :]).T
    c2 = (b2 + be2 @ W2.T)[None, :]
    a3 = (W3 * (s * g3)[None, :]).T
    c3 = (b3 + be3 @ W3.T)[None, :]

    grid = (_B // _BM,)
    full = lambda shape: pl.BlockSpec(shape, lambda i: (0, 0))
    out2d = pl.pallas_call(
        _dense_body,
        grid=grid,
        in_specs=[
            pl.BlockSpec((_BM, 768), lambda i: (i, 0)),
            pl.BlockSpec((_BM, 768), lambda i: (i, 0)),
            pl.BlockSpec((_BM, _D), lambda i: (i, 0)),
            pl.BlockSpec((_BM, _D), lambda i: (i, 0)),
            full((768, 128)), full((768, 128)),
            full((_D, 128)), full((_D, 128)), full((1, 128)),
            full((128, _D)), full((1, _D)),
            full((_D, 1)), full((1, 1)),
        ],
        out_specs=pl.BlockSpec((_BM, 1), lambda i: (i, 0)),
        out_shape=jax.ShapeDtypeStruct((_B, 1), jnp.float32),
    )(title_embeddings_user_avg, description_embeddings_user_avg, ue, ie,
      ct, cd, au, ai, c1, a2, c2, a3, c3)
    return out2d[:, 0]

# --- scband reference (transcript-rebuilt; emitter-appended) ---
"""Pipeline reference for scband-ncfmodel-78125455114892 (READ-ONLY COPY).

The authoritative reference and input builder live on the scoring server;
editing this copy changes nothing except your own understanding.
"""

import jax, jax.numpy as jnp
import numpy as np

B = 16384
NUM_USERS = 1000000
NUM_ITEMS = 100000
D = 64
TD = 768
DD = 768
EPS = 1e-5


def setup_inputs(seed: int = 0) -> dict:
    key = jax.random.key(seed)
    ks = jax.random.split(key, 24)
    inp = {}
    inp['user_ids'] = jax.random.randint(ks[0], (B,), 0, NUM_USERS, dtype=jnp.int64 if jax.config.jax_enable_x64 else jnp.int32)
    inp['item_ids'] = jax.random.randint(ks[1], (B,), 0, NUM_ITEMS, dtype=jnp.int64 if jax.config.jax_enable_x64 else jnp.int32)
    inp['title_embeddings'] = jax.random.normal(ks[2], (B, TD), dtype=jnp.float32)
    inp['description_embeddings'] = jax.random.normal(ks[3], (B, DD), dtype=jnp.float32)
    inp['title_embeddings_user_avg'] = jax.random.normal(ks[4], (B, TD), dtype=jnp.float32)
    inp['description_embeddings_user_avg'] = jax.random.normal(ks[5], (B, DD), dtype=jnp.float32)
    # parameters (nn.Embedding ~ N(0,1); nn.Linear ~ U(-1/sqrt(fan_in), 1/sqrt(fan_in)))
    inp['user_table'] = jax.random.normal(ks[6], (NUM_USERS, D), dtype=jnp.float32)
    inp['item_table'] = jax.random.normal(ks[7], (NUM_ITEMS, D), dtype=jnp.float32)
    def lin(k, out_f, in_f):
        k1, k2 = jax.random.split(k)
        bound = 1.0 / np.sqrt(in_f)
        W = jax.random.uniform(k1, (out_f, in_f), minval=-bound, maxval=bound, dtype=jnp.float32)
        b = jax.random.uniform(k2, (out_f,), minval=-bound, maxval=bound, dtype=jnp.float32)
        return W, b
    inp['Wt'], inp['bt'] = lin(ks[8], D, TD)
    inp['Wd'], inp['bd'] = lin(ks[9], D, DD)
    inp['W1'], inp['b1'] = lin(ks[10], 128, 4 * D)
    inp['W2'], inp['b2'] = lin(ks[11], 64, 128)
    inp['W3'], inp['b3'] = lin(ks[12], 1, 64)
    inp['g1'] = jnp.ones((4 * D,), jnp.float32); inp['be1'] = jnp.zeros((4 * D,), jnp.float32)
    inp['g2'] = jnp.ones((128,), jnp.float32); inp['be2'] = jnp.zeros((128,), jnp.float32)
    inp['g3'] = jnp.ones((64,), jnp.float32); inp['be3'] = jnp.zeros((64,), jnp.float32)
    return inp


def _bn_eval(x, g, b):
    # eval-mode BatchNorm1d with fresh running stats (mean=0, var=1)
    return x / jnp.sqrt(1.0 + EPS) * g + b


def reference(user_ids, item_ids, title_embeddings, description_embeddings,
              title_embeddings_user_avg, description_embeddings_user_avg,
              user_table, item_table, Wt, bt, Wd, bd,
              W1, b1, W2, b2, W3, b3, g1, be1, g2, be2, g3, be3):
    uid = jnp.clip(user_ids.astype(jnp.int32), 0, NUM_USERS - 1)
    iid = jnp.clip(item_ids.astype(jnp.int32), 0, NUM_ITEMS - 1)
    user_emb = jnp.take(user_table, uid, axis=0)
    item_emb = jnp.take(item_table, iid, axis=0)
    avg_title = title_embeddings_user_avg @ Wt.T + bt
    avg_desc = description_embeddings_user_avg @ Wd.T + bd
    x = jnp.concatenate([user_emb, item_emb, avg_title, avg_desc], axis=-1)
    x = _bn_eval(x, g1, be1)
    x = jax.nn.relu(x @ W1.T + b1)
    x = _bn_eval(x, g2, be2)
    x = jax.nn.relu(x @ W2.T + b2)
    x = _bn_eval(x, g3, be3)
    x = x @ W3.T + b3
    return jnp.squeeze(x, axis=-1)

if __name__ == "__main__":
    import jax
    _d = setup_inputs()
    print(jax.jit(kernel)(*tuple(_d.values())))

</pallas_src>

<mosaic_0001>
#map = affine_map<(d0, d1) -> (0, 0)>
module attributes {stable_mosaic.version = 14 : i64} {
  func.func @_gather_body(%arg0: i32, %arg1: i32, %arg2: memref<1000000x64xf32, #tpu.memory_space<hbm>>, %arg3: memref<100000x64xf32, #tpu.memory_space<hbm>>, %arg4: memref<32x1024xi32, #tpu.memory_space<hbm>>, %arg5: memref<16384x64xf32, #tpu.memory_space<hbm>>, %arg6: memref<16384x64xf32, #tpu.memory_space<hbm>>, %arg7: memref<1024xi32, #tpu.memory_space<vmem>>, %arg8: memref<64x64xf32, #tpu.memory_space<vmem>>, %arg9: memref<!tpu.dma_semaphore, #tpu.memory_space<semaphore_mem>>, %arg10: memref<!tpu.dma_semaphore, #tpu.memory_space<semaphore_mem>>) attributes {dimension_semantics = [#tpu.dimension_semantics<core_parallel>, #tpu.dimension_semantics<subcore_parallel>], iteration_bounds = array<i64: 2, 16>, scalar_prefetch = 0 : i64, scratch_operands = 4 : i64, tpu.core_type = #tpu.core_type<sc_vector_subcore>, window_params = [{transform_indices = #map}, {transform_indices = #map}, {transform_indices = #map}, {transform_indices = #map}, {transform_indices = #map}]} {
    %mul3A = arith.constant 2 : i32
    %mul3A_0 = arith.muli %arg1, %mul3A : i32
    %add3A = arith.addi %mul3A_0, %arg0 : i32
    "tpu.region"() ({
      %run_scoped3A = tpu.sem_alloc : memref<!tpu.dma_semaphore, #tpu.memory_space<semaphore_mem>>
      %dma_start3A = arith.constant 0 : i32
      %dma_start3A_7 = tpu.memref_slice %arg4[%add3A, %dma_start3A] : memref<32x1024xi32, #tpu.memory_space<hbm>> -> memref<1x1024xi32, #tpu.memory_space<hbm>>
      %dma_start3A_8 = tpu.memref_squeeze %dma_start3A_7 : memref<1x1024xi32, #tpu.memory_space<hbm>> -> memref<1024xi32, #tpu.memory_space<hbm>>
      %dma_start3A_9 = arith.constant 0 : i32
      %dma_start3A_10 = tpu.memref_slice %arg4[%add3A, %dma_start3A_9] : memref<32x1024xi32, #tpu.memory_space<hbm>> -> memref<1x1024xi32, #tpu.memory_space<hbm>>
      %dma_start3A_11 = tpu.memref_squeeze %dma_start3A_10 : memref<1x1024xi32, #tpu.memory_space<hbm>> -> memref<1024xi32, #tpu.memory_space<hbm>>
      tpu.enqueue_dma source(%dma_start3A_11 : memref<1024xi32, #tpu.memory_space<hbm>>) target(%arg7 : memref<1024xi32, #tpu.memory_space<vmem>>) target_semaphore(%run_scoped3A : memref<!tpu.dma_semaphore, #tpu.memory_space<semaphore_mem>>)
      %dma_wait3A = arith.constant 0 : i32
      %dma_wait3A_12 = tpu.memref_slice %arg4[%add3A, %dma_wait3A] : memref<32x1024xi32, #tpu.memory_space<hbm>> -> memref<1x1024xi32, #tpu.memory_space<hbm>>
      %dma_wait3A_13 = tpu.memref_squeeze %dma_wait3A_12 : memref<1x1024xi32, #tpu.memory_space<hbm>> -> memref<1024xi32, #tpu.memory_space<hbm>>
      %dma_wait3A_14 = arith.constant 0 : i32
      %dma_wait3A_15 = tpu.memref_slice %arg4[%add3A, %dma_wait3A_14] : memref<32x1024xi32, #tpu.memory_space<hbm>> -> memref<1x1024xi32, #tpu.memory_space<hbm>>
      %dma_wait3A_16 = tpu.memref_squeeze %dma_wait3A_15 : memref<1x1024xi32, #tpu.memory_space<hbm>> -> memref<1024xi32, #tpu.memory_space<hbm>>
      tpu.wait_dma2 semaphore(%run_scoped3A : memref<!tpu.dma_semaphore, #tpu.memory_space<semaphore_mem>>) src(%dma_wait3A_16 : memref<1024xi32, #tpu.memory_space<hbm>>) dst(%arg7 : memref<1024xi32, #tpu.memory_space<vmem>>)
      tpu.yield
    }) : () -> ()
    %lt3A = arith.constant 16 : i32
    %lt3A_1 = arith.cmpi slt, %add3A, %lt3A : i32
    %convert_element_type3A = arith.extui %lt3A_1 : i1 to i32
    %cond3A = arith.constant 0 : i32
    %cond3A_2 = arith.cmpi ne, %convert_element_type3A, %cond3A : i32
    scf.if %cond3A_2 {
      %mul3A_7 = arith.constant 1024 : i32
      %mul3A_8 = arith.muli %add3A, %mul3A_7 : i32
      %scan3A = arith.constant 0 : i32
      %scan3A_9 = arith.constant 0 : i32
      %scan3A_10 = arith.constant 16 : i32
      %scan3A_11 = arith.addi %scan3A_9, %scan3A_10 : i32
      %scan3A_12 = arith.constant 1 : i32
      scf.for %scan3A_14 = %scan3A_9 to %scan3A_11 step %scan3A_12  : i32 {
        %scan3A_15 = arith.constant 0 : i32
        %scan3A_16 = arith.constant 0 : i32
        %scan3A_17 = arith.constant 2 : i32
        %scan3A_18 = arith.addi %scan3A_16, %scan3A_17 : i32
        %scan3A_19 = arith.constant 1 : i32
        scf.for %scan3A_30 = %scan3A_16 to %scan3A_18 step %scan3A_19  : i32 {
          %mul3A_31 = arith.constant 2 : i32
          %mul3A_32 = arith.muli %scan3A_30, %mul3A_31 : i32
          %mul3A_33 = arith.constant 16 : i32
          %mul3A_34 = arith.muli %mul3A_32, %mul3A_33 : i32
          %mul3A_35 = arith.constant 64 : i32
          %mul3A_36 = arith.muli %scan3A_14, %mul3A_35 : i32
          %add3A_37 = arith.addi %mul3A_36, %mul3A_34 : i32
          %get3A = arith.index_cast %add3A_37 : i32 to index
          %get3A_38 = tpu.vector_load %arg7[%get3A] {strides = array<i32>} : memref<1024xi32, #tpu.memory_space<vmem>>, vector<16xi32>,
          %get3A_39 = vector.shape_cast %get3A_38 : vector<16xi32> to vector<16xi32>
          %mul3A_40 = arith.constant 64 : i32
          %mul3A_41 = arith.muli %scan3A_14, %mul3A_40 : i32
          %add3A_42 = arith.addi %mul3A_41, %mul3A_34 : i32
          %add3A_43 = arith.constant 16 : i32
          %add3A_44 = arith.addi %add3A_42, %add3A_43 : i32
          %get3A_45 = arith.index_cast %add3A_44 : i32 to index
          %get3A_46 = tpu.vector_load %arg7[%get3A_45] {strides = array<i32>} : memref<1024xi32, #tpu.memory_space<vmem>>, vector<16xi32>,
          %get3A_47 = vector.shape_cast %get3A_46 : vector<16xi32> to vector<16xi32>
          %slice3A = vector.extract_strided_slice %get3A_39 {offsets = [0], sizes = [1], strides = [1]} : vector<16xi32> to vector<1xi32>
          %squeeze3A = vector.extract %slice3A[0] : i32 from vector<1xi32>
          %add3A_48 = arith.constant 0 : i32
          %add3A_49 = arith.addi %mul3A_34, %add3A_48 : i32
          %add3A_50 = arith.constant 0 : i32
          %add3A_51 = arith.addi %add3A_49, %add3A_50 : i32
          %dma_start3A_52 = arith.constant 0 : i32
          %dma_start3A_53 = tpu.memref_slice %arg8[%add3A_51, %dma_start3A_52] : memref<64x64xf32, #tpu.memory_space<vmem>> -> memref<1x64xf32, #tpu.memory_space<vmem>>
          %dma_start3A_54 = arith.constant 0 : i32
          %dma_start3A_55 = tpu.memref_slice %arg2[%squeeze3A, %dma_start3A_54] : memref<1000000x64xf32, #tpu.memory_space<hbm>> -> memref<1x64xf32, #tpu.memory_space<hbm>>
          %dma_start3A_56 = arith.constant 0 : i32
          %dma_start3A_57 = tpu.memref_slice %arg8[%add3A_51, %dma_start3A_56] : memref<64x64xf32, #tpu.memory_space<vmem>> -> memref<1x64xf32, #tpu.memory_space<vmem>>
          %dma_start3A_58 = arith.constant 0 : i32
          %dma_start3A_59 = tpu.memref_slice %arg2[%squeeze3A, %dma_start3A_58] : memref<1000000x64xf32, #tpu.memory_space<hbm>> -> memref<1x64xf32, #tpu.memory_space<hbm>>
          tpu.enqueue_dma source(%dma_start3A_59 : memref<1x64xf32, #tpu.memory_space<hbm>>) target(%dma_start3A_57 : memref<1x64xf32, #tpu.memory_space<vmem>>) target_semaphore(%arg9 : memref<!tpu.dma_semaphore, #tpu.memory_space<semaphore_mem>>)
          %slice3A_60 = vector.extract_strided_slice %get3A_39 {offsets = [1], sizes = [1], strides = [1]} : vector<16xi32> to vector<1xi32>
          %squeeze3A_61 = vector.extract %slice3A_60[0] : i32 from vector<1xi32>
          %add3A_62 = arith.constant 0 : i32
          %add3A_63 = arith.addi %mul3A_34, %add3A_62 : i32
          %add3A_64 = arith.constant 1 : i32
          %add3A_65 = arith.addi %add3A_63, %add3A_64 : i32
          %dma_start3A_66 = arith.constant 0 : i32
          %dma_start3A_67 = tpu.memref_slice %arg8[%add3A_65, %dma_start3A_66] : memref<64x64xf32, #tpu.memory_space<vmem>> -> memref<1x64xf32, #tpu.memory_space<vmem>>
          %dma_start3A_68 = arith.constant 0 : i32
          %dma_start3A_69 = tpu.memref_slice %arg2[%squeeze3A_61, %dma_start3A_68] : memref<1000000x64xf32, #tpu.memory_space<hbm>> -> memref<1x64xf32, #tpu.memory_space<hbm>>
          %dma_start3A_70 = arith.constant 0 : i32
          %dma_start3A_71 = tpu.memref_slice %arg8[%add3A_65, %dma_start3A_70] : memref<64x64xf32, #tpu.memory_space<vmem>> -> memref<1x64xf32, #tpu.memory_space<vmem>>
          %dma_start3A_72 = arith.constant 0 : i32
          %dma_start3A_73 = tpu.memref_slice %arg2[%squeeze3A_61, %dma_start3A_72] : memref<1000000x64xf32, #tpu.memory_space<hbm>> -> memref<1x64xf32, #tpu.memory_space<hbm>>
          tpu.enqueue_dma source(%dma_start3A_73 : memref<1x64xf32, #tpu.memory_space<hbm>>) target(%dma_start3A_71 : memref<1x64xf32, #tpu.memory_space<vmem>>) target_semaphore(%arg9 : memref<!tpu.dma_semaphore, #tpu.memory_space<semaphore_mem>>)
          %slice3A_74 = vector.extract_strided_slice %get3A_39 {offsets = [2], sizes = [1], strides = [1]} : vector<16xi32> to vector<1xi32>
          %squeeze3A_75 = vector.extract %slice3A_74[0] : i32 from vector<1xi32>
          %add3A_76 = arith.constant 0 : i32
          %add3A_77 = arith.addi %mul3A_34, %add3A_76 : i32
          %add3A_78 = arith.constant 2 : i32
          %add3A_79 = arith.addi %add3A_77, %add3A_78 : i32
          %dma_start3A_80 = arith.constant 0 : i32
          %dma_start3A_81 = tpu.memref_slice %arg8[%add3A_79, %dma_start3A_80] : memref<64x64xf32, #tpu.memory_space<vmem>> -> memref<1x64xf32, #tpu.memory_space<vmem>>
          %dma_start3A_82 = arith.constant 0 : i32
          %dma_start3A_83 = tpu.memref_slice %arg2[%squeeze3A_75, %dma_start3A_82] : memref<1000000x64xf32, #tpu.memory_space<hbm>> -> memref<1x64xf32, #tpu.memory_space<hbm>>
          %dma_start3A_84 = arith.constant 0 : i32
          %dma_start3A_85 = tpu.memref_slice %arg8[%add3A_79, %dma_start3A_84] : memref<64x64xf32, #tpu.memory_space<vmem>> -> memref<1x64xf32, #tpu.memory_space<vmem>>
          %dma_start3A_86 = arith.constant 0 : i32
          %dma_start3A_87 = tpu.memref_slice %arg2[%squeeze3A_75, %dma_start3A_86] : memref<1000000x64xf32, #tpu.memory_space<hbm>> -> memref<1x64xf32, #tpu.memory_space<hbm>>
          tpu.enqueue_dma source(%dma_start3A_87 : memref<1x64xf32, #tpu.memory_space<hbm>>) target(%dma_start3A_85 : memref<1x64xf32, #tpu.memory_space<vmem>>) target_semaphore(%arg9 : memref<!tpu.dma_semaphore, #tpu.memory_space<semaphore_mem>>)
          %slice3A_88 = vector.extract_strided_slice %get3A_39 {offsets = [3], sizes = [1], strides = [1]} : vector<16xi32> to vector<1xi32>
          %squeeze3A_89 = vector.extract %slice3A_88[0] : i32 from vector<1xi32>
          %add3A_90 = arith.constant 0 : i32
          %add3A_91 = arith.addi %mul3A_34, %add3A_90 : i32
          %add3A_92 = arith.constant 3 : i32
          %add3A_93 = arith.addi %add3A_91, %add3A_92 : i32
          %dma_start3A_94 = arith.constant 0 : i32
          %dma_start3A_95 = tpu.memref_slice %arg8[%add3A_93, %dma_start3A_94] : memref<64x64xf32, #tpu.memory_space<vmem>> -> memref<1x64xf32, #tpu.memory_space<vmem>>
          %dma_start3A_96 = arith.constant 0 : i32
          %dma_start3A_97 = tpu.memref_slice %arg2[%squeeze3A_89, %dma_start3A_96] : memref<1000000x64xf32, #tpu.memory_space<hbm>> -> memref<1x64xf32, #tpu.memory_space<hbm>>
          %dma_start3A_98 = arith.constant 0 : i32
          %dma_start3A_99 = tpu.memref_slice %arg8[%add3A_93, %dma_start3A_98] : memref<64x64xf32, #tpu.memory_space<vmem>> -> memref<1x64xf32, #tpu.memory_space<vmem>>
          %dma_start3A_100 = arith.constant 0 : i32
          %dma_start3A_101 = tpu.memref_slice %arg2[%squeeze3A_89, %dma_start3A_100] : memref<1000000x64xf32, #tpu.memory_space<hbm>> -> memref<1x64xf32, #tpu.memory_space<hbm>>
          tpu.enqueue_dma source(%dma_start3A_101 : memref<1x64xf32, #tpu.memory_space<hbm>>) target(%dma_start3A_99 : memref<1x64xf32, #tpu.memory_space<vmem>>) target_semaphore(%arg9 : memref<!tpu.dma_semaphore, #tpu.memory_space<semaphore_mem>>)
          %slice3A_102 = vector.extract_strided_slice %get3A_39 {offsets = [4], sizes = [1], strides = [1]} : vector<16xi32> to vector<1xi32>
          %squeeze3A_103 = vector.extract %slice3A_102[0] : i32 from vector<1xi32>
          %add3A_104 = arith.constant 0 : i32
          %add3A_105 = arith.addi %mul3A_34, %add3A_104 : i32
          %add3A_106 = arith.constant 4 : i32
          %add3A_107 = arith.addi %add3A_105, %add3A_106 : i32
          %dma_start3A_108 = arith.constant 0 : i32
          %dma_start3A_109 = tpu.memref_slice %arg8[%add3A_107, %dma_start3A_108] : memref<64x64xf32, #tpu.memory_space<vmem>> -> memref<1x64xf32, #tpu.memory_space<vmem>>
          %dma_start3A_110 = arith.constant 0 : i32
          %dma_start3A_111 = tpu.memref_slice %arg2[%squeeze3A_103, %dma_start3A_110] : memref<1000000x64xf32, #tpu.memory_space<hbm>> -> memref<1x64xf32, #tpu.memory_space<hbm>>
          %dma_start3A_112 = arith.constant 0 : i32
          %dma_start3A_113 = tpu.memref_slice %arg8[%add3A_107, %dma_start3A_112] : memref<64x64xf32, #tpu.memory_space<vmem>> -> memref<1x64xf32, #tpu.memory_space<vmem>>
          %dma_start3A_114 = arith.constant 0 : i32
          %dma_start3A_115 = tpu.memref_slice %arg2[%squeeze3A_103, %dma_start3A_114] : memref<1000000x64xf32, #tpu.memory_space<hbm>> -> memref<1x64xf32, #tpu.memory_space<hbm>>
          tpu.enqueue_dma source(%dma_start3A_115 : memref<1x64xf32, #tpu.memory_space<hbm>>) target(%dma_start3A_113 : memref<1x64xf32, #tpu.memory_space<vmem>>) target_semaphore(%arg9 : memref<!tpu.dma_semaphore, #tpu.memory_space<semaphore_mem>>)
          %slice3A_116 = vector.extract_strided_slice %get3A_39 {offsets = [5], sizes = [1], strides = [1]} : vector<16xi32> to vector<1xi32>
          %squeeze3A_117 = vector.extract %slice3A_116[0] : i32 from vector<1xi32>
          %add3A_118 = arith.constant 0 : i32
          %add3A_119 = arith.addi %mul3A_34, %add3A_118 : i32
          %add3A_120 = arith.constant 5 : i32
          %add3A_121 = arith.addi %add3A_119, %add3A_120 : i32
          %dma_start3A_122 = arith.constant 0 : i32
          %dma_start3A_123 = tpu.memref_slice %arg8[%add3A_121, %dma_start3A_122] : memref<64x64xf32, #tpu.memory_space<vmem>> -> memref<1x64xf32, #tpu.memory_space<vmem>>
          %dma_start3A_124 = arith.constant 0 : i32
          %dma_start3A_125 = tpu.memref_slice %arg2[%squeeze3A_117, %dma_start3A_124] : memref<1000000x64xf32, #tpu.memory_space<hbm>> -> memref<1x64xf32, #tpu.memory_space<hbm>>
          %dma_start3A_126 = arith.constant 0 : i32
          %dma_start3A_127 = tpu.memref_slice %arg8[%add3A_121, %dma_start3A_126] : memref<64x64xf32, #tpu.memory_space<vmem>> -> memref<1x64xf32, #tpu.memory_space<vmem>>
          %dma_start3A_128 = arith.constant 0 : i32
          %dma_start3A_129 = tpu.memref_slice %arg2[%squeeze3A_117, %dma_start3A_128] : memref<1000000x64xf32, #tpu.memory_space<hbm>> -> memref<1x64xf32, #tpu.memory_space<hbm>>
          tpu.enqueue_dma source(%dma_start3A_129 : memref<1x64xf32, #tpu.memory_space<hbm>>) target(%dma_start3A_127 : memref<1x64xf32, #tpu.memory_space<vmem>>) target_semaphore(%arg9 : memref<!tpu.dma_semaphore, #tpu.memory_space<semaphore_mem>>)
          %slice3A_130 = vector.extract_strided_slice %get3A_39 {offsets = [6], sizes = [1], strides = [1]} : vector<16xi32> to vector<1xi32>
          %squeeze3A_131 = vector.extract %slice3A_130[0] : i32 from vector<1xi32>
          %add3A_132 = arith.constant 0 : i32
          %add3A_133 = arith.addi %mul3A_34, %add3A_132 : i32
          %add3A_134 = arith.constant 6 : i32
          %add3A_135 = arith.addi %add3A_133, %add3A_134 : i32
          %dma_start3A_136 = arith.constant 0 : i32
          %dma_start3A_137 = tpu.memref_slice %arg8[%add3A_135, %dma_start3A_136] : memref<64x64xf32, #tpu.memory_space<vmem>> -> memref<1x64xf32, #tpu.memory_space<vmem>>
          %dma_start3A_138 = arith.constant 0 : i32
          %dma_start3A_139 = tpu.memref_slice %arg2[%squeeze3A_131, %dma_start3A_138] : memref<1000000x64xf32, #tpu.memory_space<hbm>> -> memref<1x64xf32, #tpu.memory_space<hbm>>
          %dma_start3A_140 = arith.constant 0 : i32
          %dma_start3A_141 = tpu.memref_slice %arg8[%add3A_135, %dma_start3A_140] : memref<64x64xf32, #tpu.memory_space<vmem>> -> memref<1x64xf32, #tpu.memory_space<vmem>>
          %dma_start3A_142 = arith.constant 0 : i32
          %dma_start3A_143 = tpu.memref_slice %arg2[%squeeze3A_131, %dma_start3A_142] : memref<1000000x64xf32, #tpu.memory_space<hbm>> -> memref<1x64xf32, #tpu.memory_space<hbm>>
          tpu.enqueue_dma source(%dma_start3A_143 : memref<1x64xf32, #tpu.memory_space<hbm>>) target(%dma_start3A_141 : memref<1x64xf32, #tpu.memory_space<vmem>>) target_semaphore(%arg9 : memref<!tpu.dma_semaphore, #tpu.memory_space<semaphore_mem>>)
          %slice3A_144 = vector.extract_strided_slice %get3A_39 {offsets = [7], sizes = [1], strides = [1]} : vector<16xi32> to vector<1xi32>
          %squeeze3A_145 = vector.extract %slice3A_144[0] : i32 from vector<1xi32>
          %add3A_146 = arith.constant 0 : i32
          %add3A_147 = arith.addi %mul3A_34, %add3A_146 : i32
          %add3A_148 = arith.constant 7 : i32
          %add3A_149 = arith.addi %add3A_147, %add3A_148 : i32
          %dma_start3A_150 = arith.constant 0 : i32
          %dma_start3A_151 = tpu.memref_slice %arg8[%add3A_149, %dma_start3A_150] : memref<64x64xf32, #tpu.memory_space<vmem>> -> memref<1x64xf32, #tpu.memory_space<vmem>>
          %dma_start3A_152 = arith.constant 0 : i32
          %dma_start3A_153 = tpu.memref_slice %arg2[%squeeze3A_145, %dma_start3A_152] : memref<1000000x64xf32, #tpu.memory_space<hbm>> -> memref<1x64xf32, #tpu.memory_space<hbm>>
          %dma_start3A_154 = arith.constant 0 : i32
          %dma_start3A_155 = tpu.memref_slice %arg8[%add3A_149, %dma_start3A_154] : memref<64x64xf32, #tpu.memory_space<vmem>> -> memref<1x64xf32, #tpu.memory_space<vmem>>
          %dma_start3A_156 = arith.constant 0 : i32
          %dma_start3A_157 = tpu.memref_slice %arg2[%squeeze3A_145, %dma_start3A_156] : memref<1000000x64xf32, #tpu.memory_space<hbm>> -> memref<1x64xf32, #tpu.memory_space<hbm>>
          tpu.enqueue_dma source(%dma_start3A_157 : memref<1x64xf32, #tpu.memory_space<hbm>>) target(%dma_start3A_155 : memref<1x64xf32, #tpu.memory_space<vmem>>) target_semaphore(%arg9 : memref<!tpu.dma_semaphore, #tpu.memory_space<semaphore_mem>>)
          %slice3A_158 = vector.extract_strided_slice %get3A_39 {offsets = [8], sizes = [1], strides = [1]} : vector<16xi32> to vector<1xi32>
          %squeeze3A_159 = vector.extract %slice3A_158[0] : i32 from vector<1xi32>
          %add3A_160 = arith.constant 0 : i32
          %add3A_161 = arith.addi %mul3A_34, %add3A_160 : i32
          %add3A_162 = arith.constant 8 : i32
          %add3A_163 = arith.addi %add3A_161, %add3A_162 : i32
          %dma_start3A_164 = arith.constant 0 : i32
          %dma_start3A_165 = tpu.memref_slice %arg8[%add3A_163, %dma_start3A_164] : memref<64x64xf32, #tpu.memory_space<vmem>> -> memref<1x64xf32, #tpu.memory_space<vmem>>
          %dma_start3A_166 = arith.constant 0 : i32
          %dma_start3A_167 = tpu.memref_slice %arg2[%squeeze3A_159, %dma_start3A_166] : memref<1000000x64xf32, #tpu.memory_space<hbm>> -> memref<1x64xf32, #tpu.memory_space<hbm>>
          %dma_start3A_168 = arith.constant 0 : i32
          %dma_start3A_169 = tpu.memref_slice %arg8[%add3A_163, %dma_start3A_168] : memref<64x64xf32, #tpu.memory_space<vmem>> -> memref<1x64xf32, #tpu.memory_space<vmem>>
          %dma_start3A_170 = arith.constant 0 : i32
          %dma_start3A_171 = tpu.memref_slice %arg2[%squeeze3A_159, %dma_start3A_170] : memref<1000000x64xf32, #tpu.memory_space<hbm>> -> memref<1x64xf32, #tpu.memory_space<hbm>>
          tpu.enqueue_dma source(%dma_start3A_171 : memref<1x64xf32, #tpu.memory_space<hbm>>) target(%dma_start3A_169 : memref<1x64xf32, #tpu.memory_space<vmem>>) target_semaphore(%arg9 : memref<!tpu.dma_semaphore, #tpu.memory_space<semaphore_mem>>)
          %slice3A_172 = vector.extract_strided_slice %get3A_39 {offsets = [9], sizes = [1], strides = [1]} : vector<16xi32> to vector<1xi32>
          %squeeze3A_173 = vector.extract %slice3A_172[0] : i32 from vector<1xi32>
          %add3A_174 = arith.constant 0 : i32
          %add3A_175 = arith.addi %mul3A_34, %add3A_174 : i32
          %add3A_176 = arith.constant 9 : i32
          %add3A_177 = arith.addi %add3A_175, %add3A_176 : i32
          %dma_start3A_178 = arith.constant 0 : i32
          %dma_start3A_179 = tpu.memref_slice %arg8[%add3A_177, %dma_start3A_178] : memref<64x64xf32, #tpu.memory_space<vmem>> -> memref<1x64xf32, #tpu.memory_space<vmem>>
          %dma_start3A_180 = arith.constant 0 : i32
          %dma_start3A_181 = tpu.memref_slice %arg2[%squeeze3A_173, %dma_start3A_180] : memref<1000000x64xf32, #tpu.memory_space<hbm>> -> memref<1x64xf32, #tpu.memory_space<hbm>>
          %dma_start3A_182 = arith.constant 0 : i32
          %dma_start3A_183 = tpu.memref_slice %arg8[%add3A_177, %dma_start3A_182] : memref<64x64xf32, #tpu.memory_space<vmem>> -> memref<1x64xf32, #tpu.memory_space<vmem>>
          %dma_start3A_184 = arith.constant 0 : i32
          %dma_start3A_185 = tpu.memref_slice %arg2[%squeeze3A_173, %dma_start3A_184] : memref<1000000x64xf32, #tpu.memory_space<hbm>> -> memref<1x64xf32, #tpu.memory_space<hbm>>
          tpu.enqueue_dma source(%dma_start3A_185 : memref<1x64xf32, #tpu.memory_space<hbm>>) target(%dma_start3A_183 : memref<1x64xf32, #tpu.memory_space<vmem>>) target_semaphore(%arg9 : memref<!tpu.dma_semaphore, #tpu.memory_space<semaphore_mem>>)
          %slice3A_186 = vector.extract_strided_slice %get3A_39 {offsets = [10], sizes = [1], strides = [1]} : vector<16xi32> to vector<1xi32>
          %squeeze3A_187 = vector.extract %slice3A_186[0] : i32 from vector<1xi32>
          %add3A_188 = arith.constant 0 : i32
          %add3A_189 = arith.addi %mul3A_34, %add3A_188 : i32
          %add3A_190 = arith.constant 10 : i32
          %add3A_191 = arith.addi %add3A_189, %add3A_190 : i32
          %dma_start3A_192 = arith.constant 0 : i32
          %dma_start3A_193 = tpu.memref_slice %arg8[%add3A_191, %dma_start3A_192] : memref<64x64xf32, #tpu.memory_space<vmem>> -> memref<1x64xf32, #tpu.memory_space<vmem>>
          %dma_start3A_194 = arith.constant 0 : i32
          %dma_start3A_195 = tpu.memref_slice %arg2[%squeeze3A_187, %dma_start3A_194] : memref<1000000x64xf32, #tpu.memory_space<hbm>> -> memref<1x64xf32, #tpu.memory_space<hbm>>
          %dma_start3A_196 = arith.constant 0 : i32
          %dma_start3A_197 = tpu.memref_slice %arg8[%add3A_191, %dma_start3A_196] : memref<64x64xf32, #tpu.memory_space<vmem>> -> memref<1x64xf32, #tpu.memory_space<vmem>>
          %dma_start3A_198 = arith.constant 0 : i32
          %dma_start3A_199 = tpu.memref_slice %arg2[%squeeze3A_187, %dma_start3A_198] : memref<1000000x64xf32, #tpu.memory_space<hbm>> -> memref<1x64xf32, #tpu.memory_space<hbm>>
          tpu.enqueue_dma source(%dma_start3A_199 : memref<1x64xf32, #tpu.memory_space<hbm>>) target(%dma_start3A_197 : memref<1x64xf32, #tpu.memory_space<vmem>>) target_semaphore(%arg9 : memref<!tpu.dma_semaphore, #tpu.memory_space<semaphore_mem>>)
          %slice3A_200 = vector.extract_strided_slice %get3A_39 {offsets = [11], sizes = [1], strides = [1]} : vector<16xi32> to vector<1xi32>
          %squeeze3A_201 = vector.extract %slice3A_200[0] : i32 from vector<1xi32>
          %add3A_202 = arith.constant 0 : i32
          %add3A_203 = arith.addi %mul3A_34, %add3A_202 : i32
          %add3A_204 = arith.constant 11 : i32
          %add3A_205 = arith.addi %add3A_203, %add3A_204 : i32
          %dma_start3A_206 = arith.constant 0 : i32
          %dma_start3A_207 = tpu.memref_slice %arg8[%add3A_205, %dma_start3A_206] : memref<64x64xf32, #tpu.memory_space<vmem>> -> memref<1x64xf32, #tpu.memory_space<vmem>>
          %dma_start3A_208 = arith.constant 0 : i32
          %dma_start3A_209 = tpu.memref_slice %arg2[%squeeze3A_201, %dma_start3A_208] : memref<1000000x64xf32, #tpu.memory_space<hbm>> -> memref<1x64xf32, #tpu.memory_space<hbm>>
          %dma_start3A_210 = arith.constant 0 : i32
          %dma_start3A_211 = tpu.memref_slice %arg8[%add3A_205, %dma_start3A_210] : memref<64x64xf32, #tpu.memory_space<vmem>> -> memref<1x64xf32, #tpu.memory_space<vmem>>
          %dma_start3A_212 = arith.constant 0 : i32
          %dma_start3A_213 = tpu.memref_slice %arg2[%squeeze3A_201, %dma_start3A_212] : memref<1000000x64xf32, #tpu.memory_space<hbm>> -> memref<1x64xf32, #tpu.memory_space<hbm>>
          tpu.enqueue_dma source(%dma_start3A_213 : memref<1x64xf32, #tpu.memory_space<hbm>>) target(%dma_start3A_211 : memref<1x64xf32, #tpu.memory_space<vmem>>) target_semaphore(%arg9 : memref<!tpu.dma_semaphore, #tpu.memory_space<semaphore_mem>>)
          %slice3A_214 = vector.extract_strided_slice %get3A_39 {offsets = [12], sizes = [1], strides = [1]} : vector<16xi32> to vector<1xi32>
          %squeeze3A_215 = vector.extract %slice3A_214[0] : i32 from vector<1xi32>
          %add3A_216 = arith.constant 0 : i32
          %add3A_217 = arith.addi %mul3A_34, %add3A_216 : i32
          %add3A_218 = arith.constant 12 : i32
          %add3A_219 = arith.addi %add3A_217, %add3A_218 : i32
          %dma_start3A_220 = arith.constant 0 : i32
          %dma_start3A_221 = tpu.memref_slice %arg8[%add3A_219, %dma_start3A_220] : memref<64x64xf32, #tpu.memory_space<vmem>> -> memref<1x64xf32, #tpu.memory_space<vmem>>
          %dma_start3A_222 = arith.constant 0 : i32
          %dma_start3A_223 = tpu.memref_slice %arg2[%squeeze3A_215, %dma_start3A_222] : memref<1000000x64xf32, #tpu.memory_space<hbm>> -> memref<1x64xf32, #tpu.memory_space<hbm>>
          %dma_start3A_224 = arith.constant 0 : i32
          %dma_start3A_225 = tpu.memref_slice %arg8[%add3A_219, %dma_start3A_224] : memref<64x64xf32, #tpu.memory_space<vmem>> -> memref<1x64xf32, #tpu.memory_space<vmem>>
          %dma_start3A_226 = arith.constant 0 : i32
          %dma_start3A_227 = tpu.memref_slice %arg2[%squeeze3A_215, %dma_start3A_226] : memref<1000000x64xf32, #tpu.memory_space<hbm>> -> memref<1x64xf32, #tpu.memory_space<hbm>>
          tpu.enqueue_dma source(%dma_start3A_227 : memref<1x64xf32, #tpu.memory_space<hbm>>) target(%dma_start3A_225 : memref<1x64xf32, #tpu.memory_space<vmem>>) target_semaphore(%arg9 : memref<!tpu.dma_semaphore, #tpu.memory_space<semaphore_mem>>)
          %slice3A_228 = vector.extract_strided_slice %get3A_39 {offsets = [13], sizes = [1], strides = [1]} : vector<16xi32> to vector<1xi32>
          %squeeze3A_229 = vector.extract %slice3A_228[0] : i32 from vector<1xi32>
          %add3A_230 = arith.constant 0 : i32
          %add3A_231 = arith.addi %mul3A_34, %add3A_230 : i32
          %add3A_232 = arith.constant 13 : i32
          %add3A_233 = arith.addi %add3A_231, %add3A_232 : i32
          %dma_start3A_234 = arith.constant 0 : i32
          %dma_start3A_235 = tpu.memref_slice %arg8[%add3A_233, %dma_start3A_234] : memref<64x64xf32, #tpu.memory_space<vmem>> -> memref<1x64xf32, #tpu.memory_space<vmem>>
          %dma_start3A_236 = arith.constant 0 : i32
          %dma_start3A_237 = tpu.memref_slice %arg2[%squeeze3A_229, %dma_start3A_236] : memref<1000000x64xf32, #tpu.memory_space<hbm>> -> memref<1x64xf32, #tpu.memory_space<hbm>>
          %dma_start3A_238 = arith.constant 0 : i32
          %dma_start3A_239 = tpu.memref_slice %arg8[%add3A_233, %dma_start3A_238] : memref<64x64xf32, #tpu.memory_space<vmem>> -> memref<1x64xf32, #tpu.memory_space<vmem>>
          %dma_start3A_240 = arith.constant 0 : i32
          %dma_start3A_241 = tpu.memref_slice %arg2[%squeeze3A_229, %dma_start3A_240] : memref<1000000x64xf32, #tpu.memory_space<hbm>> -> memref<1x64xf32, #tpu.memory_space<hbm>>
          tpu.enqueue_dma source(%dma_start3A_241 : memref<1x64xf32, #tpu.memory_space<hbm>>) target(%dma_start3A_239 : memref<1x64xf32, #tpu.memory_space<vmem>>) target_semaphore(%arg9 : memref<!tpu.dma_semaphore, #tpu.memory_space<semaphore_mem>>)
          %slice3A_242 = vector.extract_strided_slice %get3A_39 {offsets = [14], sizes = [1], strides = [1]} : vector<16xi32> to vector<1xi32>
          %squeeze3A_243 = vector.extract %slice3A_242[0] : i32 from vector<1xi32>
          %add3A_244 = arith.constant 0 : i32
          %add3A_245 = arith.addi %mul3A_34, %add3A_244 : i32
          %add3A_246 = arith.constant 14 : i32
          %add3A_247 = arith.addi %add3A_245, %add3A_246 : i32
          %dma_start3A_248 = arith.constant 0 : i32
          %dma_start3A_249 = tpu.memref_slice %arg8[%add3A_247, %dma_start3A_248] : memref<64x64xf32, #tpu.memory_space<vmem>> -> memref<1x64xf32, #tpu.memory_space<vmem>>
          %dma_start3A_250 = arith.constant 0 : i32
          %dma_start3A_251 = tpu.memref_slice %arg2[%squeeze3A_243, %dma_start3A_250] : memref<1000000x64xf32, #tpu.memory_space<hbm>> -> memref<1x64xf32, #tpu.memory_space<hbm>>
          %dma_start3A_252 = arith.constant 0 : i32
          %dma_start3A_253 = tpu.memref_slice %arg8[%add3A_247, %dma_start3A_252] : memref<64x64xf32, #tpu.memory_space<vmem>> -> memref<1x64xf32, #tpu.memory_space<vmem>>
          %dma_start3A_254 = arith.constant 0 : i32
          %dma_start3A_255 = tpu.memref_slice %arg2[%squeeze3A_243, %dma_start3A_254] : memref<1000000x64xf32, #tpu.memory_space<hbm>> -> memref<1x64xf32, #tpu.memory_space<hbm>>
          tpu.enqueue_dma source(%dma_start3A_255 : memref<1x64xf32, #tpu.memory_space<hbm>>) target(%dma_start3A_253 : memref<1x64xf32, #tpu.memory_space<vmem>>) target_semaphore(%arg9 : memref<!tpu.dma_semaphore, #tpu.memory_space<semaphore_mem>>)
          %slice3A_256 = vector.extract_strided_slice %get3A_39 {offsets = [15], sizes = [1], strides = [1]} : vector<16xi32> to vector<1xi32>
          %squeeze3A_257 = vector.extract %slice3A_256[0] : i32 from vector<1xi32>
          %add3A_258 = arith.constant 0 : i32
          %add3A_259 = arith.addi %mul3A_34, %add3A_258 : i32
          %add3A_260 = arith.constant 15 : i32
          %add3A_261 = arith.addi %add3A_259, %add3A_260 : i32
          %dma_start3A_262 = arith.constant 0 : i32
          %dma_start3A_263 = tpu.memref_slice %arg8[%add3A_261, %dma_start3A_262] : memref<64x64xf32, #tpu.memory_space<vmem>> -> memref<1x64xf32, #tpu.memory_space<vmem>>
          %dma_start3A_264 = arith.constant 0 : i32
          %dma_start3A_265 = tpu.memref_slice %arg2[%squeeze3A_257, %dma_start3A_264] : memref<1000000x64xf32, #tpu.memory_space<hbm>> -> memref<1x64xf32, #tpu.memory_space<hbm>>
          %dma_start3A_266 = arith.constant 0 : i32
          %dma_start3A_267 = tpu.memref_slice %arg8[%add3A_261, %dma_start3A_266] : memref<64x64xf32, #tpu.memory_space<vmem>> -> memref<1x64xf32, #tpu.memory_space<vmem>>
          %dma_start3A_268 = arith.constant 0 : i32
          %dma_start3A_269 = tpu.memref_slice %arg2[%squeeze3A_257, %dma_start3A_268] : memref<1000000x64xf32, #tpu.memory_space<hbm>> -> memref<1x64xf32, #tpu.memory_space<hbm>>
          tpu.enqueue_dma source(%dma_start3A_269 : memref<1x64xf32, #tpu.memory_space<hbm>>) target(%dma_start3A_267 : memref<1x64xf32, #tpu.memory_space<vmem>>) target_semaphore(%arg9 : memref<!tpu.dma_semaphore, #tpu.memory_space<semaphore_mem>>)
          %slice3A_270 = vector.extract_strided_slice %get3A_47 {offsets = [0], sizes = [1], strides = [1]} : vector<16xi32> to vector<1xi32>
          %squeeze3A_271 = vector.extract %slice3A_270[0] : i32 from vector<1xi32>
          %add3A_272 = arith.constant 16 : i32
          %add3A_273 = arith.addi %mul3A_34, %add3A_272 : i32
          %add3A_274 = arith.constant 0 : i32
          %add3A_275 = arith.addi %add3A_273, %add3A_274 : i32
          %dma_start3A_276 = arith.constant 0 : i32
          %dma_start3A_277 = tpu.memref_slice %arg8[%add3A_275, %dma_start3A_276] : memref<64x64xf32, #tpu.memory_space<vmem>> -> memref<1x64xf32, #tpu.memory_space<vmem>>
          %dma_start3A_278 = arith.constant 0 : i32
          %dma_start3A_279 = tpu.memref_slice %arg2[%squeeze3A_271, %dma_start3A_278] : memref<1000000x64xf32, #tpu.memory_space<hbm>> -> memref<1x64xf32, #tpu.memory_space<hbm>>
          %dma_start3A_280 = arith.constant 0 : i32
          %dma_start3A_281 = tpu.memref_slice %arg8[%add3A_275, %dma_start3A_280] : memref<64x64xf32, #tpu.memory_space<vmem>> -> memref<1x64xf32, #tpu.memory_space<vmem>>
          %dma_start3A_282 = arith.constant 0 : i32
          %dma_start3A_283 = tpu.memref_slice %arg2[%squeeze3A_271, %dma_start3A_282] : memref<1000000x64xf32, #tpu.memory_space<hbm>> -> memref<1x64xf32, #tpu.memory_space<hbm>>
          tpu.enqueue_dma source(%dma_start3A_283 : memref<1x64xf32, #tpu.memory_space<hbm>>) target(%dma_start3A_281 : memref<1x64xf32, #tpu.memory_space<vmem>>) target_semaphore(%arg9 : memref<!tpu.dma_semaphore, #tpu.memory_space<semaphore_mem>>)
          %slice3A_284 = vector.extract_strided_slice %get3A_47 {offsets = [1], sizes = [1], strides = [1]} : vector<16xi32> to vector<1xi32>
          %squeeze3A_285 = vector.extract %slice3A_284[0] : i32 from vector<1xi32>
          %add3A_286 = arith.constant 16 : i32
          %add3A_287 = arith.addi %mul3A_34, %add3A_286 : i32
          %add3A_288 = arith.constant 1 : i32
          %add3A_289 = arith.addi %add3A_287, %add3A_288 : i32
          %dma_start3A_290 = arith.constant 0 : i32
          %dma_start3A_291 = tpu.memref_slice %arg8[%add3A_289, %dma_start3A_290] : memref<64x64xf32, #tpu.memory_space<vmem>> -> memref<1x64xf32, #tpu.memory_space<vmem>>
          %dma_start3A_292 = arith.constant 0 : i32
          %dma_start3A_293 = tpu.memref_slice %arg2[%squeeze3A_285, %dma_start3A_292] : memref<1000000x64xf32, #tpu.memory_space<hbm>> -> memref<1x64xf32, #tpu.memory_space<hbm>>
          %dma_start3A_294 = arith.constant 0 : i32
          %dma_start3A_295 = tpu.memref_slice %arg8[%add3A_289, %dma_start3A_294] : memref<64x64xf32, #tpu.memory_space<vmem>> -> memref<1x64xf32, #tpu.memory_space<vmem>>
          %dma_start3A_296 = arith.constant 0 : i32
          %dma_start3A_297 = tpu.memref_slice %arg2[%squeeze3A_285, %dma_start3A_296] : memref<1000000x64xf32, #tpu.memory_space<hbm>> -> memref<1x64xf32, #tpu.memory_space<hbm>>
          tpu.enqueue_dma source(%dma_start3A_297 : memref<1x64xf32, #tpu.memory_space<hbm>>) target(%dma_start3A_295 : memref<1x64xf32, #tpu.memory_space<vmem>>) target_semaphore(%arg9 : memref<!tpu.dma_semaphore, #tpu.memory_space<semaphore_mem>>)
          %slice3A_298 = vector.extract_strided_slice %get3A_47 {offsets = [2], sizes = [1], strides = [1]} : vector<16xi32> to vector<1xi32>
          %squeeze3A_299 = vector.extract %slice3A_298[0] : i32 from vector<1xi32>
          %add3A_300 = arith.constant 16 : i32
          %add3A_301 = arith.addi %mul3A_34, %add3A_300 : i32
          %add3A_302 = arith.constant 2 : i32
          %add3A_303 = arith.addi %add3A_301, %add3A_302 : i32
          %dma_start3A_304 = arith.constant 0 : i32
          %dma_start3A_305 = tpu.memref_slice %arg8[%add3A_303, %dma_start3A_304] : memref<64x64xf32, #tpu.memory_space<vmem>> -> memref<1x64xf32, #tpu.memory_space<vmem>>
          %dma_start3A_306 = arith.constant 0 : i32
          %dma_start3A_307 = tpu.memref_slice %arg2[%squeeze3A_299, %dma_start3A_306] : memref<1000000x64xf32, #tpu.memory_space<hbm>> -> memref<1x64xf32, #tpu.memory_space<hbm>>
          %dma_start3A_308 = arith.constant 0 : i32
          %dma_start3A_309 = tpu.memref_slice %arg8[%add3A_303, %dma_start3A_308] : memref<64x64xf32, #tpu.memory_space<vmem>> -> memref<1x64xf32, #tpu.memory_space<vmem>>
          %dma_start3A_310 = arith.constant 0 : i32
          %dma_start3A_311 = tpu.memref_slice %arg2[%squeeze3A_299, %dma_start3A_310] : memref<1000000x64xf32, #tpu.memory_space<hbm>> -> memref<1x64xf32, #tpu.memory_space<hbm>>
          tpu.enqueue_dma source(%dma_start3A_311 : memref<1x64xf32, #tpu.memory_space<hbm>>) target(%dma_start3A_309 : memref<1x64xf32, #tpu.memory_space<vmem>>) target_semaphore(%arg9 : memref<!tpu.dma_semaphore, #tpu.memory_space<semaphore_mem>>)
          %slice3A_312 = vector.extract_strided_slice %get3A_47 {offsets = [3], sizes = [1], strides = [1]} : vector<16xi32> to vector<1xi32>
          %squeeze3A_313 = vector.extract %slice3A_312[0] : i32 from vector<1xi32>
          %add3A_314 = arith.constant 16 : i32
          %add3A_315 = arith.addi %mul3A_34, %add3A_314 : i32
          %add3A_316 = arith.constant 3 : i32
          %add3A_317 = arith.addi %add3A_315, %add3A_316 : i32
          %dma_start3A_318 = arith.constant 0 : i32
          %dma_start3A_319 = tpu.memref_slice %arg8[%add3A_317, %dma_start3A_318] : memref<64x64xf32, #tpu.memory_space<vmem>> -> memref<1x64xf32, #tpu.memory_space<vmem>>
          %dma_start3A_320 = arith.constant 0 : i32
          %dma_start3A_321 = tpu.memref_slice %arg2[%squeeze3A_313, %dma_start3A_320] : memref<1000000x64xf32, #tpu.memory_space<hbm>> -> memref<1x64xf32, #tpu.memory_space<hbm>>
          %dma_start3A_322 = arith.constant 0 : i32
          %dma_start3A_323 = tpu.memref_slice %arg8[%add3A_317, %dma_start3A_322] : memref<64x64xf32, #tpu.memory_space<vmem>> -> memref<1x64xf32, #tpu.memory_space<vmem>>
          %dma_start3A_324 = arith.constant 0 : i32
          %dma_start3A_325 = tpu.memref_slice %arg2[%squeeze3A_313, %dma_start3A_324] : memref<1000000x64xf32, #tpu.memory_space<hbm>> -> memref<1x64xf32, #tpu.memory_space<hbm>>
          tpu.enqueue_dma source(%dma_start3A_325 : memref<1x64xf32, #tpu.memory_space<hbm>>) target(%dma_start3A_323 : memref<1x64xf32, #tpu.memory_space<vmem>>) target_semaphore(%arg9 : memref<!tpu.dma_semaphore, #tpu.memory_space<semaphore_mem>>)
          %slice3A_326 = vector.extract_strided_slice %get3A_47 {offsets = [4], sizes = [1], strides = [1]} : vector<16xi32> to vector<1xi32>
          %squeeze3A_327 = vector.extract %slice3A_326[0] : i32 from vector<1xi32>
          %add3A_328 = arith.constant 16 : i32
          %add3A_329 = arith.addi %mul3A_34, %add3A_328 : i32
          %add3A_330 = arith.constant 4 : i32
          %add3A_331 = arith.addi %add3A_329, %add3A_330 : i32
          %dma_start3A_332 = arith.constant 0 : i32
          %dma_start3A_333 = tpu.memref_slice %arg8[%add3A_331, %dma_start3A_332] : memref<64x64xf32, #tpu.memory_space<vmem>> -> memref<1x64xf32, #tpu.memory_space<vmem>>
          %dma_start3A_334 = arith.constant 0 : i32
          %dma_start3A_335 = tpu.memref_slice %arg2[%squeeze3A_327, %dma_start3A_334] : memref<1000000x64xf32, #tpu.memory_space<hbm>> -> memref<1x64xf32, #tpu.memory_space<hbm>>
          %dma_start3A_336 = arith.constant 0 : i32
          %dma_start3A_337 = tpu.memref_slice %arg8[%add3A_331, %dma_start3A_336] : memref<64x64xf32, #tpu.memory_space<vmem>> -> memref<1x64xf32, #tpu.memory_space<vmem>>
          %dma_start3A_338 = arith.constant 0 : i32
          %dma_start3A_339 = tpu.memref_slice %arg2[%squeeze3A_327, %dma_start3A_338] : memref<1000000x64xf32, #tpu.memory_space<hbm>> -> memref<1x64xf32, #tpu.memory_space<hbm>>
          tpu.enqueue_dma source(%dma_start3A_339 : memref<1x64xf32, #tpu.memory_space<hbm>>) target(%dma_start3A_337 : memref<1x64xf32, #tpu.memory_space<vmem>>) target_semaphore(%arg9 : memref<!tpu.dma_semaphore, #tpu.memory_space<semaphore_mem>>)
          %slice3A_340 = vector.extract_strided_slice %get3A_47 {offsets = [5], sizes = [1], strides = [1]} : vector<16xi32> to vector<1xi32>
          %squeeze3A_341 = vector.extract %slice3A_340[0] : i32 from vector<1xi32>
          %add3A_342 = arith.constant 16 : i32
          %add3A_343 = arith.addi %mul3A_34, %add3A_342 : i32
          %add3A_344 = arith.constant 5 : i32
          %add3A_345 = arith.addi %add3A_343, %add3A_344 : i32
          %dma_start3A_346 = arith.constant 0 : i32
          %dma_start3A_347 = tpu.memref_slice %arg8[%add3A_345, %dma_start3A_346] : memref<64x64xf32, #tpu.memory_space<vmem>> -> memref<1x64xf32, #tpu.memory_space<vmem>>
          %dma_start3A_348 = arith.constant 0 : i32
          %dma_start3A_349 = tpu.memref_slice %arg2[%squeeze3A_341, %dma_start3A_348] : memref<1000000x64xf32, #tpu.memory_space<hbm>> -> memref<1x64xf32, #tpu.memory_space<hbm>>
          %dma_start3A_350 = arith.constant 0 : i32
          %dma_start3A_351 = tpu.memref_slice %arg8[%add3A_345, %dma_start3A_350] : memref<64x64xf32, #tpu.memory_space<vmem>> -> memref<1x64xf32, #tpu.memory_space<vmem>>
          %dma_start3A_352 = arith.constant 0 : i32
          %dma_start3A_353 = tpu.memref_slice %arg2[%squeeze3A_341, %dma_start3A_352] : memref<1000000x64xf32, #tpu.memory_space<hbm>> -> memref<1x64xf32, #tpu.memory_space<hbm>>
          tpu.enqueue_dma source(%dma_start3A_353 : memref<1x64xf32, #tpu.memory_space<hbm>>) target(%dma_start3A_351 : memref<1x64xf32, #tpu.memory_space<vmem>>) target_semaphore(%arg9 : memref<!tpu.dma_semaphore, #tpu.memory_space<semaphore_mem>>)
          %slice3A_354 = vector.extract_strided_slice %get3A_47 {offsets = [6], sizes = [1], strides = [1]} : vector<16xi32> to vector<1xi32>
          %squeeze3A_355 = vector.extract %slice3A_354[0] : i32 from vector<1xi32>
          %add3A_356 = arith.constant 16 : i32
          %add3A_357 = arith.addi %mul3A_34, %add3A_356 : i32
          %add3A_358 = arith.constant 6 : i32
          %add3A_359 = arith.addi %add3A_357, %add3A_358 : i32
          %dma_start3A_360 = arith.constant 0 : i32
          %dma_start3A_361 = tpu.memref_slice %arg8[%add3A_359, %dma_start3A_360] : memref<64x64xf32, #tpu.memory_space<vmem>> -> memref<1x64xf32, #tpu.memory_space<vmem>>
          %dma_start3A_362 = arith.constant 0 : i32
          %dma_start3A_363 = tpu.memref_slice %arg2[%squeeze3A_355, %dma_start3A_362] : memref<1000000x64xf32, #tpu.memory_space<hbm>> -> memref<1x64xf32, #tpu.memory_space<hbm>>
          %dma_start3A_364 = arith.constant 0 : i32
          %dma_start3A_365 = tpu.memref_slice %arg8[%add3A_359, %dma_start3A_364] : memref<64x64xf32, #tpu.memory_space<vmem>> -> memref<1x64xf32, #tpu.memory_space<vmem>>
          %dma_start3A_366 = arith.constant 0 : i32
          %dma_start3A_367 = tpu.memref_slice %arg2[%squeeze3A_355, %dma_start3A_366] : memref<1000000x64xf32, #tpu.memory_space<hbm>> -> memref<1x64xf32, #tpu.memory_space<hbm>>
          tpu.enqueue_dma source(%dma_start3A_367 : memref<1x64xf32, #tpu.memory_space<hbm>>) target(%dma_start3A_365 : memref<1x64xf32, #tpu.memory_space<vmem>>) target_semaphore(%arg9 : memref<!tpu.dma_semaphore, #tpu.memory_space<semaphore_mem>>)
          %slice3A_368 = vector.extract_strided_slice %get3A_47 {offsets = [7], sizes = [1], strides = [1]} : vector<16xi32> to vector<1xi32>
          %squeeze3A_369 = vector.extract %slice3A_368[0] : i32 from vector<1xi32>
          %add3A_370 = arith.constant 16 : i32
          %add3A_371 = arith.addi %mul3A_34, %add3A_370 : i32
          %add3A_372 = arith.constant 7 : i32
          %add3A_373 = arith.addi %add3A_371, %add3A_372 : i32
          %dma_start3A_374 = arith.constant 0 : i32
          %dma_start3A_375 = tpu.memref_slice %arg8[%add3A_373, %dma_start3A_374] : memref<64x64xf32, #tpu.memory_space<vmem>> -> memref<1x64xf32, #tpu.memory_space<vmem>>
          %dma_start3A_376 = arith.constant 0 : i32
          %dma_start3A_377 = tpu.memref_slice %arg2[%squeeze3A_369, %dma_start3A_376] : memref<1000000x64xf32, #tpu.memory_space<hbm>> -> memref<1x64xf32, #tpu.memory_space<hbm>>
          %dma_start3A_378 = arith.constant 0 : i32
          %dma_start3A_379 = tpu.memref_slice %arg8[%add3A_373, %dma_start3A_378] : memref<64x64xf32, #tpu.memory_space<vmem>> -> memref<1x64xf32, #tpu.memory_space<vmem>>
          %dma_start3A_380 = arith.constant 0 : i32
          %dma_start3A_381 = tpu.memref_slice %arg2[%squeeze3A_369, %dma_start3A_380] : memref<1000000x64xf32, #tpu.memory_space<hbm>> -> memref<1x64xf32, #tpu.memory_space<hbm>>
          tpu.enqueue_dma source(%dma_start3A_381 : memref<1x64xf32, #tpu.memory_space<hbm>>) target(%dma_start3A_379 : memref<1x64xf32, #tpu.memory_space<vmem>>) target_semaphore(%arg9 : memref<!tpu.dma_semaphore, #tpu.memory_space<semaphore_mem>>)
          %slice3A_382 = vector.extract_strided_slice %get3A_47 {offsets = [8], sizes = [1], strides = [1]} : vector<16xi32> to vector<1xi32>
          %squeeze3A_383 = vector.extract %slice3A_382[0] : i32 from vector<1xi32>
          %add3A_384 = arith.constant 16 : i32
          %add3A_385 = arith.addi %mul3A_34, %add3A_384 : i32
          %add3A_386 = arith.constant 8 : i32
          %add3A_387 = arith.addi %add3A_385, %add3A_386 : i32
          %dma_start3A_388 = arith.constant 0 : i32
          %dma_start3A_389 = tpu.memref_slice %arg8[%add3A_387, %dma_start3A_388] : memref<64x64xf32, #tpu.memory_space<vmem>> -> memref<1x64xf32, #tpu.memory_space<vmem>>
          %dma_start3A_390 = arith.constant 0 : i32
          %dma_start3A_391 = tpu.memref_slice %arg2[%squeeze3A_383, %dma_start3A_390] : memref<1000000x64xf32, #tpu.memory_space<hbm>> -> memref<1x64xf32, #tpu.memory_space<hbm>>
          %dma_start3A_392 = arith.constant 0 : i32
          %dma_start3A_393 = tpu.memref_slice %arg8[%add3A_387, %dma_start3A_392] : memref<64x64xf32, #tpu.memory_space<vmem>> -> memref<1x64xf32, #tpu.memory_space<vmem>>
          %dma_start3A_394 = arith.constant 0 : i32
          %dma_start3A_395 = tpu.memref_slice %arg2[%squeeze3A_383, %dma_start3A_394] : memref<1000000x64xf32, #tpu.memory_space<hbm>> -> memref<1x64xf32, #tpu.memory_space<hbm>>
          tpu.enqueue_dma source(%dma_start3A_395 : memref<1x64xf32, #tpu.memory_space<hbm>>) target(%dma_start3A_393 : memref<1x64xf32, #tpu.memory_space<vmem>>) target_semaphore(%arg9 : memref<!tpu.dma_semaphore, #tpu.memory_space<semaphore_mem>>)
          %slice3A_396 = vector.extract_strided_slice %get3A_47 {offsets = [9], sizes = [1], strides = [1]} : vector<16xi32> to vector<1xi32>
          %squeeze3A_397 = vector.extract %slice3A_396[0] : i32 from vector<1xi32>
          %add3A_398 = arith.constant 16 : i32
          %add3A_399 = arith.addi %mul3A_34, %add3A_398 : i32
          %add3A_400 = arith.constant 9 : i32
          %add3A_401 = arith.addi %add3A_399, %add3A_400 : i32
          %dma_start3A_402 = arith.constant 0 : i32
          %dma_start3A_403 = tpu.memref_slice %arg8[%add3A_401, %dma_start3A_402] : memref<64x64xf32, #tpu.memory_space<vmem>> -> memref<1x64xf32, #tpu.memory_space<vmem>>
          %dma_start3A_404 = arith.constant 0 : i32
          %dma_start3A_405 = tpu.memref_slice %arg2[%squeeze3A_397, %dma_start3A_404] : memref<1000000x64xf32, #tpu.memory_space<hbm>> -> memref<1x64xf32, #tpu.memory_space<hbm>>
          %dma_start3A_406 = arith.constant 0 : i32
          %dma_start3A_407 = tpu.memref_slice %arg8[%add3A_401, %dma_start3A_406] : memref<64x64xf32, #tpu.memory_space<vmem>> -> memref<1x64xf32, #tpu.memory_space<vmem>>
          %dma_start3A_408 = arith.constant 0 : i32
          %dma_start3A_409 = tpu.memref_slice %arg2[%squeeze3A_397, %dma_start3A_408] : memref<1000000x64xf32, #tpu.memory_space<hbm>> -> memref<1x64xf32, #tpu.memory_space<hbm>>
          tpu.enqueue_dma source(%dma_start3A_409 : memref<1x64xf32, #tpu.memory_space<hbm>>) target(%dma_start3A_407 : memref<1x64xf32, #tpu.memory_space<vmem>>) target_semaphore(%arg9 : memref<!tpu.dma_semaphore, #tpu.memory_space<semaphore_mem>>)
          %slice3A_410 = vector.extract_strided_slice %get3A_47 {offsets = [10], sizes = [1], strides = [1]} : vector<16xi32> to vector<1xi32>
          %squeeze3A_411 = vector.extract %slice3A_410[0] : i32 from vector<1xi32>
          %add3A_412 = arith.constant 16 : i32
          %add3A_413 = arith.addi %mul3A_34, %add3A_412 : i32
          %add3A_414 = arith.constant 10 : i32
          %add3A_415 = arith.addi %add3A_413, %add3A_414 : i32
          %dma_start3A_416 = arith.constant 0 : i32
          %dma_start3A_417 = tpu.memref_slice %arg8[%add3A_415, %dma_start3A_416] : memref<64x64xf32, #tpu.memory_space<vmem>> -> memref<1x64xf32, #tpu.memory_space<vmem>>
          %dma_start3A_418 = arith.constant 0 : i32
          %dma_start3A_419 = tpu.memref_slice %arg2[%squeeze3A_411, %dma_start3A_418] : memref<1000000x64xf32, #tpu.memory_space<hbm>> -> memref<1x64xf32, #tpu.memory_space<hbm>>
          %dma_start3A_420 = arith.constant 0 : i32
          %dma_start3A_421 = tpu.memref_slice %arg8[%add3A_415, %dma_start3A_420] : memref<64x64xf32, #tpu.memory_space<vmem>> -> memref<1x64xf32, #tpu.memory_space<vmem>>
          %dma_start3A_422 = arith.constant 0 : i32
          %dma_start3A_423 = tpu.memref_slice %arg2[%squeeze3A_411, %dma_start3A_422] : memref<1000000x64xf32, #tpu.memory_space<hbm>> -> memref<1x64xf32, #tpu.memory_space<hbm>>
          tpu.enqueue_dma source(%dma_start3A_423 : memref<1x64xf32, #tpu.memory_space<hbm>>) target(%dma_start3A_421 : memref<1x64xf32, #tpu.memory_space<vmem>>) target_semaphore(%arg9 : memref<!tpu.dma_semaphore, #tpu.memory_space<semaphore_mem>>)
          %slice3A_424 = vector.extract_strided_slice %get3A_47 {offsets = [11], sizes = [1], strides = [1]} : vector<16xi32> to vector<1xi32>
          %squeeze3A_425 = vector.extract %slice3A_424[0] : i32 from vector<1xi32>
          %add3A_426 = arith.constant 16 : i32
          %add3A_427 = arith.addi %mul3A_34, %add3A_426 : i32
          %add3A_428 = arith.constant 11 : i32
          %add3A_429 = arith.addi %add3A_427, %add3A_428 : i32
          %dma_start3A_430 = arith.constant 0 : i32
          %dma_start3A_431 = tpu.memref_slice %arg8[%add3A_429, %dma_start3A_430] : memref<64x64xf32, #tpu.memory_space<vmem>> -> memref<1x64xf32, #tpu.memory_space<vmem>>
          %dma_start3A_432 = arith.constant 0 : i32
          %dma_start3A_433 = tpu.memref_slice %arg2[%squeeze3A_425, %dma_start3A_432] : memref<1000000x64xf32, #tpu.memory_space<hbm>> -> memref<1x64xf32, #tpu.memory_space<hbm>>
          %dma_start3A_434 = arith.constant 0 : i32
          %dma_start3A_435 = tpu.memref_slice %arg8[%add3A_429, %dma_start3A_434] : memref<64x64xf32, #tpu.memory_space<vmem>> -> memref<1x64xf32, #tpu.memory_space<vmem>>
          %dma_start3A_436 = arith.constant 0 : i32
          %dma_start3A_437 = tpu.memref_slice %arg2[%squeeze3A_425, %dma_start3A_436] : memref<1000000x64xf32, #tpu.memory_space<hbm>> -> memref<1x64xf32, #tpu.memory_space<hbm>>
          tpu.enqueue_dma source(%dma_start3A_437 : memref<1x64xf32, #tpu.memory_space<hbm>>) target(%dma_start3A_435 : memref<1x64xf32, #tpu.memory_space<vmem>>) target_semaphore(%arg9 : memref<!tpu.dma_semaphore, #tpu.memory_space<semaphore_mem>>)
          %slice3A_438 = vector.extract_strided_slice %get3A_47 {offsets = [12], sizes = [1], strides = [1]} : vector<16xi32> to vector<1xi32>
          %squeeze3A_439 = vector.extract %slice3A_438[0] : i32 from vector<1xi32>
          %add3A_440 = arith.constant 16 : i32
          %add3A_441 = arith.addi %mul3A_34, %add3A_440 : i32
          %add3A_442 = arith.constant 12 : i32
          %add3A_443 = arith.addi %add3A_441, %add3A_442 : i32
          %dma_start3A_444 = arith.constant 0 : i32
          %dma_start3A_445 = tpu.memref_slice %arg8[%add3A_443, %dma_start3A_444] : memref<64x64xf32, #tpu.memory_space<vmem>> -> memref<1x64xf32, #tpu.memory_space<vmem>>
          %dma_start3A_446 = arith.constant 0 : i32
          %dma_start3A_447 = tpu.memref_slice %arg2[%squeeze3A_439, %dma_start3A_446] : memref<1000000x64xf32, #tpu.memory_space<hbm>> -> memref<1x64xf32, #tpu.memory_space<hbm>>
          %dma_start3A_448 = arith.constant 0 : i32
          %dma_start3A_449 = tpu.memref_slice %arg8[%add3A_443, %dma_start3A_448] : memref<64x64xf32, #tpu.memory_space<vmem>> -> memref<1x64xf32, #tpu.memory_space<vmem>>
          %dma_start3A_450 = arith.constant 0 : i32
          %dma_start3A_451 = tpu.memref_slice %arg2[%squeeze3A_439, %dma_start3A_450] : memref<1000000x64xf32, #tpu.memory_space<hbm>> -> memref<1x64xf32, #tpu.memory_space<hbm>>
          tpu.enqueue_dma source(%dma_start3A_451 : memref<1x64xf32, #tpu.memory_space<hbm>>) target(%dma_start3A_449 : memref<1x64xf32, #tpu.memory_space<vmem>>) target_semaphore(%arg9 : memref<!tpu.dma_semaphore, #tpu.memory_space<semaphore_mem>>)
          %slice3A_452 = vector.extract_strided_slice %get3A_47 {offsets = [13], sizes = [1], strides = [1]} : vector<16xi32> to vector<1xi32>
          %squeeze3A_453 = vector.extract %slice3A_452[0] : i32 from vector<1xi32>
          %add3A_454 = arith.constant 16 : i32
          %add3A_455 = arith.addi %mul3A_34, %add3A_454 : i32
          %add3A_456 = arith.constant 13 : i32
          %add3A_457 = arith.addi %add3A_455, %add3A_456 : i32
          %dma_start3A_458 = arith.constant 0 : i32
          %dma_start3A_459 = tpu.memref_slice %arg8[%add3A_457, %dma_start3A_458] : memref<64x64xf32, #tpu.memory_space<vmem>> -> memref<1x64xf32, #tpu.memory_space<vmem>>
          %dma_start3A_460 = arith.constant 0 : i32
          %dma_start3A_461 = tpu.memref_slice %arg2[%squeeze3A_453, %dma_start3A_460] : memref<1000000x64xf32, #tpu.memory_space<hbm>> -> memref<1x64xf32, #tpu.memory_space<hbm>>
          %dma_start3A_462 = arith.constant 0 : i32
          %dma_start3A_463 = tpu.memref_slice %arg8[%add3A_457, %dma_start3A_462] : memref<64x64xf32, #tpu.memory_space<vmem>> -> memref<1x64xf32, #tpu.memory_space<vmem>>
          %dma_start3A_464 = arith.constant 0 : i32
          %dma_start3A_465 = tpu.memref_slice %arg2[%squeeze3A_453, %dma_start3A_464] : memref<1000000x64xf32, #tpu.memory_space<hbm>> -> memref<1x64xf32, #tpu.memory_space<hbm>>
          tpu.enqueue_dma source(%dma_start3A_465 : memref<1x64xf32, #tpu.memory_space<hbm>>) target(%dma_start3A_463 : memref<1x64xf32, #tpu.memory_space<vmem>>) target_semaphore(%arg9 : memref<!tpu.dma_semaphore, #tpu.memory_space<semaphore_mem>>)
          %slice3A_466 = vector.extract_strided_slice %get3A_47 {offsets = [14], sizes = [1], strides = [1]} : vector<16xi32> to vector<1xi32>
          %squeeze3A_467 = vector.extract %slice3A_466[0] : i32 from vector<1xi32>
          %add3A_468 = arith.constant 16 : i32
          %add3A_469 = arith.addi %mul3A_34, %add3A_468 : i32
          %add3A_470 = arith.constant 14 : i32
          %add3A_471 = arith.addi %add3A_469, %add3A_470 : i32
          %dma_start3A_472 = arith.constant 0 : i32
          %dma_start3A_473 = tpu.memref_slice %arg8[%add3A_471, %dma_start3A_472] : memref<64x64xf32, #tpu.memory_space<vmem>> -> memref<1x64xf32, #tpu.memory_space<vmem>>
          %dma_start3A_474 = arith.constant 0 : i32
          %dma_start3A_475 = tpu.memref_slice %arg2[%squeeze3A_467, %dma_start3A_474] : memref<1000000x64xf32, #tpu.memory_space<hbm>> -> memref<1x64xf32, #tpu.memory_space<hbm>>
          %dma_start3A_476 = arith.constant 0 : i32
          %dma_start3A_477 = tpu.memref_slice %arg8[%add3A_471, %dma_start3A_476] : memref<64x64xf32, #tpu.memory_space<vmem>> -> memref<1x64xf32, #tpu.memory_space<vmem>>
          %dma_start3A_478 = arith.constant 0 : i32
          %dma_start3A_479 = tpu.memref_slice %arg2[%squeeze3A_467, %dma_start3A_478] : memref<1000000x64xf32, #tpu.memory_space<hbm>> -> memref<1x64xf32, #tpu.memory_space<hbm>>
          tpu.enqueue_dma source(%dma_start3A_479 : memref<1x64xf32, #tpu.memory_space<hbm>>) target(%dma_start3A_477 : memref<1x64xf32, #tpu.memory_space<vmem>>) target_semaphore(%arg9 : memref<!tpu.dma_semaphore, #tpu.memory_space<semaphore_mem>>)
          %slice3A_480 = vector.extract_strided_slice %get3A_47 {offsets = [15], sizes = [1], strides = [1]} : vector<16xi32> to vector<1xi32>
          %squeeze3A_481 = vector.extract %slice3A_480[0] : i32 from vector<1xi32>
          %add3A_482 = arith.constant 16 : i32
          %add3A_483 = arith.addi %mul3A_34, %add3A_482 : i32
          %add3A_484 = arith.constant 15 : i32
          %add3A_485 = arith.addi %add3A_483, %add3A_484 : i32
          %dma_start3A_486 = arith.constant 0 : i32
          %dma_start3A_487 = tpu.memref_slice %arg8[%add3A_485, %dma_start3A_486] : memref<64x64xf32, #tpu.memory_space<vmem>> -> memref<1x64xf32, #tpu.memory_space<vmem>>
          %dma_start3A_488 = arith.constant 0 : i32
          %dma_start3A_489 = tpu.memref_slice %arg2[%squeeze3A_481, %dma_start3A_488] : memref<1000000x64xf32, #tpu.memory_space<hbm>> -> memref<1x64xf32, #tpu.memory_space<hbm>>
          %dma_start3A_490 = arith.constant 0 : i32
          %dma_start3A_491 = tpu.memref_slice %arg8[%add3A_485, %dma_start3A_490] : memref<64x64xf32, #tpu.memory_space<vmem>> -> memref<1x64xf32, #tpu.memory_space<vmem>>
          %dma_start3A_492 = arith.constant 0 : i32
          %dma_start3A_493 = tpu.memref_slice %arg2[%squeeze3A_481, %dma_start3A_492] : memref<1000000x64xf32, #tpu.memory_space<hbm>> -> memref<1x64xf32, #tpu.memory_space<hbm>>
          tpu.enqueue_dma source(%dma_start3A_493 : memref<1x64xf32, #tpu.memory_space<hbm>>) target(%dma_start3A_491 : memref<1x64xf32, #tpu.memory_space<vmem>>) target_semaphore(%arg9 : memref<!tpu.dma_semaphore, #tpu.memory_space<semaphore_mem>>)
          %dma_wait3A_494 = arith.constant 0 : i32
          %dma_wait3A_495 = tpu.memref_slice %arg8[%add3A_51, %dma_wait3A_494] : memref<64x64xf32, #tpu.memory_space<vmem>> -> memref<1x64xf32, #tpu.memory_space<vmem>>
          %dma_wait3A_496 = arith.constant 0 : i32
          %dma_wait3A_497 = tpu.memref_slice %arg2[%squeeze3A, %dma_wait3A_496] : memref<1000000x64xf32, #tpu.memory_space<hbm>> -> memref<1x64xf32, #tpu.memory_space<hbm>>
          %dma_wait3A_498 = arith.constant 0 : i32
          %dma_wait3A_499 = tpu.memref_slice %arg8[%add3A_51, %dma_wait3A_498] : memref<64x64xf32, #tpu.memory_space<vmem>> -> memref<1x64xf32, #tpu.memory_space<vmem>>
          %dma_wait3A_500 = arith.constant 0 : i32
          %dma_wait3A_501 = tpu.memref_slice %arg2[%squeeze3A, %dma_wait3A_500] : memref<1000000x64xf32, #tpu.memory_space<hbm>> -> memref<1x64xf32, #tpu.memory_space<hbm>>
          tpu.wait_dma2 semaphore(%arg9 : memref<!tpu.dma_semaphore, #tpu.memory_space<semaphore_mem>>) src(%dma_wait3A_501 : memref<1x64xf32, #tpu.memory_space<hbm>>) dst(%dma_wait3A_499 : memref<1x64xf32, #tpu.memory_space<vmem>>)
          %dma_wait3A_502 = arith.constant 0 : i32
          %dma_wait3A_503 = tpu.memref_slice %arg8[%add3A_65, %dma_wait3A_502] : memref<64x64xf32, #tpu.memory_space<vmem>> -> memref<1x64xf32, #tpu.memory_space<vmem>>
          %dma_wait3A_504 = arith.constant 0 : i32
          %dma_wait3A_505 = tpu.memref_slice %arg2[%squeeze3A_61, %dma_wait3A_504] : memref<1000000x64xf32, #tpu.memory_space<hbm>> -> memref<1x64xf32, #tpu.memory_space<hbm>>
          %dma_wait3A_506 = arith.constant 0 : i32
          %dma_wait3A_507 = tpu.memref_slice %arg8[%add3A_65, %dma_wait3A_506] : memref<64x64xf32, #tpu.memory_space<vmem>> -> memref<1x64xf32, #tpu.memory_space<vmem>>
          %dma_wait3A_508 = arith.constant 0 : i32
          %dma_wait3A_509 = tpu.memref_slice %arg2[%squeeze3A_61, %dma_wait3A_508] : memref<1000000x64xf32, #tpu.memory_space<hbm>> -> memref<1x64xf32, #tpu.memory_space<hbm>>
          tpu.wait_dma2 semaphore(%arg9 : memref<!tpu.dma_semaphore, #tpu.memory_space<semaphore_mem>>) src(%dma_wait3A_509 : memref<1x64xf32, #tpu.memory_space<hbm>>) dst(%dma_wait3A_507 : memref<1x64xf32, #tpu.memory_space<vmem>>)
          %dma_wait3A_510 = arith.constant 0 : i32
          %dma_wait3A_511 = tpu.memref_slice %arg8[%add3A_79, %dma_wait3A_510] : memref<64x64xf32, #tpu.memory_space<vmem>> -> memref<1x64xf32, #tpu.memory_space<vmem>>
          %dma_wait3A_512 = arith.constant 0 : i32
          %dma_wait3A_513 = tpu.memref_slice %arg2[%squeeze3A_75, %dma_wait3A_512] : memref<1000000x64xf32, #tpu.memory_space<hbm>> -> memref<1x64xf32, #tpu.memory_space<hbm>>
          %dma_wait3A_514 = arith.constant 0 : i32
          %dma_wait3A_515 = tpu.memref_slice %arg8[%add3A_79, %dma_wait3A_514] : memref<64x64xf32, #tpu.memory_space<vmem>> -> memref<1x64xf32, #tpu.memory_space<vmem>>
          %dma_wait3A_516 = arith.constant 0 : i32
          %dma_wait3A_517 = tpu.memref_slice %arg2[%squeeze3A_75, %dma_wait3A_516] : memref<1000000x64xf32, #tpu.memory_space<hbm>> -> memref<1x64xf32, #tpu.memory_space<hbm>>
          tpu.wait_dma2 semaphore(%arg9 : memref<!tpu.dma_semaphore, #tpu.memory_space<semaphore_mem>>) src(%dma_wait3A_517 : memref<1x64xf32, #tpu.memory_space<hbm>>) dst(%dma_wait3A_515 : memref<1x64xf32, #tpu.memory_space<vmem>>)
          %dma_wait3A_518 = arith.constant 0 : i32
          %dma_wait3A_519 = tpu.memref_slice %arg8[%add3A_93, %dma_wait3A_518] : memref<64x64xf32, #tpu.memory_space<vmem>> -> memref<1x64xf32, #tpu.memory_space<vmem>>
          %dma_wait3A_520 = arith.constant 0 : i32
          %dma_wait3A_521 = tpu.memref_slice %arg2[%squeeze3A_89, %dma_wait3A_520] : memref<1000000x64xf32, #tpu.memory_space<hbm>> -> memref<1x64xf32, #tpu.memory_space<hbm>>
          %dma_wait3A_522 = arith.constant 0 : i32
          %dma_wait3A_523 = tpu.memref_slice %arg8[%add3A_93, %dma_wait3A_522] : memref<64x64xf32, #tpu.memory_space<vmem>> -> memref<1x64xf32, #tpu.memory_space<vmem>>
          %dma_wait3A_524 = arith.constant 0 : i32
          %dma_wait3A_525 = tpu.memref_slice %arg2[%squeeze3A_89, %dma_wait3A_524] : memref<1000000x64xf32, #tpu.memory_space<hbm>> -> memref<1x64xf32, #tpu.memory_space<hbm>>
          tpu.wait_dma2 semaphore(%arg9 : memref<!tpu.dma_semaphore, #tpu.memory_space<semaphore_mem>>) src(%dma_wait3A_525 : memref<1x64xf32, #tpu.memory_space<hbm>>) dst(%dma_wait3A_523 : memref<1x64xf32, #tpu.memory_space<vmem>>)
          %dma_wait3A_526 = arith.constant 0 : i32
          %dma_wait3A_527 = tpu.memref_slice %arg8[%add3A_107, %dma_wait3A_526] : memref<64x64xf32, #tpu.memory_space<vmem>> -> memref<1x64xf32, #tpu.memory_space<vmem>>
          %dma_wait3A_528 = arith.constant 0 : i32
          %dma_wait3A_529 = tpu.memref_slice %arg2[%squeeze3A_103, %dma_wait3A_528] : memref<1000000x64xf32, #tpu.memory_space<hbm>> -> memref<1x64xf32, #tpu.memory_space<hbm>>
          %dma_wait3A_530 = arith.constant 0 : i32
          %dma_wait3A_531 = tpu.memref_slice %arg8[%add3A_107, %dma_wait3A_530] : memref<64x64xf32, #tpu.memory_space<vmem>> -> memref<1x64xf32, #tpu.memory_space<vmem>>
          %dma_wait3A_532 = arith.constant 0 : i32
          %dma_wait3A_533 = tpu.memref_slice %arg2[%squeeze3A_103, %dma_wait3A_532] : memref<1000000x64xf32, #tpu.memory_space<hbm>> -> memref<1x64xf32, #tpu.memory_space<hbm>>
          tpu.wait_dma2 semaphore(%arg9 : memref<!tpu.dma_semaphore, #tpu.memory_space<semaphore_mem>>) src(%dma_wait3A_533 : memref<1x64xf32, #tpu.memory_space<hbm>>) dst(%dma_wait3A_531 : memref<1x64xf32, #tpu.memory_space<vmem>>)
          %dma_wait3A_534 = arith.constant 0 : i32
          %dma_wait3A_535 = tpu.memref_slice %arg8[%add3A_121, %dma_wait3A_534] : memref<64x64xf32, #tpu.memory_space<vmem>> -> memref<1x64xf32, #tpu.memory_space<vmem>>
          %dma_wait3A_536 = arith.constant 0 : i32
          %dma_wait3A_537 = tpu.memref_slice %arg2[%squeeze3A_117, %dma_wait3A_536] : memref<1000000x64xf32, #tpu.memory_space<hbm>> -> memref<1x64xf32, #tpu.memory_space<hbm>>
          %dma_wait3A_538 = arith.constant 0 : i32
          %dma_wait3A_539 = tpu.memref_slice %arg8[%add3A_121, %dma_wait3A_538] : memref<64x64xf32, #tpu.memory_space<vmem>> -> memref<1x64xf32, #tpu.memory_space<vmem>>
          %dma_wait3A_540 = arith.constant 0 : i32
          %dma_wait3A_541 = tpu.memref_slice %arg2[%squeeze3A_117, %dma_wait3A_540] : memref<1000000x64xf32, #tpu.memory_space<hbm>> -> memref<1x64xf32, #tpu.memory_space<hbm>>
          tpu.wait_dma2 semaphore(%arg9 : memref<!tpu.dma_semaphore, #tpu.memory_space<semaphore_mem>>) src(%dma_wait3A_541 : memref<1x64xf32, #tpu.memory_space<hbm>>) dst(%dma_wait3A_539 : memref<1x64xf32, #tpu.memory_space<vmem>>)
          %dma_wait3A_542 = arith.constant 0 : i32
          %dma_wait3A_543 = tpu.memref_slice %arg8[%add3A_135, %dma_wait3A_542] : memref<64x64xf32, #tpu.memory_space<vmem>> -> memref<1x64xf32, #tpu.memory_space<vmem>>
          %dma_wait3A_544 = arith.constant 0 : i32
          %dma_wait3A_545 = tpu.memref_slice %arg2[%squeeze3A_131, %dma_wait3A_544] : memref<1000000x64xf32, #tpu.memory_space<hbm>> -> memref<1x64xf32, #tpu.memory_space<hbm>>
          %dma_wait3A_546 = arith.constant 0 : i32
          %dma_wait3A_547 = tpu.memref_slice %arg8[%add3A_135, %dma_wait3A_546] : memref<64x64xf32, #tpu.memory_space<vmem>> -> memref<1x64xf32, #tpu.memory_space<vmem>>
          %dma_wait3A_548 = arith.constant 0 : i32
          %dma_wait3A_549 = tpu.memref_slice %arg2[%squeeze3A_131, %dma_wait3A_548] : memref<1000000x64xf32, #tpu.memory_space<hbm>> -> memref<1x64xf32, #tpu.memory_space<hbm>>
          tpu.wait_dma2 semaphore(%arg9 : memref<!tpu.dma_semaphore, #tpu.memory_space<semaphore_mem>>) src(%dma_wait3A_549 : memref<1x64xf32, #tpu.memory_space<hbm>>) dst(%dma_wait3A_547 : memref<1x64xf32, #tpu.memory_space<vmem>>)
          %dma_wait3A_550 = arith.constant 0 : i32
          %dma_wait3A_551 = tpu.memref_slice %arg8[%add3A_149, %dma_wait3A_550] : memref<64x64xf32, #tpu.memory_space<vmem>> -> memref<1x64xf32, #tpu.memory_space<vmem>>
          %dma_wait3A_552 = arith.constant 0 : i32
          %dma_wait3A_553 = tpu.memref_slice %arg2[%squeeze3A_145, %dma_wait3A_552] : memref<1000000x64xf32, #tpu.memory_space<hbm>> -> memref<1x64xf32, #tpu.memory_space<hbm>>
          %dma_wait3A_554 = arith.constant 0 : i32
          %dma_wait3A_555 = tpu.memref_slice %arg8[%add3A_149, %dma_wait3A_554] : memref<64x64xf32, #tpu.memory_space<vmem>> -> memref<1x64xf32, #tpu.memory_space<vmem>>
          %dma_wait3A_556 = arith.constant 0 : i32
          %dma_wait3A_557 = tpu.memref_slice %arg2[%squeeze3A_145, %dma_wait3A_556] : memref<1000000x64xf32, #tpu.memory_space<hbm>> -> memref<1x64xf32, #tpu.memory_space<hbm>>
          tpu.wait_dma2 semaphore(%arg9 : memref<!tpu.dma_semaphore, #tpu.memory_space<semaphore_mem>>) src(%dma_wait3A_557 : memref<1x64xf32, #tpu.memory_space<hbm>>) dst(%dma_wait3A_555 : memref<1x64xf32, #tpu.memory_space<vmem>>)
          %dma_wait3A_558 = arith.constant 0 : i32
          %dma_wait3A_559 = tpu.memref_slice %arg8[%add3A_163, %dma_wait3A_558] : memref<64x64xf32, #tpu.memory_space<vmem>> -> memref<1x64xf32, #tpu.memory_space<vmem>>
          %dma_wait3A_560 = arith.constant 0 : i32
          %dma_wait3A_561 = tpu.memref_slice %arg2[%squeeze3A_159, %dma_wait3A_560] : memref<1000000x64xf32, #tpu.memory_space<hbm>> -> memref<1x64xf32, #tpu.memory_space<hbm>>
          %dma_wait3A_562 = arith.constant 0 : i32
          %dma_wait3A_563 = tpu.memref_slice %arg8[%add3A_163, %dma_wait3A_562] : memref<64x64xf32, #tpu.memory_space<vmem>> -> memref<1x64xf32, #tpu.memory_space<vmem>>
          %dma_wait3A_564 = arith.constant 0 : i32
          %dma_wait3A_565 = tpu.memref_slice %arg2[%squeeze3A_159, %dma_wait3A_564] : memref<1000000x64xf32, #tpu.memory_space<hbm>> -> memref<1x64xf32, #tpu.memory_space<hbm>>
          tpu.wait_dma2 semaphore(%arg9 : memref<!tpu.dma_semaphore, #tpu.memory_space<semaphore_mem>>) src(%dma_wait3A_565 : memref<1x64xf32, #tpu.memory_space<hbm>>) dst(%dma_wait3A_563 : memref<1x64xf32, #tpu.memory_space<vmem>>)
          %dma_wait3A_566 = arith.constant 0 : i32
          %dma_wait3A_567 = tpu.memref_slice %arg8[%add3A_177, %dma_wait3A_566] : memref<64x64xf32, #tpu.memory_space<vmem>> -> memref<1x64xf32, #tpu.memory_space<vmem>>
          %dma_wait3A_568 = arith.constant 0 : i32
          %dma_wait3A_569 = tpu.memref_slice %arg2[%squeeze3A_173, %dma_wait3A_568] : memref<1000000x64xf32, #tpu.memory_space<hbm>> -> memref<1x64xf32, #tpu.memory_space<hbm>>
          %dma_wait3A_570 = arith.constant 0 : i32
          %dma_wait3A_571 = tpu.memref_slice %arg8[%add3A_177, %dma_wait3A_570] : memref<64x64xf32, #tpu.memory_space<vmem>> -> memref<1x64xf32, #tpu.memory_space<vmem>>
          %dma_wait3A_572 = arith.constant 0 : i32
          %dma_wait3A_573 = tpu.memref_slice %arg2[%squeeze3A_173, %dma_wait3A_572] : memref<1000000x64xf32, #tpu.memory_space<hbm>> -> memref<1x64xf32, #tpu.memory_space<hbm>>
          tpu.wait_dma2 semaphore(%arg9 : memref<!tpu.dma_semaphore, #tpu.memory_space<semaphore_mem>>) src(%dma_wait3A_573 : memref<1x64xf32, #tpu.memory_space<hbm>>) dst(%dma_wait3A_571 : memref<1x64xf32, #tpu.memory_space<vmem>>)
          %dma_wait3A_574 = arith.constant 0 : i32
          %dma_wait3A_575 = tpu.memref_slice %arg8[%add3A_191, %dma_wait3A_574] : memref<64x64xf32, #tpu.memory_space<vmem>> -> memref<1x64xf32, #tpu.memory_space<vmem>>
          %dma_wait3A_576 = arith.constant 0 : i32
          %dma_wait3A_577 = tpu.memref_slice %arg2[%squeeze3A_187, %dma_wait3A_576] : memref<1000000x64xf32, #tpu.memory_space<hbm>> -> memref<1x64xf32, #tpu.memory_space<hbm>>
          %dma_wait3A_578 = arith.constant 0 : i32
          %dma_wait3A_579 = tpu.memref_slice %arg8[%add3A_191, %dma_wait3A_578] : memref<64x64xf32, #tpu.memory_space<vmem>> -> memref<1x64xf32, #tpu.memory_space<vmem>>
          %dma_wait3A_580 = arith.constant 0 : i32
          %dma_wait3A_581 = tpu.memref_slice %arg2[%squeeze3A_187, %dma_wait3A_580] : memref<1000000x64xf32, #tpu.memory_space<hbm>> -> memref<1x64xf32, #tpu.memory_space<hbm>>
          tpu.wait_dma2 semaphore(%arg9 : memref<!tpu.dma_semaphore, #tpu.memory_space<semaphore_mem>>) src(%dma_wait3A_581 : memref<1x64xf32, #tpu.memory_space<hbm>>) dst(%dma_wait3A_579 : memref<1x64xf32, #tpu.memory_space<vmem>>)
          %dma_wait3A_582 = arith.constant 0 : i32
          %dma_wait3A_583 = tpu.memref_slice %arg8[%add3A_205, %dma_wait3A_582] : memref<64x64xf32, #tpu.memory_space<vmem>> -> memref<1x64xf32, #tpu.memory_space<vmem>>
          %dma_wait3A_584 = arith.constant 0 : i32
          %dma_wait3A_585 = tpu.memref_slice %arg2[%squeeze3A_201, %dma_wait3A_584] : memref<1000000x64xf32, #tpu.memory_space<hbm>> -> memref<1x64xf32, #tpu.memory_space<hbm>>
          %dma_wait3A_586 = arith.constant 0 : i32
          %dma_wait3A_587 = tpu.memref_slice %arg8[%add3A_205, %dma_wait3A_586] : memref<64x64xf32, #tpu.memory_space<vmem>> -> memref<1x64xf32, #tpu.memory_space<vmem>>
          %dma_wait3A_588 = arith.constant 0 : i32
          %dma_wait3A_589 = tpu.memref_slice %arg2[%squeeze3A_201, %dma_wait3A_588] : memref<1000000x64xf32, #tpu.memory_space<hbm>> -> memref<1x64xf32, #tpu.memory_space<hbm>>
          tpu.wait_dma2 semaphore(%arg9 : memref<!tpu.dma_semaphore, #tpu.memory_space<semaphore_mem>>) src(%dma_wait3A_589 : memref<1x64xf32, #tpu.memory_space<hbm>>) dst(%dma_wait3A_587 : memref<1x64xf32, #tpu.memory_space<vmem>>)
          %dma_wait3A_590 = arith.constant 0 : i32
          %dma_wait3A_591 = tpu.memref_slice %arg8[%add3A_219, %dma_wait3A_590] : memref<64x64xf32, #tpu.memory_space<vmem>> -> memref<1x64xf32, #tpu.memory_space<vmem>>
          %dma_wait3A_592 = arith.constant 0 : i32
          %dma_wait3A_593 = tpu.memref_slice %arg2[%squeeze3A_215, %dma_wait3A_592] : memref<1000000x64xf32, #tpu.memory_space<hbm>> -> memref<1x64xf32, #tpu.memory_space<hbm>>
          %dma_wait3A_594 = arith.constant 0 : i32
          %dma_wait3A_595 = tpu.memref_slice %arg8[%add3A_219, %dma_wait3A_594] : memref<64x64xf32, #tpu.memory_space<vmem>> -> memref<1x64xf32, #tpu.memory_space<vmem>>
          %dma_wait3A_596 = arith.constant 0 : i32
          %dma_wait3A_597 = tpu.memref_slice %arg2[%squeeze3A_215, %dma_wait3A_596] : memref<1000000x64xf32, #tpu.memory_space<hbm>> -> memref<1x64xf32, #tpu.memory_space<hbm>>
          tpu.wait_dma2 semaphore(%arg9 : memref<!tpu.dma_semaphore, #tpu.memory_space<semaphore_mem>>) src(%dma_wait3A_597 : memref<1x64xf32, #tpu.memory_space<hbm>>) dst(%dma_wait3A_595 : memref<1x64xf32, #tpu.memory_space<vmem>>)
          %dma_wait3A_598 = arith.constant 0 : i32
          %dma_wait3A_599 = tpu.memref_slice %arg8[%add3A_233, %dma_wait3A_598] : memref<64x64xf32, #tpu.memory_space<vmem>> -> memref<1x64xf32, #tpu.memory_space<vmem>>
          %dma_wait3A_600 = arith.constant 0 : i32
          %dma_wait3A_601 = tpu.memref_slice %arg2[%squeeze3A_229, %dma_wait3A_600] : memref<1000000x64xf32, #tpu.memory_space<hbm>> -> memref<1x64xf32, #tpu.memory_space<hbm>>
          %dma_wait3A_602 = arith.constant 0 : i32
          %dma_wait3A_603 = tpu.memref_slice %arg8[%add3A_233, %dma_wait3A_602] : memref<64x64xf32, #tpu.memory_space<vmem>> -> memref<1x64xf32, #tpu.memory_space<vmem>>
          %dma_wait3A_604 = arith.constant 0 : i32
          %dma_wait3A_605 = tpu.memref_slice %arg2[%squeeze3A_229, %dma_wait3A_604] : memref<1000000x64xf32, #tpu.memory_space<hbm>> -> memref<1x64xf32, #tpu.memory_space<hbm>>
          tpu.wait_dma2 semaphore(%arg9 : memref<!tpu.dma_semaphore, #tpu.memory_space<semaphore_mem>>) src(%dma_wait3A_605 : memref<1x64xf32, #tpu.memory_space<hbm>>) dst(%dma_wait3A_603 : memref<1x64xf32, #tpu.memory_space<vmem>>)
          %dma_wait3A_606 = arith.constant 0 : i32
          %dma_wait3A_607 = tpu.memref_slice %arg8[%add3A_247, %dma_wait3A_606] : memref<64x64xf32, #tpu.memory_space<vmem>> -> memref<1x64xf32, #tpu.memory_space<vmem>>
          %dma_wait3A_608 = arith.constant 0 : i32
          %dma_wait3A_609 = tpu.memref_slice %arg2[%squeeze3A_243, %dma_wait3A_608] : memref<1000000x64xf32, #tpu.memory_space<hbm>> -> memref<1x64xf32, #tpu.memory_space<hbm>>
          %dma_wait3A_610 = arith.constant 0 : i32
          %dma_wait3A_611 = tpu.memref_slice %arg8[%add3A_247, %dma_wait3A_610] : memref<64x64xf32, #tpu.memory_space<vmem>> -> memref<1x64xf32, #tpu.memory_space<vmem>>
          %dma_wait3A_612 = arith.constant 0 : i32
          %dma_wait3A_613 = tpu.memref_slice %arg2[%squeeze3A_243, %dma_wait3A_612] : memref<1000000x64xf32, #tpu.memory_space<hbm>> -> memref<1x64xf32, #tpu.memory_space<hbm>>
          tpu.wait_dma2 semaphore(%arg9 : memref<!tpu.dma_semaphore, #tpu.memory_space<semaphore_mem>>) src(%dma_wait3A_613 : memref<1x64xf32, #tpu.memory_space<hbm>>) dst(%dma_wait3A_611 : memref<1x64xf32, #tpu.memory_space<vmem>>)
          %dma_wait3A_614 = arith.constant 0 : i32
          %dma_wait3A_615 = tpu.memref_slice %arg8[%add3A_261, %dma_wait3A_614] : memref<64x64xf32, #tpu.memory_space<vmem>> -> memref<1x64xf32, #tpu.memory_space<vmem>>
          %dma_wait3A_616 = arith.constant 0 : i32
          %dma_wait3A_617 = tpu.memref_slice %arg2[%squeeze3A_257, %dma_wait3A_616] : memref<1000000x64xf32, #tpu.memory_space<hbm>> -> memref<1x64xf32, #tpu.memory_space<hbm>>
          %dma_wait3A_618 = arith.constant 0 : i32
          %dma_wait3A_619 = tpu.memref_slice %arg8[%add3A_261, %dma_wait3A_618] : memref<64x64xf32, #tpu.memory_space<vmem>> -> memref<1x64xf32, #tpu.memory_space<vmem>>
          %dma_wait3A_620 = arith.constant 0 : i32
          %dma_wait3A_621 = tpu.memref_slice %arg2[%squeeze3A_257, %dma_wait3A_620] : memref<1000000x64xf32, #tpu.memory_space<hbm>> -> memref<1x64xf32, #tpu.memory_space<hbm>>
          tpu.wait_dma2 semaphore(%arg9 : memref<!tpu.dma_semaphore, #tpu.memory_space<semaphore_mem>>) src(%dma_wait3A_621 : memref<1x64xf32, #tpu.memory_space<hbm>>) dst(%dma_wait3A_619 : memref<1x64xf32, #tpu.memory_space<vmem>>)
          %dma_wait3A_622 = arith.constant 0 : i32
          %dma_wait3A_623 = tpu.memref_slice %arg8[%add3A_275, %dma_wait3A_622] : memref<64x64xf32, #tpu.memory_space<vmem>> -> memref<1x64xf32, #tpu.memory_space<vmem>>
          %dma_wait3A_624 = arith.constant 0 : i32
          %dma_wait3A_625 = tpu.memref_slice %arg2[%squeeze3A_271, %dma_wait3A_624] : memref<1000000x64xf32, #tpu.memory_space<hbm>> -> memref<1x64xf32, #tpu.memory_space<hbm>>
          %dma_wait3A_626 = arith.constant 0 : i32
          %dma_wait3A_627 = tpu.memref_slice %arg8[%add3A_275, %dma_wait3A_626] : memref<64x64xf32, #tpu.memory_space<vmem>> -> memref<1x64xf32, #tpu.memory_space<vmem>>
          %dma_wait3A_628 = arith.constant 0 : i32
          %dma_wait3A_629 = tpu.memref_slice %arg2[%squeeze3A_271, %dma_wait3A_628] : memref<1000000x64xf32, #tpu.memory_space<hbm>> -> memref<1x64xf32, #tpu.memory_space<hbm>>
          tpu.wait_dma2 semaphore(%arg9 : memref<!tpu.dma_semaphore, #tpu.memory_space<semaphore_mem>>) src(%dma_wait3A_629 : memref<1x64xf32, #tpu.memory_space<hbm>>) dst(%dma_wait3A_627 : memref<1x64xf32, #tpu.memory_space<vmem>>)
          %dma_wait3A_630 = arith.constant 0 : i32
          %dma_wait3A_631 = tpu.memref_slice %arg8[%add3A_289, %dma_wait3A_630] : memref<64x64xf32, #tpu.memory_space<vmem>> -> memref<1x64xf32, #tpu.memory_space<vmem>>
          %dma_wait3A_632 = arith.constant 0 : i32
          %dma_wait3A_633 = tpu.memref_slice %arg2[%squeeze3A_285, %dma_wait3A_632] : memref<1000000x64xf32, #tpu.memory_space<hbm>> -> memref<1x64xf32, #tpu.memory_space<hbm>>
          %dma_wait3A_634 = arith.constant 0 : i32
          %dma_wait3A_635 = tpu.memref_slice %arg8[%add3A_289, %dma_wait3A_634] : memref<64x64xf32, #tpu.memory_space<vmem>> -> memref<1x64xf32, #tpu.memory_space<vmem>>
          %dma_wait3A_636 = arith.constant 0 : i32
          %dma_wait3A_637 = tpu.memref_slice %arg2[%squeeze3A_285, %dma_wait3A_636] : memref<1000000x64xf32, #tpu.memory_space<hbm>> -> memref<1x64xf32, #tpu.memory_space<hbm>>
          tpu.wait_dma2 semaphore(%arg9 : memref<!tpu.dma_semaphore, #tpu.memory_space<semaphore_mem>>) src(%dma_wait3A_637 : memref<1x64xf32, #tpu.memory_space<hbm>>) dst(%dma_wait3A_635 : memref<1x64xf32, #tpu.memory_space<vmem>>)
          %dma_wait3A_638 = arith.constant 0 : i32
          %dma_wait3A_639 = tpu.memref_slice %arg8[%add3A_303, %dma_wait3A_638] : memref<64x64xf32, #tpu.memory_space<vmem>> -> memref<1x64xf32, #tpu.memory_space<vmem>>
          %dma_wait3A_640 = arith.constant 0 : i32
          %dma_wait3A_641 = tpu.memref_slice %arg2[%squeeze3A_299, %dma_wait3A_640] : memref<1000000x64xf32, #tpu.memory_space<hbm>> -> memref<1x64xf32, #tpu.memory_space<hbm>>
          %dma_wait3A_642 = arith.constant 0 : i32
          %dma_wait3A_643 = tpu.memref_slice %arg8[%add3A_303, %dma_wait3A_642] : memref<64x64xf32, #tpu.memory_space<vmem>> -> memref<1x64xf32, #tpu.memory_space<vmem>>
          %dma_wait3A_644 = arith.constant 0 : i32
          %dma_wait3A_645 = tpu.memref_slice %arg2[%squeeze3A_299, %dma_wait3A_644] : memref<1000000x64xf32, #tpu.memory_space<hbm>> -> memref<1x64xf32, #tpu.memory_space<hbm>>
          tpu.wait_dma2 semaphore(%arg9 : memref<!tpu.dma_semaphore, #tpu.memory_space<semaphore_mem>>) src(%dma_wait3A_645 : memref<1x64xf32, #tpu.memory_space<hbm>>) dst(%dma_wait3A_643 : memref<1x64xf32, #tpu.memory_space<vmem>>)
          %dma_wait3A_646 = arith.constant 0 : i32
          %dma_wait3A_647 = tpu.memref_slice %arg8[%add3A_317, %dma_wait3A_646] : memref<64x64xf32, #tpu.memory_space<vmem>> -> memref<1x64xf32, #tpu.memory_space<vmem>>
          %dma_wait3A_648 = arith.constant 0 : i32
          %dma_wait3A_649 = tpu.memref_slice %arg2[%squeeze3A_313, %dma_wait3A_648] : memref<1000000x64xf32, #tpu.memory_space<hbm>> -> memref<1x64xf32, #tpu.memory_space<hbm>>
          %dma_wait3A_650 = arith.constant 0 : i32
          %dma_wait3A_651 = tpu.memref_slice %arg8[%add3A_317, %dma_wait3A_650] : memref<64x64xf32, #tpu.memory_space<vmem>> -> memref<1x64xf32, #tpu.memory_space<vmem>>
          %dma_wait3A_652 = arith.constant 0 : i32
          %dma_wait3A_653 = tpu.memref_slice %arg2[%squeeze3A_313, %dma_wait3A_652] : memref<1000000x64xf32, #tpu.memory_space<hbm>> -> memref<1x64xf32, #tpu.memory_space<hbm>>
          tpu.wait_dma2 semaphore(%arg9 : memref<!tpu.dma_semaphore, #tpu.memory_space<semaphore_mem>>) src(%dma_wait3A_653 : memref<1x64xf32, #tpu.memory_space<hbm>>) dst(%dma_wait3A_651 : memref<1x64xf32, #tpu.memory_space<vmem>>)
          %dma_wait3A_654 = arith.constant 0 : i32
          %dma_wait3A_655 = tpu.memref_slice %arg8[%add3A_331, %dma_wait3A_654] : memref<64x64xf32, #tpu.memory_space<vmem>> -> memref<1x64xf32, #tpu.memory_space<vmem>>
          %dma_wait3A_656 = arith.constant 0 : i32
          %dma_wait3A_657 = tpu.memref_slice %arg2[%squeeze3A_327, %dma_wait3A_656] : memref<1000000x64xf32, #tpu.memory_space<hbm>> -> memref<1x64xf32, #tpu.memory_space<hbm>>
          %dma_wait3A_658 = arith.constant 0 : i32
          %dma_wait3A_659 = tpu.memref_slice %arg8[%add3A_331, %dma_wait3A_658] : memref<64x64xf32, #tpu.memory_space<vmem>> -> memref<1x64xf32, #tpu.memory_space<vmem>>
          %dma_wait3A_660 = arith.constant 0 : i32
          %dma_wait3A_661 = tpu.memref_slice %arg2[%squeeze3A_327, %dma_wait3A_660] : memref<1000000x64xf32, #tpu.memory_space<hbm>> -> memref<1x64xf32, #tpu.memory_space<hbm>>
          tpu.wait_dma2 semaphore(%arg9 : memref<!tpu.dma_semaphore, #tpu.memory_space<semaphore_mem>>) src(%dma_wait3A_661 : memref<1x64xf32, #tpu.memory_space<hbm>>) dst(%dma_wait3A_659 : memref<1x64xf32, #tpu.memory_space<vmem>>)
          %dma_wait3A_662 = arith.constant 0 : i32
          %dma_wait3A_663 = tpu.memref_slice %arg8[%add3A_345, %dma_wait3A_662] : memref<64x64xf32, #tpu.memory_space<vmem>> -> memref<1x64xf32, #tpu.memory_space<vmem>>
          %dma_wait3A_664 = arith.constant 0 : i32
          %dma_wait3A_665 = tpu.memref_slice %arg2[%squeeze3A_341, %dma_wait3A_664] : memref<1000000x64xf32, #tpu.memory_space<hbm>> -> memref<1x64xf32, #tpu.memory_space<hbm>>
          %dma_wait3A_666 = arith.constant 0 : i32
          %dma_wait3A_667 = tpu.memref_slice %arg8[%add3A_345, %dma_wait3A_666] : memref<64x64xf32, #tpu.memory_space<vmem>> -> memref<1x64xf32, #tpu.memory_space<vmem>>
          %dma_wait3A_668 = arith.constant 0 : i32
          %dma_wait3A_669 = tpu.memref_slice %arg2[%squeeze3A_341, %dma_wait3A_668] : memref<1000000x64xf32, #tpu.memory_space<hbm>> -> memref<1x64xf32, #tpu.memory_space<hbm>>
          tpu.wait_dma2 semaphore(%arg9 : memref<!tpu.dma_semaphore, #tpu.memory_space<semaphore_mem>>) src(%dma_wait3A_669 : memref<1x64xf32, #tpu.memory_space<hbm>>) dst(%dma_wait3A_667 : memref<1x64xf32, #tpu.memory_space<vmem>>)
          %dma_wait3A_670 = arith.constant 0 : i32
          %dma_wait3A_671 = tpu.memref_slice %arg8[%add3A_359, %dma_wait3A_670] : memref<64x64xf32, #tpu.memory_space<vmem>> -> memref<1x64xf32, #tpu.memory_space<vmem>>
          %dma_wait3A_672 = arith.constant 0 : i32
          %dma_wait3A_673 = tpu.memref_slice %arg2[%squeeze3A_355, %dma_wait3A_672] : memref<1000000x64xf32, #tpu.memory_space<hbm>> -> memref<1x64xf32, #tpu.memory_space<hbm>>
          %dma_wait3A_674 = arith.constant 0 : i32
          %dma_wait3A_675 = tpu.memref_slice %arg8[%add3A_359, %dma_wait3A_674] : memref<64x64xf32, #tpu.memory_space<vmem>> -> memref<1x64xf32, #tpu.memory_space<vmem>>
          %dma_wait3A_676 = arith.constant 0 : i32
          %dma_wait3A_677 = tpu.memref_slice %arg2[%squeeze3A_355, %dma_wait3A_676] : memref<1000000x64xf32, #tpu.memory_space<hbm>> -> memref<1x64xf32, #tpu.memory_space<hbm>>
          tpu.wait_dma2 semaphore(%arg9 : memref<!tpu.dma_semaphore, #tpu.memory_space<semaphore_mem>>) src(%dma_wait3A_677 : memref<1x64xf32, #tpu.memory_space<hbm>>) dst(%dma_wait3A_675 : memref<1x64xf32, #tpu.memory_space<vmem>>)
          %dma_wait3A_678 = arith.constant 0 : i32
          %dma_wait3A_679 = tpu.memref_slice %arg8[%add3A_373, %dma_wait3A_678] : memref<64x64xf32, #tpu.memory_space<vmem>> -> memref<1x64xf32, #tpu.memory_space<vmem>>
          %dma_wait3A_680 = arith.constant 0 : i32
          %dma_wait3A_681 = tpu.memref_slice %arg2[%squeeze3A_369, %dma_wait3A_680] : memref<1000000x64xf32, #tpu.memory_space<hbm>> -> memref<1x64xf32, #tpu.memory_space<hbm>>
          %dma_wait3A_682 = arith.constant 0 : i32
          %dma_wait3A_683 = tpu.memref_slice %arg8[%add3A_373, %dma_wait3A_682] : memref<64x64xf32, #tpu.memory_space<vmem>> -> memref<1x64xf32, #tpu.memory_space<vmem>>
          %dma_wait3A_684 = arith.constant 0 : i32
          %dma_wait3A_685 = tpu.memref_slice %arg2[%squeeze3A_369, %dma_wait3A_684] : memref<1000000x64xf32, #tpu.memory_space<hbm>> -> memref<1x64xf32, #tpu.memory_space<hbm>>
          tpu.wait_dma2 semaphore(%arg9 : memref<!tpu.dma_semaphore, #tpu.memory_space<semaphore_mem>>) src(%dma_wait3A_685 : memref<1x64xf32, #tpu.memory_space<hbm>>) dst(%dma_wait3A_683 : memref<1x64xf32, #tpu.memory_space<vmem>>)
          %dma_wait3A_686 = arith.constant 0 : i32
          %dma_wait3A_687 = tpu.memref_slice %arg8[%add3A_387, %dma_wait3A_686] : memref<64x64xf32, #tpu.memory_space<vmem>> -> memref<1x64xf32, #tpu.memory_space<vmem>>
          %dma_wait3A_688 = arith.constant 0 : i32
          %dma_wait3A_689 = tpu.memref_slice %arg2[%squeeze3A_383, %dma_wait3A_688] : memref<1000000x64xf32, #tpu.memory_space<hbm>> -> memref<1x64xf32, #tpu.memory_space<hbm>>
          %dma_wait3A_690 = arith.constant 0 : i32
          %dma_wait3A_691 = tpu.memref_slice %arg8[%add3A_387, %dma_wait3A_690] : memref<64x64xf32, #tpu.memory_space<vmem>> -> memref<1x64xf32, #tpu.memory_space<vmem>>
          %dma_wait3A_692 = arith.constant 0 : i32
          %dma_wait3A_693 = tpu.memref_slice %arg2[%squeeze3A_383, %dma_wait3A_692] : memref<1000000x64xf32, #tpu.memory_space<hbm>> -> memref<1x64xf32, #tpu.memory_space<hbm>>
          tpu.wait_dma2 semaphore(%arg9 : memref<!tpu.dma_semaphore, #tpu.memory_space<semaphore_mem>>) src(%dma_wait3A_693 : memref<1x64xf32, #tpu.memory_space<hbm>>) dst(%dma_wait3A_691 : memref<1x64xf32, #tpu.memory_space<vmem>>)
          %dma_wait3A_694 = arith.constant 0 : i32
          %dma_wait3A_695 = tpu.memref_slice %arg8[%add3A_401, %dma_wait3A_694] : memref<64x64xf32, #tpu.memory_space<vmem>> -> memref<1x64xf32, #tpu.memory_space<vmem>>
          %dma_wait3A_696 = arith.constant 0 : i32
          %dma_wait3A_697 = tpu.memref_slice %arg2[%squeeze3A_397, %dma_wait3A_696] : memref<1000000x64xf32, #tpu.memory_space<hbm>> -> memref<1x64xf32, #tpu.memory_space<hbm>>
          %dma_wait3A_698 = arith.constant 0 : i32
          %dma_wait3A_699 = tpu.memref_slice %arg8[%add3A_401, %dma_wait3A_698] : memref<64x64xf32, #tpu.memory_space<vmem>> -> memref<1x64xf32, #tpu.memory_space<vmem>>
          %dma_wait3A_700 = arith.constant 0 : i32
          %dma_wait3A_701 = tpu.memref_slice %arg2[%squeeze3A_397, %dma_wait3A_700] : memref<1000000x64xf32, #tpu.memory_space<hbm>> -> memref<1x64xf32, #tpu.memory_space<hbm>>
          tpu.wait_dma2 semaphore(%arg9 : memref<!tpu.dma_semaphore, #tpu.memory_space<semaphore_mem>>) src(%dma_wait3A_701 : memref<1x64xf32, #tpu.memory_space<hbm>>) dst(%dma_wait3A_699 : memref<1x64xf32, #tpu.memory_space<vmem>>)
          %dma_wait3A_702 = arith.constant 0 : i32
          %dma_wait3A_703 = tpu.memref_slice %arg8[%add3A_415, %dma_wait3A_702] : memref<64x64xf32, #tpu.memory_space<vmem>> -> memref<1x64xf32, #tpu.memory_space<vmem>>
          %dma_wait3A_704 = arith.constant 0 : i32
          %dma_wait3A_705 = tpu.memref_slice %arg2[%squeeze3A_411, %dma_wait3A_704] : memref<1000000x64xf32, #tpu.memory_space<hbm>> -> memref<1x64xf32, #tpu.memory_space<hbm>>
          %dma_wait3A_706 = arith.constant 0 : i32
          %dma_wait3A_707 = tpu.memref_slice %arg8[%add3A_415, %dma_wait3A_706] : memref<64x64xf32, #tpu.memory_space<vmem>> -> memref<1x64xf32, #tpu.memory_space<vmem>>
          %dma_wait3A_708 = arith.constant 0 : i32
          %dma_wait3A_709 = tpu.memref_slice %arg2[%squeeze3A_411, %dma_wait3A_708] : memref<1000000x64xf32, #tpu.memory_space<hbm>> -> memref<1x64xf32, #tpu.memory_space<hbm>>
          tpu.wait_dma2 semaphore(%arg9 : memref<!tpu.dma_semaphore, #tpu.memory_space<semaphore_mem>>) src(%dma_wait3A_709 : memref<1x64xf32, #tpu.memory_space<hbm>>) dst(%dma_wait3A_707 : memref<1x64xf32, #tpu.memory_space<vmem>>)
          %dma_wait3A_710 = arith.constant 0 : i32
          %dma_wait3A_711 = tpu.memref_slice %arg8[%add3A_429, %dma_wait3A_710] : memref<64x64xf32, #tpu.memory_space<vmem>> -> memref<1x64xf32, #tpu.memory_space<vmem>>
          %dma_wait3A_712 = arith.constant 0 : i32
          %dma_wait3A_713 = tpu.memref_slice %arg2[%squeeze3A_425, %dma_wait3A_712] : memref<1000000x64xf32, #tpu.memory_space<hbm>> -> memref<1x64xf32, #tpu.memory_space<hbm>>
          %dma_wait3A_714 = arith.constant 0 : i32
          %dma_wait3A_715 = tpu.memref_slice %arg8[%add3A_429, %dma_wait3A_714] : memref<64x64xf32, #tpu.memory_space<vmem>> -> memref<1x64xf32, #tpu.memory_space<vmem>>
          %dma_wait3A_716 = arith.constant 0 : i32
          %dma_wait3A_717 = tpu.memref_slice %arg2[%squeeze3A_425, %dma_wait3A_716] : memref<1000000x64xf32, #tpu.memory_space<hbm>> -> memref<1x64xf32, #tpu.memory_space<hbm>>
          tpu.wait_dma2 semaphore(%arg9 : memref<!tpu.dma_semaphore, #tpu.memory_space<semaphore_mem>>) src(%dma_wait3A_717 : memref<1x64xf32, #tpu.memory_space<hbm>>) dst(%dma_wait3A_715 : memref<1x64xf32, #tpu.memory_space<vmem>>)
          %dma_wait3A_718 = arith.constant 0 : i32
          %dma_wait3A_719 = tpu.memref_slice %arg8[%add3A_443, %dma_wait3A_718] : memref<64x64xf32, #tpu.memory_space<vmem>> -> memref<1x64xf32, #tpu.memory_space<vmem>>
          %dma_wait3A_720 = arith.constant 0 : i32
          %dma_wait3A_721 = tpu.memref_slice %arg2[%squeeze3A_439, %dma_wait3A_720] : memref<1000000x64xf32, #tpu.memory_space<hbm>> -> memref<1x64xf32, #tpu.memory_space<hbm>>
          %dma_wait3A_722 = arith.constant 0 : i32
          %dma_wait3A_723 = tpu.memref_slice %arg8[%add3A_443, %dma_wait3A_722] : memref<64x64xf32, #tpu.memory_space<vmem>> -> memref<1x64xf32, #tpu.memory_space<vmem>>
          %dma_wait3A_724 = arith.constant 0 : i32
          %dma_wait3A_725 = tpu.memref_slice %arg2[%squeeze3A_439, %dma_wait3A_724] : memref<1000000x64xf32, #tpu.memory_space<hbm>> -> memref<1x64xf32, #tpu.memory_space<hbm>>
          tpu.wait_dma2 semaphore(%arg9 : memref<!tpu.dma_semaphore, #tpu.memory_space<semaphore_mem>>) src(%dma_wait3A_725 : memref<1x64xf32, #tpu.memory_space<hbm>>) dst(%dma_wait3A_723 : memref<1x64xf32, #tpu.memory_space<vmem>>)
          %dma_wait3A_726 = arith.constant 0 : i32
          %dma_wait3A_727 = tpu.memref_slice %arg8[%add3A_457, %dma_wait3A_726] : memref<64x64xf32, #tpu.memory_space<vmem>> -> memref<1x64xf32, #tpu.memory_space<vmem>>
          %dma_wait3A_728 = arith.constant 0 : i32
          %dma_wait3A_729 = tpu.memref_slice %arg2[%squeeze3A_453, %dma_wait3A_728] : memref<1000000x64xf32, #tpu.memory_space<hbm>> -> memref<1x64xf32, #tpu.memory_space<hbm>>
          %dma_wait3A_730 = arith.constant 0 : i32
          %dma_wait3A_731 = tpu.memref_slice %arg8[%add3A_457, %dma_wait3A_730] : memref<64x64xf32, #tpu.memory_space<vmem>> -> memref<1x64xf32, #tpu.memory_space<vmem>>
          %dma_wait3A_732 = arith.constant 0 : i32
          %dma_wait3A_733 = tpu.memref_slice %arg2[%squeeze3A_453, %dma_wait3A_732] : memref<1000000x64xf32, #tpu.memory_space<hbm>> -> memref<1x64xf32, #tpu.memory_space<hbm>>
          tpu.wait_dma2 semaphore(%arg9 : memref<!tpu.dma_semaphore, #tpu.memory_space<semaphore_mem>>) src(%dma_wait3A_733 : memref<1x64xf32, #tpu.memory_space<hbm>>) dst(%dma_wait3A_731 : memref<1x64xf32, #tpu.memory_space<vmem>>)
          %dma_wait3A_734 = arith.constant 0 : i32
          %dma_wait3A_735 = tpu.memref_slice %arg8[%add3A_471, %dma_wait3A_734] : memref<64x64xf32, #tpu.memory_space<vmem>> -> memref<1x64xf32, #tpu.memory_space<vmem>>
          %dma_wait3A_736 = arith.constant 0 : i32
          %dma_wait3A_737 = tpu.memref_slice %arg2[%squeeze3A_467, %dma_wait3A_736] : memref<1000000x64xf32, #tpu.memory_space<hbm>> -> memref<1x64xf32, #tpu.memory_space<hbm>>
          %dma_wait3A_738 = arith.constant 0 : i32
          %dma_wait3A_739 = tpu.memref_slice %arg8[%add3A_471, %dma_wait3A_738] : memref<64x64xf32, #tpu.memory_space<vmem>> -> memref<1x64xf32, #tpu.memory_space<vmem>>
          %dma_wait3A_740 = arith.constant 0 : i32
          %dma_wait3A_741 = tpu.memref_slice %arg2[%squeeze3A_467, %dma_wait3A_740] : memref<1000000x64xf32, #tpu.memory_space<hbm>> -> memref<1x64xf32, #tpu.memory_space<hbm>>
          tpu.wait_dma2 semaphore(%arg9 : memref<!tpu.dma_semaphore, #tpu.memory_space<semaphore_mem>>) src(%dma_wait3A_741 : memref<1x64xf32, #tpu.memory_space<hbm>>) dst(%dma_wait3A_739 : memref<1x64xf32, #tpu.memory_space<vmem>>)
          %dma_wait3A_742 = arith.constant 0 : i32
          %dma_wait3A_743 = tpu.memref_slice %arg8[%add3A_485, %dma_wait3A_742] : memref<64x64xf32, #tpu.memory_space<vmem>> -> memref<1x64xf32, #tpu.memory_space<vmem>>
          %dma_wait3A_744 = arith.constant 0 : i32
          %dma_wait3A_745 = tpu.memref_slice %arg2[%squeeze3A_481, %dma_wait3A_744] : memref<1000000x64xf32, #tpu.memory_space<hbm>> -> memref<1x64xf32, #tpu.memory_space<hbm>>
          %dma_wait3A_746 = arith.constant 0 : i32
          %dma_wait3A_747 = tpu.memref_slice %arg8[%add3A_485, %dma_wait3A_746] : memref<64x64xf32, #tpu.memory_space<vmem>> -> memref<1x64xf32, #tpu.memory_space<vmem>>
          %dma_wait3A_748 = arith.constant 0 : i32
          %dma_wait3A_749 = tpu.memref_slice %arg2[%squeeze3A_481, %dma_wait3A_748] : memref<1000000x64xf32, #tpu.memory_space<hbm>> -> memref<1x64xf32, #tpu.memory_space<hbm>>
          tpu.wait_dma2 semaphore(%arg9 : memref<!tpu.dma_semaphore, #tpu.memory_space<semaphore_mem>>) src(%dma_wait3A_749 : memref<1x64xf32, #tpu.memory_space<hbm>>) dst(%dma_wait3A_747 : memref<1x64xf32, #tpu.memory_space<vmem>>)
        }
        %scan3A_20 = arith.constant 2 : i32
        %mul3A_21 = arith.constant 64 : i32
        %mul3A_22 = arith.muli %scan3A_14, %mul3A_21 : i32
        %add3A_23 = arith.addi %mul3A_8, %mul3A_22 : i32
        %dma_start3A = arith.constant 0 : i32
        %dma_start3A_24 = tpu.memref_slice %arg5[%add3A_23, %dma_start3A] : memref<16384x64xf32, #tpu.memory_space<hbm>> -> memref<64x64xf32, #tpu.memory_space<hbm>>
        %dma_start3A_25 = arith.constant 0 : i32
        %dma_start3A_26 = tpu.memref_slice %arg5[%add3A_23, %dma_start3A_25] : memref<16384x64xf32, #tpu.memory_space<hbm>> -> memref<64x64xf32, #tpu.memory_space<hbm>>
        tpu.enqueue_dma source(%arg8 : memref<64x64xf32, #tpu.memory_space<vmem>>) target(%dma_start3A_26 : memref<64x64xf32, #tpu.memory_space<hbm>>) target_semaphore(%arg10 : memref<!tpu.dma_semaphore, #tpu.memory_space<semaphore_mem>>)
        %dma_wait3A = arith.constant 0 : i32
        %dma_wait3A_27 = tpu.memref_slice %arg5[%add3A_23, %dma_wait3A] : memref<16384x64xf32, #tpu.memory_space<hbm>> -> memref<64x64xf32, #tpu.memory_space<hbm>>
        %dma_wait3A_28 = arith.constant 0 : i32
        %dma_wait3A_29 = tpu.memref_slice %arg5[%add3A_23, %dma_wait3A_28] : memref<16384x64xf32, #tpu.memory_space<hbm>> -> memref<64x64xf32, #tpu.memory_space<hbm>>
        tpu.wait_dma2 semaphore(%arg10 : memref<!tpu.dma_semaphore, #tpu.memory_space<semaphore_mem>>) src(%arg8 : memref<64x64xf32, #tpu.memory_space<vmem>>) dst(%dma_wait3A_29 : memref<64x64xf32, #tpu.memory_space<hbm>>)
      }
      %scan3A_13 = arith.constant 16 : i32
    } else {
    }
    %ge3A = arith.constant 16 : i32
    %ge3A_3 = arith.cmpi sge, %add3A, %ge3A : i32
    %convert_element_type3A_4 = arith.extui %ge3A_3 : i1 to i32
    %cond3A_5 = arith.constant 0 : i32
    %cond3A_6 = arith.cmpi ne, %convert_element_type3A_4, %cond3A_5 : i32
    scf.if %cond3A_6 {
      %sub3A = arith.constant 16 : i32
      %sub3A_7 = arith.subi %add3A, %sub3A : i32
      %mul3A_8 = arith.constant 1024 : i32
      %mul3A_9 = arith.muli %sub3A_7, %mul3A_8 : i32
      %scan3A = arith.constant 0 : i32
      %scan3A_10 = arith.constant 0 : i32
      %scan3A_11 = arith.constant 16 : i32
      %scan3A_12 = arith.addi %scan3A_10, %scan3A_11 : i32
      %scan3A_13 = arith.constant 1 : i32
      scf.for %scan3A_15 = %scan3A_10 to %scan3A_12 step %scan3A_13  : i32 {
        %scan3A_16 = arith.constant 0 : i32
        %scan3A_17 = arith.constant 0 : i32
        %scan3A_18 = arith.constant 2 : i32
        %scan3A_19 = arith.addi %scan3A_17, %scan3A_18 : i32
        %scan3A_20 = arith.constant 1 : i32
        scf.for %scan3A_31 = %scan3A_17 to %scan3A_19 step %scan3A_20  : i32 {
          %mul3A_32 = arith.constant 2 : i32
          %mul3A_33 = arith.muli %scan3A_31, %mul3A_32 : i32
          %mul3A_34 = arith.constant 16 : i32
          %mul3A_35 = arith.muli %mul3A_33, %mul3A_34 : i32
          %mul3A_36 = arith.constant 64 : i32
          %mul3A_37 = arith.muli %scan3A_15, %mul3A_36 : i32
          %add3A_38 = arith.addi %mul3A_37, %mul3A_35 : i32
          %get3A = arith.index_cast %add3A_38 : i32 to index
          %get3A_39 = tpu.vector_load %arg7[%get3A] {strides = array<i32>} : memref<1024xi32, #tpu.memory_space<vmem>>, vector<16xi32>,
          %get3A_40 = vector.shape_cast %get3A_39 : vector<16xi32> to vector<16xi32>
          %mul3A_41 = arith.constant 64 : i32
          %mul3A_42 = arith.muli %scan3A_15, %mul3A_41 : i32
          %add3A_43 = arith.addi %mul3A_42, %mul3A_35 : i32
          %add3A_44 = arith.constant 16 : i32
          %add3A_45 = arith.addi %add3A_43, %add3A_44 : i32
          %get3A_46 = arith.index_cast %add3A_45 : i32 to index
          %get3A_47 = tpu.vector_load %arg7[%get3A_46] {strides = array<i32>} : memref<1024xi32, #tpu.memory_space<vmem>>, vector<16xi32>,
          %get3A_48 = vector.shape_cast %get3A_47 : vector<16xi32> to vector<16xi32>
          %slice3A = vector.extract_strided_slice %get3A_40 {offsets = [0], sizes = [1], strides = [1]} : vector<16xi32> to vector<1xi32>
          %squeeze3A = vector.extract %slice3A[0] : i32 from vector<1xi32>
          %add3A_49 = arith.constant 0 : i32
          %add3A_50 = arith.addi %mul3A_35, %add3A_49 : i32
          %add3A_51 = arith.constant 0 : i32
          %add3A_52 = arith.addi %add3A_50, %add3A_51 : i32
          %dma_start3A_53 = arith.constant 0 : i32
          %dma_start3A_54 = tpu.memref_slice %arg8[%add3A_52, %dma_start3A_53] : memref<64x64xf32, #tpu.memory_space<vmem>> -> memref<1x64xf32, #tpu.memory_space<vmem>>
          %dma_start3A_55 = arith.constant 0 : i32
          %dma_start3A_56 = tpu.memref_slice %arg3[%squeeze3A, %dma_start3A_55] : memref<100000x64xf32, #tpu.memory_space<hbm>> -> memref<1x64xf32, #tpu.memory_space<hbm>>
          %dma_start3A_57 = arith.constant 0 : i32
          %dma_start3A_58 = tpu.memref_slice %arg8[%add3A_52, %dma_start3A_57] : memref<64x64xf32, #tpu.memory_space<vmem>> -> memref<1x64xf32, #tpu.memory_space<vmem>>
          %dma_start3A_59 = arith.constant 0 : i32
          %dma_start3A_60 = tpu.memref_slice %arg3[%squeeze3A, %dma_start3A_59] : memref<100000x64xf32, #tpu.memory_space<hbm>> -> memref<1x64xf32, #tpu.memory_space<hbm>>
          tpu.enqueue_dma source(%dma_start3A_60 : memref<1x64xf32, #tpu.memory_space<hbm>>) target(%dma_start3A_58 : memref<1x64xf32, #tpu.memory_space<vmem>>) target_semaphore(%arg9 : memref<!tpu.dma_semaphore, #tpu.memory_space<semaphore_mem>>)
          %slice3A_61 = vector.extract_strided_slice %get3A_40 {offsets = [1], sizes = [1], strides = [1]} : vector<16xi32> to vector<1xi32>
          %squeeze3A_62 = vector.extract %slice3A_61[0] : i32 from vector<1xi32>
          %add3A_63 = arith.constant 0 : i32
          %add3A_64 = arith.addi %mul3A_35, %add3A_63 : i32
          %add3A_65 = arith.constant 1 : i32
          %add3A_66 = arith.addi %add3A_64, %add3A_65 : i32
          %dma_start3A_67 = arith.constant 0 : i32
          %dma_start3A_68 = tpu.memref_slice %arg8[%add3A_66, %dma_start3A_67] : memref<64x64xf32, #tpu.memory_space<vmem>> -> memref<1x64xf32, #tpu.memory_space<vmem>>
          %dma_start3A_69 = arith.constant 0 : i32
          %dma_start3A_70 = tpu.memref_slice %arg3[%squeeze3A_62, %dma_start3A_69] : memref<100000x64xf32, #tpu.memory_space<hbm>> -> memref<1x64xf32, #tpu.memory_space<hbm>>
          %dma_start3A_71 = arith.constant 0 : i32
          %dma_start3A_72 = tpu.memref_slice %arg8[%add3A_66, %dma_start3A_71] : memref<64x64xf32, #tpu.memory_space<vmem>> -> memref<1x64xf32, #tpu.memory_space<vmem>>
          %dma_start3A_73 = arith.constant 0 : i32
          %dma_start3A_74 = tpu.memref_slice %arg3[%squeeze3A_62, %dma_start3A_73] : memref<100000x64xf32, #tpu.memory_space<hbm>> -> memref<1x64xf32, #tpu.memory_space<hbm>>
          tpu.enqueue_dma source(%dma_start3A_74 : memref<1x64xf32, #tpu.memory_space<hbm>>) target(%dma_start3A_72 : memref<1x64xf32, #tpu.memory_space<vmem>>) target_semaphore(%arg9 : memref<!tpu.dma_semaphore, #tpu.memory_space<semaphore_mem>>)
          %slice3A_75 = vector.extract_strided_slice %get3A_40 {offsets = [2], sizes = [1], strides = [1]} : vector<16xi32> to vector<1xi32>
          %squeeze3A_76 = vector.extract %slice3A_75[0] : i32 from vector<1xi32>
          %add3A_77 = arith.constant 0 : i32
          %add3A_78 = arith.addi %mul3A_35, %add3A_77 : i32
          %add3A_79 = arith.constant 2 : i32
          %add3A_80 = arith.addi %add3A_78, %add3A_79 : i32
          %dma_start3A_81 = arith.constant 0 : i32
          %dma_start3A_82 = tpu.memref_slice %arg8[%add3A_80, %dma_start3A_81] : memref<64x64xf32, #tpu.memory_space<vmem>> -> memref<1x64xf32, #tpu.memory_space<vmem>>
          %dma_start3A_83 = arith.constant 0 : i32
          %dma_start3A_84 = tpu.memref_slice %arg3[%squeeze3A_76, %dma_start3A_83] : memref<100000x64xf32, #tpu.memory_space<hbm>> -> memref<1x64xf32, #tpu.memory_space<hbm>>
          %dma_start3A_85 = arith.constant 0 : i32
          %dma_start3A_86 = tpu.memref_slice %arg8[%add3A_80, %dma_start3A_85] : memref<64x64xf32, #tpu.memory_space<vmem>> -> memref<1x64xf32, #tpu.memory_space<vmem>>
          %dma_start3A_87 = arith.constant 0 : i32
          %dma_start3A_88 = tpu.memref_slice %arg3[%squeeze3A_76, %dma_start3A_87] : memref<100000x64xf32, #tpu.memory_space<hbm>> -> memref<1x64xf32, #tpu.memory_space<hbm>>
          tpu.enqueue_dma source(%dma_start3A_88 : memref<1x64xf32, #tpu.memory_space<hbm>>) target(%dma_start3A_86 : memref<1x64xf32, #tpu.memory_space<vmem>>) target_semaphore(%arg9 : memref<!tpu.dma_semaphore, #tpu.memory_space<semaphore_mem>>)
          %slice3A_89 = vector.extract_strided_slice %get3A_40 {offsets = [3], sizes = [1], strides = [1]} : vector<16xi32> to vector<1xi32>
          %squeeze3A_90 = vector.extract %slice3A_89[0] : i32 from vector<1xi32>
          %add3A_91 = arith.constant 0 : i32
          %add3A_92 = arith.addi %mul3A_35, %add3A_91 : i32
          %add3A_93 = arith.constant 3 : i32
          %add3A_94 = arith.addi %add3A_92, %add3A_93 : i32
          %dma_start3A_95 = arith.constant 0 : i32
          %dma_start3A_96 = tpu.memref_slice %arg8[%add3A_94, %dma_start3A_95] : memref<64x64xf32, #tpu.memory_space<vmem>> -> memref<1x64xf32, #tpu.memory_space<vmem>>
          %dma_start3A_97 = arith.constant 0 : i32
          %dma_start3A_98 = tpu.memref_slice %arg3[%squeeze3A_90, %dma_start3A_97] : memref<100000x64xf32, #tpu.memory_space<hbm>> -> memref<1x64xf32, #tpu.memory_space<hbm>>
          %dma_start3A_99 = arith.constant 0 : i32
          %dma_start3A_100 = tpu.memref_slice %arg8[%add3A_94, %dma_start3A_99] : memref<64x64xf32, #tpu.memory_space<vmem>> -> memref<1x64xf32, #tpu.memory_space<vmem>>
          %dma_start3A_101 = arith.constant 0 : i32
          %dma_start3A_102 = tpu.memref_slice %arg3[%squeeze3A_90, %dma_start3A_101] : memref<100000x64xf32, #tpu.memory_space<hbm>> -> memref<1x64xf32, #tpu.memory_space<hbm>>
          tpu.enqueue_dma source(%dma_start3A_102 : memref<1x64xf32, #tpu.memory_space<hbm>>) target(%dma_start3A_100 : memref<1x64xf32, #tpu.memory_space<vmem>>) target_semaphore(%arg9 : memref<!tpu.dma_semaphore, #tpu.memory_space<semaphore_mem>>)
          %slice3A_103 = vector.extract_strided_slice %get3A_40 {offsets = [4], sizes = [1], strides = [1]} : vector<16xi32> to vector<1xi32>
          %squeeze3A_104 = vector.extract %slice3A_103[0] : i32 from vector<1xi32>
          %add3A_105 = arith.constant 0 : i32
          %add3A_106 = arith.addi %mul3A_35, %add3A_105 : i32
          %add3A_107 = arith.constant 4 : i32
          %add3A_108 = arith.addi %add3A_106, %add3A_107 : i32
          %dma_start3A_109 = arith.constant 0 : i32
          %dma_start3A_110 = tpu.memref_slice %arg8[%add3A_108, %dma_start3A_109] : memref<64x64xf32, #tpu.memory_space<vmem>> -> memref<1x64xf32, #tpu.memory_space<vmem>>
          %dma_start3A_111 = arith.constant 0 : i32
          %dma_start3A_112 = tpu.memref_slice %arg3[%squeeze3A_104, %dma_start3A_111] : memref<100000x64xf32, #tpu.memory_space<hbm>> -> memref<1x64xf32, #tpu.memory_space<hbm>>
          %dma_start3A_113 = arith.constant 0 : i32
          %dma_start3A_114 = tpu.memref_slice %arg8[%add3A_108, %dma_start3A_113] : memref<64x64xf32, #tpu.memory_space<vmem>> -> memref<1x64xf32, #tpu.memory_space<vmem>>
          %dma_start3A_115 = arith.constant 0 : i32
          %dma_start3A_116 = tpu.memref_slice %arg3[%squeeze3A_104, %dma_start3A_115] : memref<100000x64xf32, #tpu.memory_space<hbm>> -> memref<1x64xf32, #tpu.memory_space<hbm>>
          tpu.enqueue_dma source(%dma_start3A_116 : memref<1x64xf32, #tpu.memory_space<hbm>>) target(%dma_start3A_114 : memref<1x64xf32, #tpu.memory_space<vmem>>) target_semaphore(%arg9 : memref<!tpu.dma_semaphore, #tpu.memory_space<semaphore_mem>>)
          %slice3A_117 = vector.extract_strided_slice %get3A_40 {offsets = [5], sizes = [1], strides = [1]} : vector<16xi32> to vector<1xi32>
          %squeeze3A_118 = vector.extract %slice3A_117[0] : i32 from vector<1xi32>
          %add3A_119 = arith.constant 0 : i32
          %add3A_120 = arith.addi %mul3A_35, %add3A_119 : i32
          %add3A_121 = arith.constant 5 : i32
          %add3A_122 = arith.addi %add3A_120, %add3A_121 : i32
          %dma_start3A_123 = arith.constant 0 : i32
          %dma_start3A_124 = tpu.memref_slice %arg8[%add3A_122, %dma_start3A_123] : memref<64x64xf32, #tpu.memory_space<vmem>> -> memref<1x64xf32, #tpu.memory_space<vmem>>
          %dma_start3A_125 = arith.constant 0 : i32
          %dma_start3A_126 = tpu.memref_slice %arg3[%squeeze3A_118, %dma_start3A_125] : memref<100000x64xf32, #tpu.memory_space<hbm>> -> memref<1x64xf32, #tpu.memory_space<hbm>>
          %dma_start3A_127 = arith.constant 0 : i32
          %dma_start3A_128 = tpu.memref_slice %arg8[%add3A_122, %dma_start3A_127] : memref<64x64xf32, #tpu.memory_space<vmem>> -> memref<1x64xf32, #tpu.memory_space<vmem>>
          %dma_start3A_129 = arith.constant 0 : i32
          %dma_start3A_130 = tpu.memref_slice %arg3[%squeeze3A_118, %dma_start3A_129] : memref<100000x64xf32, #tpu.memory_space<hbm>> -> memref<1x64xf32, #tpu.memory_space<hbm>>
          tpu.enqueue_dma source(%dma_start3A_130 : memref<1x64xf32, #tpu.memory_space<hbm>>) target(%dma_start3A_128 : memref<1x64xf32, #tpu.memory_space<vmem>>) target_semaphore(%arg9 : memref<!tpu.dma_semaphore, #tpu.memory_space<semaphore_mem>>)
          %slice3A_131 = vector.extract_strided_slice %get3A_40 {offsets = [6], sizes = [1], strides = [1]} : vector<16xi32> to vector<1xi32>
          %squeeze3A_132 = vector.extract %slice3A_131[0] : i32 from vector<1xi32>
          %add3A_133 = arith.constant 0 : i32
          %add3A_134 = arith.addi %mul3A_35, %add3A_133 : i32
          %add3A_135 = arith.constant 6 : i32
          %add3A_136 = arith.addi %add3A_134, %add3A_135 : i32
          %dma_start3A_137 = arith.constant 0 : i32
          %dma_start3A_138 = tpu.memref_slice %arg8[%add3A_136, %dma_start3A_137] : memref<64x64xf32, #tpu.memory_space<vmem>> -> memref<1x64xf32, #tpu.memory_space<vmem>>
          %dma_start3A_139 = arith.constant 0 : i32
          %dma_start3A_140 = tpu.memref_slice %arg3[%squeeze3A_132, %dma_start3A_139] : memref<100000x64xf32, #tpu.memory_space<hbm>> -> memref<1x64xf32, #tpu.memory_space<hbm>>
          %dma_start3A_141 = arith.constant 0 : i32
          %dma_start3A_142 = tpu.memref_slice %arg8[%add3A_136, %dma_start3A_141] : memref<64x64xf32, #tpu.memory_space<vmem>> -> memref<1x64xf32, #tpu.memory_space<vmem>>
          %dma_start3A_143 = arith.constant 0 : i32
          %dma_start3A_144 = tpu.memref_slice %arg3[%squeeze3A_132, %dma_start3A_143] : memref<100000x64xf32, #tpu.memory_space<hbm>> -> memref<1x64xf32, #tpu.memory_space<hbm>>
          tpu.enqueue_dma source(%dma_start3A_144 : memref<1x64xf32, #tpu.memory_space<hbm>>) target(%dma_start3A_142 : memref<1x64xf32, #tpu.memory_space<vmem>>) target_semaphore(%arg9 : memref<!tpu.dma_semaphore, #tpu.memory_space<semaphore_mem>>)
          %slice3A_145 = vector.extract_strided_slice %get3A_40 {offsets = [7], sizes = [1], strides = [1]} : vector<16xi32> to vector<1xi32>
          %squeeze3A_146 = vector.extract %slice3A_145[0] : i32 from vector<1xi32>
          %add3A_147 = arith.constant 0 : i32
          %add3A_148 = arith.addi %mul3A_35, %add3A_147 : i32
          %add3A_149 = arith.constant 7 : i32
          %add3A_150 = arith.addi %add3A_148, %add3A_149 : i32
          %dma_start3A_151 = arith.constant 0 : i32
          %dma_start3A_152 = tpu.memref_slice %arg8[%add3A_150, %dma_start3A_151] : memref<64x64xf32, #tpu.memory_space<vmem>> -> memref<1x64xf32, #tpu.memory_space<vmem>>
          %dma_start3A_153 = arith.constant 0 : i32
          %dma_start3A_154 = tpu.memref_slice %arg3[%squeeze3A_146, %dma_start3A_153] : memref<100000x64xf32, #tpu.memory_space<hbm>> -> memref<1x64xf32, #tpu.memory_space<hbm>>
          %dma_start3A_155 = arith.constant 0 : i32
          %dma_start3A_156 = tpu.memref_slice %arg8[%add3A_150, %dma_start3A_155] : memref<64x64xf32, #tpu.memory_space<vmem>> -> memref<1x64xf32, #tpu.memory_space<vmem>>
          %dma_start3A_157 = arith.constant 0 : i32
          %dma_start3A_158 = tpu.memref_slice %arg3[%squeeze3A_146, %dma_start3A_157] : memref<100000x64xf32, #tpu.memory_space<hbm>> -> memref<1x64xf32, #tpu.memory_space<hbm>>
          tpu.enqueue_dma source(%dma_start3A_158 : memref<1x64xf32, #tpu.memory_space<hbm>>) target(%dma_start3A_156 : memref<1x64xf32, #tpu.memory_space<vmem>>) target_semaphore(%arg9 : memref<!tpu.dma_semaphore, #tpu.memory_space<semaphore_mem>>)
          %slice3A_159 = vector.extract_strided_slice %get3A_40 {offsets = [8], sizes = [1], strides = [1]} : vector<16xi32> to vector<1xi32>
          %squeeze3A_160 = vector.extract %slice3A_159[0] : i32 from vector<1xi32>
          %add3A_161 = arith.constant 0 : i32
          %add3A_162 = arith.addi %mul3A_35, %add3A_161 : i32
          %add3A_163 = arith.constant 8 : i32
          %add3A_164 = arith.addi %add3A_162, %add3A_163 : i32
          %dma_start3A_165 = arith.constant 0 : i32
          %dma_start3A_166 = tpu.memref_slice %arg8[%add3A_164, %dma_start3A_165] : memref<64x64xf32, #tpu.memory_space<vmem>> -> memref<1x64xf32, #tpu.memory_space<vmem>>
          %dma_start3A_167 = arith.constant 0 : i32
          %dma_start3A_168 = tpu.memref_slice %arg3[%squeeze3A_160, %dma_start3A_167] : memref<100000x64xf32, #tpu.memory_space<hbm>> -> memref<1x64xf32, #tpu.memory_space<hbm>>
          %dma_start3A_169 = arith.constant 0 : i32
          %dma_start3A_170 = tpu.memref_slice %arg8[%add3A_164, %dma_start3A_169] : memref<64x64xf32, #tpu.memory_space<vmem>> -> memref<1x64xf32, #tpu.memory_space<vmem>>
          %dma_start3A_171 = arith.constant 0 : i32
          %dma_start3A_172 = tpu.memref_slice %arg3[%squeeze3A_160, %dma_start3A_171] : memref<100000x64xf32, #tpu.memory_space<hbm>> -> memref<1x64xf32, #tpu.memory_space<hbm>>
          tpu.enqueue_dma source(%dma_start3A_172 : memref<1x64xf32, #tpu.memory_space<hbm>>) target(%dma_start3A_170 : memref<1x64xf32, #tpu.memory_space<vmem>>) target_semaphore(%arg9 : memref<!tpu.dma_semaphore, #tpu.memory_space<semaphore_mem>>)
          %slice3A_173 = vector.extract_strided_slice %get3A_40 {offsets = [9], sizes = [1], strides = [1]} : vector<16xi32> to vector<1xi32>
          %squeeze3A_174 = vector.extract %slice3A_173[0] : i32 from vector<1xi32>
          %add3A_175 = arith.constant 0 : i32
          %add3A_176 = arith.addi %mul3A_35, %add3A_175 : i32
          %add3A_177 = arith.constant 9 : i32
          %add3A_178 = arith.addi %add3A_176, %add3A_177 : i32
          %dma_start3A_179 = arith.constant 0 : i32
          %dma_start3A_180 = tpu.memref_slice %arg8[%add3A_178, %dma_start3A_179] : memref<64x64xf32, #tpu.memory_space<vmem>> -> memref<1x64xf32, #tpu.memory_space<vmem>>
          %dma_start3A_181 = arith.constant 0 : i32
          %dma_start3A_182 = tpu.memref_slice %arg3[%squeeze3A_174, %dma_start3A_181] : memref<100000x64xf32, #tpu.memory_space<hbm>> -> memref<1x64xf32, #tpu.memory_space<hbm>>
          %dma_start3A_183 = arith.constant 0 : i32
          %dma_start3A_184 = tpu.memref_slice %arg8[%add3A_178, %dma_start3A_183] : memref<64x64xf32, #tpu.memory_space<vmem>> -> memref<1x64xf32, #tpu.memory_space<vmem>>
          %dma_start3A_185 = arith.constant 0 : i32
          %dma_start3A_186 = tpu.memref_slice %arg3[%squeeze3A_174, %dma_start3A_185] : memref<100000x64xf32, #tpu.memory_space<hbm>> -> memref<1x64xf32, #tpu.memory_space<hbm>>
          tpu.enqueue_dma source(%dma_start3A_186 : memref<1x64xf32, #tpu.memory_space<hbm>>) target(%dma_start3A_184 : memref<1x64xf32, #tpu.memory_space<vmem>>) target_semaphore(%arg9 : memref<!tpu.dma_semaphore, #tpu.memory_space<semaphore_mem>>)
          %slice3A_187 = vector.extract_strided_slice %get3A_40 {offsets = [10], sizes = [1], strides = [1]} : vector<16xi32> to vector<1xi32>
          %squeeze3A_188 = vector.extract %slice3A_187[0] : i32 from vector<1xi32>
          %add3A_189 = arith.constant 0 : i32
          %add3A_190 = arith.addi %mul3A_35, %add3A_189 : i32
          %add3A_191 = arith.constant 10 : i32
          %add3A_192 = arith.addi %add3A_190, %add3A_191 : i32
          %dma_start3A_193 = arith.constant 0 : i32
          %dma_start3A_194 = tpu.memref_slice %arg8[%add3A_192, %dma_start3A_193] : memref<64x64xf32, #tpu.memory_space<vmem>> -> memref<1x64xf32, #tpu.memory_space<vmem>>
          %dma_start3A_195 = arith.constant 0 : i32
          %dma_start3A_196 = tpu.memref_slice %arg3[%squeeze3A_188, %dma_start3A_195] : memref<100000x64xf32, #tpu.memory_space<hbm>> -> memref<1x64xf32, #tpu.memory_space<hbm>>
          %dma_start3A_197 = arith.constant 0 : i32
          %dma_start3A_198 = tpu.memref_slice %arg8[%add3A_192, %dma_start3A_197] : memref<64x64xf32, #tpu.memory_space<vmem>> -> memref<1x64xf32, #tpu.memory_space<vmem>>
          %dma_start3A_199 = arith.constant 0 : i32
          %dma_start3A_200 = tpu.memref_slice %arg3[%squeeze3A_188, %dma_start3A_199] : memref<100000x64xf32, #tpu.memory_space<hbm>> -> memref<1x64xf32, #tpu.memory_space<hbm>>
          tpu.enqueue_dma source(%dma_start3A_200 : memref<1x64xf32, #tpu.memory_space<hbm>>) target(%dma_start3A_198 : memref<1x64xf32, #tpu.memory_space<vmem>>) target_semaphore(%arg9 : memref<!tpu.dma_semaphore, #tpu.memory_space<semaphore_mem>>)
          %slice3A_201 = vector.extract_strided_slice %get3A_40 {offsets = [11], sizes = [1], strides = [1]} : vector<16xi32> to vector<1xi32>
          %squeeze3A_202 = vector.extract %slice3A_201[0] : i32 from vector<1xi32>
          %add3A_203 = arith.constant 0 : i32
          %add3A_204 = arith.addi %mul3A_35, %add3A_203 : i32
          %add3A_205 = arith.constant 11 : i32
          %add3A_206 = arith.addi %add3A_204, %add3A_205 : i32
          %dma_start3A_207 = arith.constant 0 : i32
          %dma_start3A_208 = tpu.memref_slice %arg8[%add3A_206, %dma_start3A_207] : memref<64x64xf32, #tpu.memory_space<vmem>> -> memref<1x64xf32, #tpu.memory_space<vmem>>
          %dma_start3A_209 = arith.constant 0 : i32
          %dma_start3A_210 = tpu.memref_slice %arg3[%squeeze3A_202, %dma_start3A_209] : memref<100000x64xf32, #tpu.memory_space<hbm>> -> memref<1x64xf32, #tpu.memory_space<hbm>>
          %dma_start3A_211 = arith.constant 0 : i32
          %dma_start3A_212 = tpu.memref_slice %arg8[%add3A_206, %dma_start3A_211] : memref<64x64xf32, #tpu.memory_space<vmem>> -> memref<1x64xf32, #tpu.memory_space<vmem>>
          %dma_start3A_213 = arith.constant 0 : i32
          %dma_start3A_214 = tpu.memref_slice %arg3[%squeeze3A_202, %dma_start3A_213] : memref<100000x64xf32, #tpu.memory_space<hbm>> -> memref<1x64xf32, #tpu.memory_space<hbm>>
          tpu.enqueue_dma source(%dma_start3A_214 : memref<1x64xf32, #tpu.memory_space<hbm>>) target(%dma_start3A_212 : memref<1x64xf32, #tpu.memory_space<vmem>>) target_semaphore(%arg9 : memref<!tpu.dma_semaphore, #tpu.memory_space<semaphore_mem>>)
          %slice3A_215 = vector.extract_strided_slice %get3A_40 {offsets = [12], sizes = [1], strides = [1]} : vector<16xi32> to vector<1xi32>
          %squeeze3A_216 = vector.extract %slice3A_215[0] : i32 from vector<1xi32>
          %add3A_217 = arith.constant 0 : i32
          %add3A_218 = arith.addi %mul3A_35, %add3A_217 : i32
          %add3A_219 = arith.constant 12 : i32
          %add3A_220 = arith.addi %add3A_218, %add3A_219 : i32
          %dma_start3A_221 = arith.constant 0 : i32
          %dma_start3A_222 = tpu.memref_slice %arg8[%add3A_220, %dma_start3A_221] : memref<64x64xf32, #tpu.memory_space<vmem>> -> memref<1x64xf32, #tpu.memory_space<vmem>>
          %dma_start3A_223 = arith.constant 0 : i32
          %dma_start3A_224 = tpu.memref_slice %arg3[%squeeze3A_216, %dma_start3A_223] : memref<100000x64xf32, #tpu.memory_space<hbm>> -> memref<1x64xf32, #tpu.memory_space<hbm>>
          %dma_start3A_225 = arith.constant 0 : i32
          %dma_start3A_226 = tpu.memref_slice %arg8[%add3A_220, %dma_start3A_225] : memref<64x64xf32, #tpu.memory_space<vmem>> -> memref<1x64xf32, #tpu.memory_space<vmem>>
          %dma_start3A_227 = arith.constant 0 : i32
          %dma_start3A_228 = tpu.memref_slice %arg3[%squeeze3A_216, %dma_start3A_227] : memref<100000x64xf32, #tpu.memory_space<hbm>> -> memref<1x64xf32, #tpu.memory_space<hbm>>
          tpu.enqueue_dma source(%dma_start3A_228 : memref<1x64xf32, #tpu.memory_space<hbm>>) target(%dma_start3A_226 : memref<1x64xf32, #tpu.memory_space<vmem>>) target_semaphore(%arg9 : memref<!tpu.dma_semaphore, #tpu.memory_space<semaphore_mem>>)
          %slice3A_229 = vector.extract_strided_slice %get3A_40 {offsets = [13], sizes = [1], strides = [1]} : vector<16xi32> to vector<1xi32>
          %squeeze3A_230 = vector.extract %slice3A_229[0] : i32 from vector<1xi32>
          %add3A_231 = arith.constant 0 : i32
          %add3A_232 = arith.addi %mul3A_35, %add3A_231 : i32
          %add3A_233 = arith.constant 13 : i32
          %add3A_234 = arith.addi %add3A_232, %add3A_233 : i32
          %dma_start3A_235 = arith.constant 0 : i32
          %dma_start3A_236 = tpu.memref_slice %arg8[%add3A_234, %dma_start3A_235] : memref<64x64xf32, #tpu.memory_space<vmem>> -> memref<1x64xf32, #tpu.memory_space<vmem>>
          %dma_start3A_237 = arith.constant 0 : i32
          %dma_start3A_238 = tpu.memref_slice %arg3[%squeeze3A_230, %dma_start3A_237] : memref<100000x64xf32, #tpu.memory_space<hbm>> -> memref<1x64xf32, #tpu.memory_space<hbm>>
          %dma_start3A_239 = arith.constant 0 : i32
          %dma_start3A_240 = tpu.memref_slice %arg8[%add3A_234, %dma_start3A_239] : memref<64x64xf32, #tpu.memory_space<vmem>> -> memref<1x64xf32, #tpu.memory_space<vmem>>
          %dma_start3A_241 = arith.constant 0 : i32
          %dma_start3A_242 = tpu.memref_slice %arg3[%squeeze3A_230, %dma_start3A_241] : memref<100000x64xf32, #tpu.memory_space<hbm>> -> memref<1x64xf32, #tpu.memory_space<hbm>>
          tpu.enqueue_dma source(%dma_start3A_242 : memref<1x64xf32, #tpu.memory_space<hbm>>) target(%dma_start3A_240 : memref<1x64xf32, #tpu.memory_space<vmem>>) target_semaphore(%arg9 : memref<!tpu.dma_semaphore, #tpu.memory_space<semaphore_mem>>)
          %slice3A_243 = vector.extract_strided_slice %get3A_40 {offsets = [14], sizes = [1], strides = [1]} : vector<16xi32> to vector<1xi32>
          %squeeze3A_244 = vector.extract %slice3A_243[0] : i32 from vector<1xi32>
          %add3A_245 = arith.constant 0 : i32
          %add3A_246 = arith.addi %mul3A_35, %add3A_245 : i32
          %add3A_247 = arith.constant 14 : i32
          %add3A_248 = arith.addi %add3A_246, %add3A_247 : i32
          %dma_start3A_249 = arith.constant 0 : i32
          %dma_start3A_250 = tpu.memref_slice %arg8[%add3A_248, %dma_start3A_249] : memref<64x64xf32, #tpu.memory_space<vmem>> -> memref<1x64xf32, #tpu.memory_space<vmem>>
          %dma_start3A_251 = arith.constant 0 : i32
          %dma_start3A_252 = tpu.memref_slice %arg3[%squeeze3A_244, %dma_start3A_251] : memref<100000x64xf32, #tpu.memory_space<hbm>> -> memref<1x64xf32, #tpu.memory_space<hbm>>
          %dma_start3A_253 = arith.constant 0 : i32
          %dma_start3A_254 = tpu.memref_slice %arg8[%add3A_248, %dma_start3A_253] : memref<64x64xf32, #tpu.memory_space<vmem>> -> memref<1x64xf32, #tpu.memory_space<vmem>>
          %dma_start3A_255 = arith.constant 0 : i32
          %dma_start3A_256 = tpu.memref_slice %arg3[%squeeze3A_244, %dma_start3A_255] : memref<100000x64xf32, #tpu.memory_space<hbm>> -> memref<1x64xf32, #tpu.memory_space<hbm>>
          tpu.enqueue_dma source(%dma_start3A_256 : memref<1x64xf32, #tpu.memory_space<hbm>>) target(%dma_start3A_254 : memref<1x64xf32, #tpu.memory_space<vmem>>) target_semaphore(%arg9 : memref<!tpu.dma_semaphore, #tpu.memory_space<semaphore_mem>>)
          %slice3A_257 = vector.extract_strided_slice %get3A_40 {offsets = [15], sizes = [1], strides = [1]} : vector<16xi32> to vector<1xi32>
          %squeeze3A_258 = vector.extract %slice3A_257[0] : i32 from vector<1xi32>
          %add3A_259 = arith.constant 0 : i32
          %add3A_260 = arith.addi %mul3A_35, %add3A_259 : i32
          %add3A_261 = arith.constant 15 : i32
          %add3A_262 = arith.addi %add3A_260, %add3A_261 : i32
          %dma_start3A_263 = arith.constant 0 : i32
          %dma_start3A_264 = tpu.memref_slice %arg8[%add3A_262, %dma_start3A_263] : memref<64x64xf32, #tpu.memory_space<vmem>> -> memref<1x64xf32, #tpu.memory_space<vmem>>
          %dma_start3A_265 = arith.constant 0 : i32
          %dma_start3A_266 = tpu.memref_slice %arg3[%squeeze3A_258, %dma_start3A_265] : memref<100000x64xf32, #tpu.memory_space<hbm>> -> memref<1x64xf32, #tpu.memory_space<hbm>>
          %dma_start3A_267 = arith.constant 0 : i32
          %dma_start3A_268 = tpu.memref_slice %arg8[%add3A_262, %dma_start3A_267] : memref<64x64xf32, #tpu.memory_space<vmem>> -> memref<1x64xf32, #tpu.memory_space<vmem>>
          %dma_start3A_269 = arith.constant 0 : i32
          %dma_start3A_270 = tpu.memref_slice %arg3[%squeeze3A_258, %dma_start3A_269] : memref<100000x64xf32, #tpu.memory_space<hbm>> -> memref<1x64xf32, #tpu.memory_space<hbm>>
          tpu.enqueue_dma source(%dma_start3A_270 : memref<1x64xf32, #tpu.memory_space<hbm>>) target(%dma_start3A_268 : memref<1x64xf32, #tpu.memory_space<vmem>>) target_semaphore(%arg9 : memref<!tpu.dma_semaphore, #tpu.memory_space<semaphore_mem>>)
          %slice3A_271 = vector.extract_strided_slice %get3A_48 {offsets = [0], sizes = [1], strides = [1]} : vector<16xi32> to vector<1xi32>
          %squeeze3A_272 = vector.extract %slice3A_271[0] : i32 from vector<1xi32>
          %add3A_273 = arith.constant 16 : i32
          %add3A_274 = arith.addi %mul3A_35, %add3A_273 : i32
          %add3A_275 = arith.constant 0 : i32
          %add3A_276 = arith.addi %add3A_274, %add3A_275 : i32
          %dma_start3A_277 = arith.constant 0 : i32
          %dma_start3A_278 = tpu.memref_slice %arg8[%add3A_276, %dma_start3A_277] : memref<64x64xf32, #tpu.memory_space<vmem>> -> memref<1x64xf32, #tpu.memory_space<vmem>>
          %dma_start3A_279 = arith.constant 0 : i32
          %dma_start3A_280 = tpu.memref_slice %arg3[%squeeze3A_272, %dma_start3A_279] : memref<100000x64xf32, #tpu.memory_space<hbm>> -> memref<1x64xf32, #tpu.memory_space<hbm>>
          %dma_start3A_281 = arith.constant 0 : i32
          %dma_start3A_282 = tpu.memref_slice %arg8[%add3A_276, %dma_start3A_281] : memref<64x64xf32, #tpu.memory_space<vmem>> -> memref<1x64xf32, #tpu.memory_space<vmem>>
          %dma_start3A_283 = arith.constant 0 : i32
          %dma_start3A_284 = tpu.memref_slice %arg3[%squeeze3A_272, %dma_start3A_283] : memref<100000x64xf32, #tpu.memory_space<hbm>> -> memref<1x64xf32, #tpu.memory_space<hbm>>
          tpu.enqueue_dma source(%dma_start3A_284 : memref<1x64xf32, #tpu.memory_space<hbm>>) target(%dma_start3A_282 : memref<1x64xf32, #tpu.memory_space<vmem>>) target_semaphore(%arg9 : memref<!tpu.dma_semaphore, #tpu.memory_space<semaphore_mem>>)
          %slice3A_285 = vector.extract_strided_slice %get3A_48 {offsets = [1], sizes = [1], strides = [1]} : vector<16xi32> to vector<1xi32>
          %squeeze3A_286 = vector.extract %slice3A_285[0] : i32 from vector<1xi32>
          %add3A_287 = arith.constant 16 : i32
          %add3A_288 = arith.addi %mul3A_35, %add3A_287 : i32
          %add3A_289 = arith.constant 1 : i32
          %add3A_290 = arith.addi %add3A_288, %add3A_289 : i32
          %dma_start3A_291 = arith.constant 0 : i32
          %dma_start3A_292 = tpu.memref_slice %arg8[%add3A_290, %dma_start3A_291] : memref<64x64xf32, #tpu.memory_space<vmem>> -> memref<1x64xf32, #tpu.memory_space<vmem>>
          %dma_start3A_293 = arith.constant 0 : i32
          %dma_start3A_294 = tpu.memref_slice %arg3[%squeeze3A_286, %dma_start3A_293] : memref<100000x64xf32, #tpu.memory_space<hbm>> -> memref<1x64xf32, #tpu.memory_space<hbm>>
          %dma_start3A_295 = arith.constant 0 : i32
          %dma_start3A_296 = tpu.memref_slice %arg8[%add3A_290, %dma_start3A_295] : memref<64x64xf32, #tpu.memory_space<vmem>> -> memref<1x64xf32, #tpu.memory_space<vmem>>
          %dma_start3A_297 = arith.constant 0 : i32
          %dma_start3A_298 = tpu.memref_slice %arg3[%squeeze3A_286, %dma_start3A_297] : memref<100000x64xf32, #tpu.memory_space<hbm>> -> memref<1x64xf32, #tpu.memory_space<hbm>>
          tpu.enqueue_dma source(%dma_start3A_298 : memref<1x64xf32, #tpu.memory_space<hbm>>) target(%dma_start3A_296 : memref<1x64xf32, #tpu.memory_space<vmem>>) target_semaphore(%arg9 : memref<!tpu.dma_semaphore, #tpu.memory_space<semaphore_mem>>)
          %slice3A_299 = vector.extract_strided_slice %get3A_48 {offsets = [2], sizes = [1], strides = [1]} : vector<16xi32> to vector<1xi32>
          %squeeze3A_300 = vector.extract %slice3A_299[0] : i32 from vector<1xi32>
          %add3A_301 = arith.constant 16 : i32
          %add3A_302 = arith.addi %mul3A_35, %add3A_301 : i32
          %add3A_303 = arith.constant 2 : i32
          %add3A_304 = arith.addi %add3A_302, %add3A_303 : i32
          %dma_start3A_305 = arith.constant 0 : i32
          %dma_start3A_306 = tpu.memref_slice %arg8[%add3A_304, %dma_start3A_305] : memref<64x64xf32, #tpu.memory_space<vmem>> -> memref<1x64xf32, #tpu.memory_space<vmem>>
          %dma_start3A_307 = arith.constant 0 : i32
          %dma_start3A_308 = tpu.memref_slice %arg3[%squeeze3A_300, %dma_start3A_307] : memref<100000x64xf32, #tpu.memory_space<hbm>> -> memref<1x64xf32, #tpu.memory_space<hbm>>
          %dma_start3A_309 = arith.constant 0 : i32
          %dma_start3A_310 = tpu.memref_slice %arg8[%add3A_304, %dma_start3A_309] : memref<64x64xf32, #tpu.memory_space<vmem>> -> memref<1x64xf32, #tpu.memory_space<vmem>>
          %dma_start3A_311 = arith.constant 0 : i32
          %dma_start3A_312 = tpu.memref_slice %arg3[%squeeze3A_300, %dma_start3A_311] : memref<100000x64xf32, #tpu.memory_space<hbm>> -> memref<1x64xf32, #tpu.memory_space<hbm>>
          tpu.enqueue_dma source(%dma_start3A_312 : memref<1x64xf32, #tpu.memory_space<hbm>>) target(%dma_start3A_310 : memref<1x64xf32, #tpu.memory_space<vmem>>) target_semaphore(%arg9 : memref<!tpu.dma_semaphore, #tpu.memory_space<semaphore_mem>>)
          %slice3A_313 = vector.extract_strided_slice %get3A_48 {offsets = [3], sizes = [1], strides = [1]} : vector<16xi32> to vector<1xi32>
          %squeeze3A_314 = vector.extract %slice3A_313[0] : i32 from vector<1xi32>
          %add3A_315 = arith.constant 16 : i32
          %add3A_316 = arith.addi %mul3A_35, %add3A_315 : i32
          %add3A_317 = arith.constant 3 : i32
          %add3A_318 = arith.addi %add3A_316, %add3A_317 : i32
          %dma_start3A_319 = arith.constant 0 : i32
          %dma_start3A_320 = tpu.memref_slice %arg8[%add3A_318, %dma_start3A_319] : memref<64x64xf32, #tpu.memory_space<vmem>> -> memref<1x64xf32, #tpu.memory_space<vmem>>
          %dma_start3A_321 = arith.constant 0 : i32
          %dma_start3A_322 = tpu.memref_slice %arg3[%squeeze3A_314, %dma_start3A_321] : memref<100000x64xf32, #tpu.memory_space<hbm>> -> memref<1x64xf32, #tpu.memory_space<hbm>>
          %dma_start3A_323 = arith.constant 0 : i32
          %dma_start3A_324 = tpu.memref_slice %arg8[%add3A_318, %dma_start3A_323] : memref<64x64xf32, #tpu.memory_space<vmem>> -> memref<1x64xf32, #tpu.memory_space<vmem>>
          %dma_start3A_325 = arith.constant 0 : i32
          %dma_start3A_326 = tpu.memref_slice %arg3[%squeeze3A_314, %dma_start3A_325] : memref<100000x64xf32, #tpu.memory_space<hbm>> -> memref<1x64xf32, #tpu.memory_space<hbm>>
          tpu.enqueue_dma source(%dma_start3A_326 : memref<1x64xf32, #tpu.memory_space<hbm>>) target(%dma_start3A_324 : memref<1x64xf32, #tpu.memory_space<vmem>>) target_semaphore(%arg9 : memref<!tpu.dma_semaphore, #tpu.memory_space<semaphore_mem>>)
          %slice3A_327 = vector.extract_strided_slice %get3A_48 {offsets = [4], sizes = [1], strides = [1]} : vector<16xi32> to vector<1xi32>
          %squeeze3A_328 = vector.extract %slice3A_327[0] : i32 from vector<1xi32>
          %add3A_329 = arith.constant 16 : i32
          %add3A_330 = arith.addi %mul3A_35, %add3A_329 : i32
          %add3A_331 = arith.constant 4 : i32
          %add3A_332 = arith.addi %add3A_330, %add3A_331 : i32
          %dma_start3A_333 = arith.constant 0 : i32
          %dma_start3A_334 = tpu.memref_slice %arg8[%add3A_332, %dma_start3A_333] : memref<64x64xf32, #tpu.memory_space<vmem>> -> memref<1x64xf32, #tpu.memory_space<vmem>>
          %dma_start3A_335 = arith.constant 0 : i32
          %dma_start3A_336 = tpu.memref_slice %arg3[%squeeze3A_328, %dma_start3A_335] : memref<100000x64xf32, #tpu.memory_space<hbm>> -> memref<1x64xf32, #tpu.memory_space<hbm>>
          %dma_start3A_337 = arith.constant 0 : i32
          %dma_start3A_338 = tpu.memref_slice %arg8[%add3A_332, %dma_start3A_337] : memref<64x64xf32, #tpu.memory_space<vmem>> -> memref<1x64xf32, #tpu.memory_space<vmem>>
          %dma_start3A_339 = arith.constant 0 : i32
          %dma_start3A_340 = tpu.memref_slice %arg3[%squeeze3A_328, %dma_start3A_339] : memref<100000x64xf32, #tpu.memory_space<hbm>> -> memref<1x64xf32, #tpu.memory_space<hbm>>
          tpu.enqueue_dma source(%dma_start3A_340 : memref<1x64xf32, #tpu.memory_space<hbm>>) target(%dma_start3A_338 : memref<1x64xf32, #tpu.memory_space<vmem>>) target_semaphore(%arg9 : memref<!tpu.dma_semaphore, #tpu.memory_space<semaphore_mem>>)
          %slice3A_341 = vector.extract_strided_slice %get3A_48 {offsets = [5], sizes = [1], strides = [1]} : vector<16xi32> to vector<1xi32>
          %squeeze3A_342 = vector.extract %slice3A_341[0] : i32 from vector<1xi32>
          %add3A_343 = arith.constant 16 : i32
          %add3A_344 = arith.addi %mul3A_35, %add3A_343 : i32
          %add3A_345 = arith.constant 5 : i32
          %add3A_346 = arith.addi %add3A_344, %add3A_345 : i32
          %dma_start3A_347 = arith.constant 0 : i32
          %dma_start3A_348 = tpu.memref_slice %arg8[%add3A_346, %dma_start3A_347] : memref<64x64xf32, #tpu.memory_space<vmem>> -> memref<1x64xf32, #tpu.memory_space<vmem>>
          %dma_start3A_349 = arith.constant 0 : i32
          %dma_start3A_350 = tpu.memref_slice %arg3[%squeeze3A_342, %dma_start3A_349] : memref<100000x64xf32, #tpu.memory_space<hbm>> -> memref<1x64xf32, #tpu.memory_space<hbm>>
          %dma_start3A_351 = arith.constant 0 : i32
          %dma_start3A_352 = tpu.memref_slice %arg8[%add3A_346, %dma_start3A_351] : memref<64x64xf32, #tpu.memory_space<vmem>> -> memref<1x64xf32, #tpu.memory_space<vmem>>
          %dma_start3A_353 = arith.constant 0 : i32
          %dma_start3A_354 = tpu.memref_slice %arg3[%squeeze3A_342, %dma_start3A_353] : memref<100000x64xf32, #tpu.memory_space<hbm>> -> memref<1x64xf32, #tpu.memory_space<hbm>>
          tpu.enqueue_dma source(%dma_start3A_354 : memref<1x64xf32, #tpu.memory_space<hbm>>) target(%dma_start3A_352 : memref<1x64xf32, #tpu.memory_space<vmem>>) target_semaphore(%arg9 : memref<!tpu.dma_semaphore, #tpu.memory_space<semaphore_mem>>)
          %slice3A_355 = vector.extract_strided_slice %get3A_48 {offsets = [6], sizes = [1], strides = [1]} : vector<16xi32> to vector<1xi32>
          %squeeze3A_356 = vector.extract %slice3A_355[0] : i32 from vector<1xi32>
          %add3A_357 = arith.constant 16 : i32
          %add3A_358 = arith.addi %mul3A_35, %add3A_357 : i32
          %add3A_359 = arith.constant 6 : i32
          %add3A_360 = arith.addi %add3A_358, %add3A_359 : i32
          %dma_start3A_361 = arith.constant 0 : i32
          %dma_start3A_362 = tpu.memref_slice %arg8[%add3A_360, %dma_start3A_361] : memref<64x64xf32, #tpu.memory_space<vmem>> -> memref<1x64xf32, #tpu.memory_space<vmem>>
          %dma_start3A_363 = arith.constant 0 : i32
          %dma_start3A_364 = tpu.memref_slice %arg3[%squeeze3A_356, %dma_start3A_363] : memref<100000x64xf32, #tpu.memory_space<hbm>> -> memref<1x64xf32, #tpu.memory_space<hbm>>
          %dma_start3A_365 = arith.constant 0 : i32
          %dma_start3A_366 = tpu.memref_slice %arg8[%add3A_360, %dma_start3A_365] : memref<64x64xf32, #tpu.memory_space<vmem>> -> memref<1x64xf32, #tpu.memory_space<vmem>>
          %dma_start3A_367 = arith.constant 0 : i32
          %dma_start3A_368 = tpu.memref_slice %arg3[%squeeze3A_356, %dma_start3A_367] : memref<100000x64xf32, #tpu.memory_space<hbm>> -> memref<1x64xf32, #tpu.memory_space<hbm>>
          tpu.enqueue_dma source(%dma_start3A_368 : memref<1x64xf32, #tpu.memory_space<hbm>>) target(%dma_start3A_366 : memref<1x64xf32, #tpu.memory_space<vmem>>) target_semaphore(%arg9 : memref<!tpu.dma_semaphore, #tpu.memory_space<semaphore_mem>>)
          %slice3A_369 = vector.extract_strided_slice %get3A_48 {offsets = [7], sizes = [1], strides = [1]} : vector<16xi32> to vector<1xi32>
          %squeeze3A_370 = vector.extract %slice3A_369[0] : i32 from vector<1xi32>
          %add3A_371 = arith.constant 16 : i32
          %add3A_372 = arith.addi %mul3A_35, %add3A_371 : i32
          %add3A_373 = arith.constant 7 : i32
          %add3A_374 = arith.addi %add3A_372, %add3A_373 : i32
          %dma_start3A_375 = arith.constant 0 : i32
          %dma_start3A_376 = tpu.memref_slice %arg8[%add3A_374, %dma_start3A_375] : memref<64x64xf32, #tpu.memory_space<vmem>> -> memref<1x64xf32, #tpu.memory_space<vmem>>
          %dma_start3A_377 = arith.constant 0 : i32
          %dma_start3A_378 = tpu.memref_slice %arg3[%squeeze3A_370, %dma_start3A_377] : memref<100000x64xf32, #tpu.memory_space<hbm>> -> memref<1x64xf32, #tpu.memory_space<hbm>>
          %dma_start3A_379 = arith.constant 0 : i32
          %dma_start3A_380 = tpu.memref_slice %arg8[%add3A_374, %dma_start3A_379] : memref<64x64xf32, #tpu.memory_space<vmem>> -> memref<1x64xf32, #tpu.memory_space<vmem>>
          %dma_start3A_381 = arith.constant 0 : i32
          %dma_start3A_382 = tpu.memref_slice %arg3[%squeeze3A_370, %dma_start3A_381] : memref<100000x64xf32, #tpu.memory_space<hbm>> -> memref<1x64xf32, #tpu.memory_space<hbm>>
          tpu.enqueue_dma source(%dma_start3A_382 : memref<1x64xf32, #tpu.memory_space<hbm>>) target(%dma_start3A_380 : memref<1x64xf32, #tpu.memory_space<vmem>>) target_semaphore(%arg9 : memref<!tpu.dma_semaphore, #tpu.memory_space<semaphore_mem>>)
          %slice3A_383 = vector.extract_strided_slice %get3A_48 {offsets = [8], sizes = [1], strides = [1]} : vector<16xi32> to vector<1xi32>
          %squeeze3A_384 = vector.extract %slice3A_383[0] : i32 from vector<1xi32>
          %add3A_385 = arith.constant 16 : i32
          %add3A_386 = arith.addi %mul3A_35, %add3A_385 : i32
          %add3A_387 = arith.constant 8 : i32
          %add3A_388 = arith.addi %add3A_386, %add3A_387 : i32
          %dma_start3A_389 = arith.constant 0 : i32
          %dma_start3A_390 = tpu.memref_slice %arg8[%add3A_388, %dma_start3A_389] : memref<64x64xf32, #tpu.memory_space<vmem>> -> memref<1x64xf32, #tpu.memory_space<vmem>>
          %dma_start3A_391 = arith.constant 0 : i32
          %dma_start3A_392 = tpu.memref_slice %arg3[%squeeze3A_384, %dma_start3A_391] : memref<100000x64xf32, #tpu.memory_space<hbm>> -> memref<1x64xf32, #tpu.memory_space<hbm>>
          %dma_start3A_393 = arith.constant 0 : i32
          %dma_start3A_394 = tpu.memref_slice %arg8[%add3A_388, %dma_start3A_393] : memref<64x64xf32, #tpu.memory_space<vmem>> -> memref<1x64xf32, #tpu.memory_space<vmem>>
          %dma_start3A_395 = arith.constant 0 : i32
          %dma_start3A_396 = tpu.memref_slice %arg3[%squeeze3A_384, %dma_start3A_395] : memref<100000x64xf32, #tpu.memory_space<hbm>> -> memref<1x64xf32, #tpu.memory_space<hbm>>
          tpu.enqueue_dma source(%dma_start3A_396 : memref<1x64xf32, #tpu.memory_space<hbm>>) target(%dma_start3A_394 : memref<1x64xf32, #tpu.memory_space<vmem>>) target_semaphore(%arg9 : memref<!tpu.dma_semaphore, #tpu.memory_space<semaphore_mem>>)
          %slice3A_397 = vector.extract_strided_slice %get3A_48 {offsets = [9], sizes = [1], strides = [1]} : vector<16xi32> to vector<1xi32>
          %squeeze3A_398 = vector.extract %slice3A_397[0] : i32 from vector<1xi32>
          %add3A_399 = arith.constant 16 : i32
          %add3A_400 = arith.addi %mul3A_35, %add3A_399 : i32
          %add3A_401 = arith.constant 9 : i32
          %add3A_402 = arith.addi %add3A_400, %add3A_401 : i32
          %dma_start3A_403 = arith.constant 0 : i32
          %dma_start3A_404 = tpu.memref_slice %arg8[%add3A_402, %dma_start3A_403] : memref<64x64xf32, #tpu.memory_space<vmem>> -> memref<1x64xf32, #tpu.memory_space<vmem>>
          %dma_start3A_405 = arith.constant 0 : i32
          %dma_start3A_406 = tpu.memref_slice %arg3[%squeeze3A_398, %dma_start3A_405] : memref<100000x64xf32, #tpu.memory_space<hbm>> -> memref<1x64xf32, #tpu.memory_space<hbm>>
          %dma_start3A_407 = arith.constant 0 : i32
          %dma_start3A_408 = tpu.memref_slice %arg8[%add3A_402, %dma_start3A_407] : memref<64x64xf32, #tpu.memory_space<vmem>> -> memref<1x64xf32, #tpu.memory_space<vmem>>
          %dma_start3A_409 = arith.constant 0 : i32
          %dma_start3A_410 = tpu.memref_slice %arg3[%squeeze3A_398, %dma_start3A_409] : memref<100000x64xf32, #tpu.memory_space<hbm>> -> memref<1x64xf32, #tpu.memory_space<hbm>>
          tpu.enqueue_dma source(%dma_start3A_410 : memref<1x64xf32, #tpu.memory_space<hbm>>) target(%dma_start3A_408 : memref<1x64xf32, #tpu.memory_space<vmem>>) target_semaphore(%arg9 : memref<!tpu.dma_semaphore, #tpu.memory_space<semaphore_mem>>)
          %slice3A_411 = vector.extract_strided_slice %get3A_48 {offsets = [10], sizes = [1], strides = [1]} : vector<16xi32> to vector<1xi32>
          %squeeze3A_412 = vector.extract %slice3A_411[0] : i32 from vector<1xi32>
          %add3A_413 = arith.constant 16 : i32
          %add3A_414 = arith.addi %mul3A_35, %add3A_413 : i32
          %add3A_415 = arith.constant 10 : i32
          %add3A_416 = arith.addi %add3A_414, %add3A_415 : i32
          %dma_start3A_417 = arith.constant 0 : i32
          %dma_start3A_418 = tpu.memref_slice %arg8[%add3A_416, %dma_start3A_417] : memref<64x64xf32, #tpu.memory_space<vmem>> -> memref<1x64xf32, #tpu.memory_space<vmem>>
          %dma_start3A_419 = arith.constant 0 : i32
          %dma_start3A_420 = tpu.memref_slice %arg3[%squeeze3A_412, %dma_start3A_419] : memref<100000x64xf32, #tpu.memory_space<hbm>> -> memref<1x64xf32, #tpu.memory_space<hbm>>
          %dma_start3A_421 = arith.constant 0 : i32
          %dma_start3A_422 = tpu.memref_slice %arg8[%add3A_416, %dma_start3A_421] : memref<64x64xf32, #tpu.memory_space<vmem>> -> memref<1x64xf32, #tpu.memory_space<vmem>>
          %dma_start3A_423 = arith.constant 0 : i32
          %dma_start3A_424 = tpu.memref_slice %arg3[%squeeze3A_412, %dma_start3A_423] : memref<100000x64xf32, #tpu.memory_space<hbm>> -> memref<1x64xf32, #tpu.memory_space<hbm>>
          tpu.enqueue_dma source(%dma_start3A_424 : memref<1x64xf32, #tpu.memory_space<hbm>>) target(%dma_start3A_422 : memref<1x64xf32, #tpu.memory_space<vmem>>) target_semaphore(%arg9 : memref<!tpu.dma_semaphore, #tpu.memory_space<semaphore_mem>>)
          %slice3A_425 = vector.extract_strided_slice %get3A_48 {offsets = [11], sizes = [1], strides = [1]} : vector<16xi32> to vector<1xi32>
          %squeeze3A_426 = vector.extract %slice3A_425[0] : i32 from vector<1xi32>
          %add3A_427 = arith.constant 16 : i32
          %add3A_428 = arith.addi %mul3A_35, %add3A_427 : i32
          %add3A_429 = arith.constant 11 : i32
          %add3A_430 = arith.addi %add3A_428, %add3A_429 : i32
          %dma_start3A_431 = arith.constant 0 : i32
          %dma_start3A_432 = tpu.memref_slice %arg8[%add3A_430, %dma_start3A_431] : memref<64x64xf32, #tpu.memory_space<vmem>> -> memref<1x64xf32, #tpu.memory_space<vmem>>
          %dma_start3A_433 = arith.constant 0 : i32
          %dma_start3A_434 = tpu.memref_slice %arg3[%squeeze3A_426, %dma_start3A_433] : memref<100000x64xf32, #tpu.memory_space<hbm>> -> memref<1x64xf32, #tpu.memory_space<hbm>>
          %dma_start3A_435 = arith.constant 0 : i32
          %dma_start3A_436 = tpu.memref_slice %arg8[%add3A_430, %dma_start3A_435] : memref<64x64xf32, #tpu.memory_space<vmem>> -> memref<1x64xf32, #tpu.memory_space<vmem>>
          %dma_start3A_437 = arith.constant 0 : i32
          %dma_start3A_438 = tpu.memref_slice %arg3[%squeeze3A_426, %dma_start3A_437] : memref<100000x64xf32, #tpu.memory_space<hbm>> -> memref<1x64xf32, #tpu.memory_space<hbm>>
          tpu.enqueue_dma source(%dma_start3A_438 : memref<1x64xf32, #tpu.memory_space<hbm>>) target(%dma_start3A_436 : memref<1x64xf32, #tpu.memory_space<vmem>>) target_semaphore(%arg9 : memref<!tpu.dma_semaphore, #tpu.memory_space<semaphore_mem>>)
          %slice3A_439 = vector.extract_strided_slice %get3A_48 {offsets = [12], sizes = [1], strides = [1]} : vector<16xi32> to vector<1xi32>
          %squeeze3A_440 = vector.extract %slice3A_439[0] : i32 from vector<1xi32>
          %add3A_441 = arith.constant 16 : i32
          %add3A_442 = arith.addi %mul3A_35, %add3A_441 : i32
          %add3A_443 = arith.constant 12 : i32
          %add3A_444 = arith.addi %add3A_442, %add3A_443 : i32
          %dma_start3A_445 = arith.constant 0 : i32
          %dma_start3A_446 = tpu.memref_slice %arg8[%add3A_444, %dma_start3A_445] : memref<64x64xf32, #tpu.memory_space<vmem>> -> memref<1x64xf32, #tpu.memory_space<vmem>>
          %dma_start3A_447 = arith.constant 0 : i32
          %dma_start3A_448 = tpu.memref_slice %arg3[%squeeze3A_440, %dma_start3A_447] : memref<100000x64xf32, #tpu.memory_space<hbm>> -> memref<1x64xf32, #tpu.memory_space<hbm>>
          %dma_start3A_449 = arith.constant 0 : i32
          %dma_start3A_450 = tpu.memref_slice %arg8[%add3A_444, %dma_start3A_449] : memref<64x64xf32, #tpu.memory_space<vmem>> -> memref<1x64xf32, #tpu.memory_space<vmem>>
          %dma_start3A_451 = arith.constant 0 : i32
          %dma_start3A_452 = tpu.memref_slice %arg3[%squeeze3A_440, %dma_start3A_451] : memref<100000x64xf32, #tpu.memory_space<hbm>> -> memref<1x64xf32, #tpu.memory_space<hbm>>
          tpu.enqueue_dma source(%dma_start3A_452 : memref<1x64xf32, #tpu.memory_space<hbm>>) target(%dma_start3A_450 : memref<1x64xf32, #tpu.memory_space<vmem>>) target_semaphore(%arg9 : memref<!tpu.dma_semaphore, #tpu.memory_space<semaphore_mem>>)
          %slice3A_453 = vector.extract_strided_slice %get3A_48 {offsets = [13], sizes = [1], strides = [1]} : vector<16xi32> to vector<1xi32>
          %squeeze3A_454 = vector.extract %slice3A_453[0] : i32 from vector<1xi32>
          %add3A_455 = arith.constant 16 : i32
          %add3A_456 = arith.addi %mul3A_35, %add3A_455 : i32
          %add3A_457 = arith.constant 13 : i32
          %add3A_458 = arith.addi %add3A_456, %add3A_457 : i32
          %dma_start3A_459 = arith.constant 0 : i32
          %dma_start3A_460 = tpu.memref_slice %arg8[%add3A_458, %dma_start3A_459] : memref<64x64xf32, #tpu.memory_space<vmem>> -> memref<1x64xf32, #tpu.memory_space<vmem>>
          %dma_start3A_461 = arith.constant 0 : i32
          %dma_start3A_462 = tpu.memref_slice %arg3[%squeeze3A_454, %dma_start3A_461] : memref<100000x64xf32, #tpu.memory_space<hbm>> -> memref<1x64xf32, #tpu.memory_space<hbm>>
          %dma_start3A_463 = arith.constant 0 : i32
          %dma_start3A_464 = tpu.memref_slice %arg8[%add3A_458, %dma_start3A_463] : memref<64x64xf32, #tpu.memory_space<vmem>> -> memref<1x64xf32, #tpu.memory_space<vmem>>
          %dma_start3A_465 = arith.constant 0 : i32
          %dma_start3A_466 = tpu.memref_slice %arg3[%squeeze3A_454, %dma_start3A_465] : memref<100000x64xf32, #tpu.memory_space<hbm>> -> memref<1x64xf32, #tpu.memory_space<hbm>>
          tpu.enqueue_dma source(%dma_start3A_466 : memref<1x64xf32, #tpu.memory_space<hbm>>) target(%dma_start3A_464 : memref<1x64xf32, #tpu.memory_space<vmem>>) target_semaphore(%arg9 : memref<!tpu.dma_semaphore, #tpu.memory_space<semaphore_mem>>)
          %slice3A_467 = vector.extract_strided_slice %get3A_48 {offsets = [14], sizes = [1], strides = [1]} : vector<16xi32> to vector<1xi32>
          %squeeze3A_468 = vector.extract %slice3A_467[0] : i32 from vector<1xi32>
          %add3A_469 = arith.constant 16 : i32
          %add3A_470 = arith.addi %mul3A_35, %add3A_469 : i32
          %add3A_471 = arith.constant 14 : i32
          %add3A_472 = arith.addi %add3A_470, %add3A_471 : i32
          %dma_start3A_473 = arith.constant 0 : i32
          %dma_start3A_474 = tpu.memref_slice %arg8[%add3A_472, %dma_start3A_473] : memref<64x64xf32, #tpu.memory_space<vmem>> -> memref<1x64xf32, #tpu.memory_space<vmem>>
          %dma_start3A_475 = arith.constant 0 : i32
          %dma_start3A_476 = tpu.memref_slice %arg3[%squeeze3A_468, %dma_start3A_475] : memref<100000x64xf32, #tpu.memory_space<hbm>> -> memref<1x64xf32, #tpu.memory_space<hbm>>
          %dma_start3A_477 = arith.constant 0 : i32
          %dma_start3A_478 = tpu.memref_slice %arg8[%add3A_472, %dma_start3A_477] : memref<64x64xf32, #tpu.memory_space<vmem>> -> memref<1x64xf32, #tpu.memory_space<vmem>>
          %dma_start3A_479 = arith.constant 0 : i32
          %dma_start3A_480 = tpu.memref_slice %arg3[%squeeze3A_468, %dma_start3A_479] : memref<100000x64xf32, #tpu.memory_space<hbm>> -> memref<1x64xf32, #tpu.memory_space<hbm>>
          tpu.enqueue_dma source(%dma_start3A_480 : memref<1x64xf32, #tpu.memory_space<hbm>>) target(%dma_start3A_478 : memref<1x64xf32, #tpu.memory_space<vmem>>) target_semaphore(%arg9 : memref<!tpu.dma_semaphore, #tpu.memory_space<semaphore_mem>>)
          %slice3A_481 = vector.extract_strided_slice %get3A_48 {offsets = [15], sizes = [1], strides = [1]} : vector<16xi32> to vector<1xi32>
          %squeeze3A_482 = vector.extract %slice3A_481[0] : i32 from vector<1xi32>
          %add3A_483 = arith.constant 16 : i32
          %add3A_484 = arith.addi %mul3A_35, %add3A_483 : i32
          %add3A_485 = arith.constant 15 : i32
          %add3A_486 = arith.addi %add3A_484, %add3A_485 : i32
          %dma_start3A_487 = arith.constant 0 : i32
          %dma_start3A_488 = tpu.memref_slice %arg8[%add3A_486, %dma_start3A_487] : memref<64x64xf32, #tpu.memory_space<vmem>> -> memref<1x64xf32, #tpu.memory_space<vmem>>
          %dma_start3A_489 = arith.constant 0 : i32
          %dma_start3A_490 = tpu.memref_slice %arg3[%squeeze3A_482, %dma_start3A_489] : memref<100000x64xf32, #tpu.memory_space<hbm>> -> memref<1x64xf32, #tpu.memory_space<hbm>>
          %dma_start3A_491 = arith.constant 0 : i32
          %dma_start3A_492 = tpu.memref_slice %arg8[%add3A_486, %dma_start3A_491] : memref<64x64xf32, #tpu.memory_space<vmem>> -> memref<1x64xf32, #tpu.memory_space<vmem>>
          %dma_start3A_493 = arith.constant 0 : i32
          %dma_start3A_494 = tpu.memref_slice %arg3[%squeeze3A_482, %dma_start3A_493] : memref<100000x64xf32, #tpu.memory_space<hbm>> -> memref<1x64xf32, #tpu.memory_space<hbm>>
          tpu.enqueue_dma source(%dma_start3A_494 : memref<1x64xf32, #tpu.memory_space<hbm>>) target(%dma_start3A_492 : memref<1x64xf32, #tpu.memory_space<vmem>>) target_semaphore(%arg9 : memref<!tpu.dma_semaphore, #tpu.memory_space<semaphore_mem>>)
          %dma_wait3A_495 = arith.constant 0 : i32
          %dma_wait3A_496 = tpu.memref_slice %arg8[%add3A_52, %dma_wait3A_495] : memref<64x64xf32, #tpu.memory_space<vmem>> -> memref<1x64xf32, #tpu.memory_space<vmem>>
          %dma_wait3A_497 = arith.constant 0 : i32
          %dma_wait3A_498 = tpu.memref_slice %arg3[%squeeze3A, %dma_wait3A_497] : memref<100000x64xf32, #tpu.memory_space<hbm>> -> memref<1x64xf32, #tpu.memory_space<hbm>>
          %dma_wait3A_499 = arith.constant 0 : i32
          %dma_wait3A_500 = tpu.memref_slice %arg8[%add3A_52, %dma_wait3A_499] : memref<64x64xf32, #tpu.memory_space<vmem>> -> memref<1x64xf32, #tpu.memory_space<vmem>>
          %dma_wait3A_501 = arith.constant 0 : i32
          %dma_wait3A_502 = tpu.memref_slice %arg3[%squeeze3A, %dma_wait3A_501] : memref<100000x64xf32, #tpu.memory_space<hbm>> -> memref<1x64xf32, #tpu.memory_space<hbm>>
          tpu.wait_dma2 semaphore(%arg9 : memref<!tpu.dma_semaphore, #tpu.memory_space<semaphore_mem>>) src(%dma_wait3A_502 : memref<1x64xf32, #tpu.memory_space<hbm>>) dst(%dma_wait3A_500 : memref<1x64xf32, #tpu.memory_space<vmem>>)
          %dma_wait3A_503 = arith.constant 0 : i32
          %dma_wait3A_504 = tpu.memref_slice %arg8[%add3A_66, %dma_wait3A_503] : memref<64x64xf32, #tpu.memory_space<vmem>> -> memref<1x64xf32, #tpu.memory_space<vmem>>
          %dma_wait3A_505 = arith.constant 0 : i32
          %dma_wait3A_506 = tpu.memref_slice %arg3[%squeeze3A_62, %dma_wait3A_505] : memref<100000x64xf32, #tpu.memory_space<hbm>> -> memref<1x64xf32, #tpu.memory_space<hbm>>
          %dma_wait3A_507 = arith.constant 0 : i32
          %dma_wait3A_508 = tpu.memref_slice %arg8[%add3A_66, %dma_wait3A_507] : memref<64x64xf32, #tpu.memory_space<vmem>> -> memref<1x64xf32, #tpu.memory_space<vmem>>
          %dma_wait3A_509 = arith.constant 0 : i32
          %dma_wait3A_510 = tpu.memref_slice %arg3[%squeeze3A_62, %dma_wait3A_509] : memref<100000x64xf32, #tpu.memory_space<hbm>> -> memref<1x64xf32, #tpu.memory_space<hbm>>
          tpu.wait_dma2 semaphore(%arg9 : memref<!tpu.dma_semaphore, #tpu.memory_space<semaphore_mem>>) src(%dma_wait3A_510 : memref<1x64xf32, #tpu.memory_space<hbm>>) dst(%dma_wait3A_508 : memref<1x64xf32, #tpu.memory_space<vmem>>)
          %dma_wait3A_511 = arith.constant 0 : i32
          %dma_wait3A_512 = tpu.memref_slice %arg8[%add3A_80, %dma_wait3A_511] : memref<64x64xf32, #tpu.memory_space<vmem>> -> memref<1x64xf32, #tpu.memory_space<vmem>>
          %dma_wait3A_513 = arith.constant 0 : i32
          %dma_wait3A_514 = tpu.memref_slice %arg3[%squeeze3A_76, %dma_wait3A_513] : memref<100000x64xf32, #tpu.memory_space<hbm>> -> memref<1x64xf32, #tpu.memory_space<hbm>>
          %dma_wait3A_515 = arith.constant 0 : i32
          %dma_wait3A_516 = tpu.memref_slice %arg8[%add3A_80, %dma_wait3A_515] : memref<64x64xf32, #tpu.memory_space<vmem>> -> memref<1x64xf32, #tpu.memory_space<vmem>>
          %dma_wait3A_517 = arith.constant 0 : i32
          %dma_wait3A_518 = tpu.memref_slice %arg3[%squeeze3A_76, %dma_wait3A_517] : memref<100000x64xf32, #tpu.memory_space<hbm>> -> memref<1x64xf32, #tpu.memory_space<hbm>>
          tpu.wait_dma2 semaphore(%arg9 : memref<!tpu.dma_semaphore, #tpu.memory_space<semaphore_mem>>) src(%dma_wait3A_518 : memref<1x64xf32, #tpu.memory_space<hbm>>) dst(%dma_wait3A_516 : memref<1x64xf32, #tpu.memory_space<vmem>>)
          %dma_wait3A_519 = arith.constant 0 : i32
          %dma_wait3A_520 = tpu.memref_slice %arg8[%add3A_94, %dma_wait3A_519] : memref<64x64xf32, #tpu.memory_space<vmem>> -> memref<1x64xf32, #tpu.memory_space<vmem>>
          %dma_wait3A_521 = arith.constant 0 : i32
          %dma_wait3A_522 = tpu.memref_slice %arg3[%squeeze3A_90, %dma_wait3A_521] : memref<100000x64xf32, #tpu.memory_space<hbm>> -> memref<1x64xf32, #tpu.memory_space<hbm>>
          %dma_wait3A_523 = arith.constant 0 : i32
          %dma_wait3A_524 = tpu.memref_slice %arg8[%add3A_94, %dma_wait3A_523] : memref<64x64xf32, #tpu.memory_space<vmem>> -> memref<1x64xf32, #tpu.memory_space<vmem>>
          %dma_wait3A_525 = arith.constant 0 : i32
          %dma_wait3A_526 = tpu.memref_slice %arg3[%squeeze3A_90, %dma_wait3A_525] : memref<100000x64xf32, #tpu.memory_space<hbm>> -> memref<1x64xf32, #tpu.memory_space<hbm>>
          tpu.wait_dma2 semaphore(%arg9 : memref<!tpu.dma_semaphore, #tpu.memory_space<semaphore_mem>>) src(%dma_wait3A_526 : memref<1x64xf32, #tpu.memory_space<hbm>>) dst(%dma_wait3A_524 : memref<1x64xf32, #tpu.memory_space<vmem>>)
          %dma_wait3A_527 = arith.constant 0 : i32
          %dma_wait3A_528 = tpu.memref_slice %arg8[%add3A_108, %dma_wait3A_527] : memref<64x64xf32, #tpu.memory_space<vmem>> -> memref<1x64xf32, #tpu.memory_space<vmem>>
          %dma_wait3A_529 = arith.constant 0 : i32
          %dma_wait3A_530 = tpu.memref_slice %arg3[%squeeze3A_104, %dma_wait3A_529] : memref<100000x64xf32, #tpu.memory_space<hbm>> -> memref<1x64xf32, #tpu.memory_space<hbm>>
          %dma_wait3A_531 = arith.constant 0 : i32
          %dma_wait3A_532 = tpu.memref_slice %arg8[%add3A_108, %dma_wait3A_531] : memref<64x64xf32, #tpu.memory_space<vmem>> -> memref<1x64xf32, #tpu.memory_space<vmem>>
          %dma_wait3A_533 = arith.constant 0 : i32
          %dma_wait3A_534 = tpu.memref_slice %arg3[%squeeze3A_104, %dma_wait3A_533] : memref<100000x64xf32, #tpu.memory_space<hbm>> -> memref<1x64xf32, #tpu.memory_space<hbm>>
          tpu.wait_dma2 semaphore(%arg9 : memref<!tpu.dma_semaphore, #tpu.memory_space<semaphore_mem>>) src(%dma_wait3A_534 : memref<1x64xf32, #tpu.memory_space<hbm>>) dst(%dma_wait3A_532 : memref<1x64xf32, #tpu.memory_space<vmem>>)
          %dma_wait3A_535 = arith.constant 0 : i32
          %dma_wait3A_536 = tpu.memref_slice %arg8[%add3A_122, %dma_wait3A_535] : memref<64x64xf32, #tpu.memory_space<vmem>> -> memref<1x64xf32, #tpu.memory_space<vmem>>
          %dma_wait3A_537 = arith.constant 0 : i32
          %dma_wait3A_538 = tpu.memref_slice %arg3[%squeeze3A_118, %dma_wait3A_537] : memref<100000x64xf32, #tpu.memory_space<hbm>> -> memref<1x64xf32, #tpu.memory_space<hbm>>
          %dma_wait3A_539 = arith.constant 0 : i32
          %dma_wait3A_540 = tpu.memref_slice %arg8[%add3A_122, %dma_wait3A_539] : memref<64x64xf32, #tpu.memory_space<vmem>> -> memref<1x64xf32, #tpu.memory_space<vmem>>
          %dma_wait3A_541 = arith.constant 0 : i32
          %dma_wait3A_542 = tpu.memref_slice %arg3[%squeeze3A_118, %dma_wait3A_541] : memref<100000x64xf32, #tpu.memory_space<hbm>> -> memref<1x64xf32, #tpu.memory_space<hbm>>
          tpu.wait_dma2 semaphore(%arg9 : memref<!tpu.dma_semaphore, #tpu.memory_space<semaphore_mem>>) src(%dma_wait3A_542 : memref<1x64xf32, #tpu.memory_space<hbm>>) dst(%dma_wait3A_540 : memref<1x64xf32, #tpu.memory_space<vmem>>)
          %dma_wait3A_543 = arith.constant 0 : i32
          %dma_wait3A_544 = tpu.memref_slice %arg8[%add3A_136, %dma_wait3A_543] : memref<64x64xf32, #tpu.memory_space<vmem>> -> memref<1x64xf32, #tpu.memory_space<vmem>>
          %dma_wait3A_545 = arith.constant 0 : i32
          %dma_wait3A_546 = tpu.memref_slice %arg3[%squeeze3A_132, %dma_wait3A_545] : memref<100000x64xf32, #tpu.memory_space<hbm>> -> memref<1x64xf32, #tpu.memory_space<hbm>>
          %dma_wait3A_547 = arith.constant 0 : i32
          %dma_wait3A_548 = tpu.memref_slice %arg8[%add3A_136, %dma_wait3A_547] : memref<64x64xf32, #tpu.memory_space<vmem>> -> memref<1x64xf32, #tpu.memory_space<vmem>>
          %dma_wait3A_549 = arith.constant 0 : i32
          %dma_wait3A_550 = tpu.memref_slice %arg3[%squeeze3A_132, %dma_wait3A_549] : memref<100000x64xf32, #tpu.memory_space<hbm>> -> memref<1x64xf32, #tpu.memory_space<hbm>>
          tpu.wait_dma2 semaphore(%arg9 : memref<!tpu.dma_semaphore, #tpu.memory_space<semaphore_mem>>) src(%dma_wait3A_550 : memref<1x64xf32, #tpu.memory_space<hbm>>) dst(%dma_wait3A_548 : memref<1x64xf32, #tpu.memory_space<vmem>>)
          %dma_wait3A_551 = arith.constant 0 : i32
          %dma_wait3A_552 = tpu.memref_slice %arg8[%add3A_150, %dma_wait3A_551] : memref<64x64xf32, #tpu.memory_space<vmem>> -> memref<1x64xf32, #tpu.memory_space<vmem>>
          %dma_wait3A_553 = arith.constant 0 : i32
          %dma_wait3A_554 = tpu.memref_slice %arg3[%squeeze3A_146, %dma_wait3A_553] : memref<100000x64xf32, #tpu.memory_space<hbm>> -> memref<1x64xf32, #tpu.memory_space<hbm>>
          %dma_wait3A_555 = arith.constant 0 : i32
          %dma_wait3A_556 = tpu.memref_slice %arg8[%add3A_150, %dma_wait3A_555] : memref<64x64xf32, #tpu.memory_space<vmem>> -> memref<1x64xf32, #tpu.memory_space<vmem>>
          %dma_wait3A_557 = arith.constant 0 : i32
          %dma_wait3A_558 = tpu.memref_slice %arg3[%squeeze3A_146, %dma_wait3A_557] : memref<100000x64xf32, #tpu.memory_space<hbm>> -> memref<1x64xf32, #tpu.memory_space<hbm>>
          tpu.wait_dma2 semaphore(%arg9 : memref<!tpu.dma_semaphore, #tpu.memory_space<semaphore_mem>>) src(%dma_wait3A_558 : memref<1x64xf32, #tpu.memory_space<hbm>>) dst(%dma_wait3A_556 : memref<1x64xf32, #tpu.memory_space<vmem>>)
          %dma_wait3A_559 = arith.constant 0 : i32
          %dma_wait3A_560 = tpu.memref_slice %arg8[%add3A_164, %dma_wait3A_559] : memref<64x64xf32, #tpu.memory_space<vmem>> -> memref<1x64xf32, #tpu.memory_space<vmem>>
          %dma_wait3A_561 = arith.constant 0 : i32
          %dma_wait3A_562 = tpu.memref_slice %arg3[%squeeze3A_160, %dma_wait3A_561] : memref<100000x64xf32, #tpu.memory_space<hbm>> -> memref<1x64xf32, #tpu.memory_space<hbm>>
          %dma_wait3A_563 = arith.constant 0 : i32
          %dma_wait3A_564 = tpu.memref_slice %arg8[%add3A_164, %dma_wait3A_563] : memref<64x64xf32, #tpu.memory_space<vmem>> -> memref<1x64xf32, #tpu.memory_space<vmem>>
          %dma_wait3A_565 = arith.constant 0 : i32
          %dma_wait3A_566 = tpu.memref_slice %arg3[%squeeze3A_160, %dma_wait3A_565] : memref<100000x64xf32, #tpu.memory_space<hbm>> -> memref<1x64xf32, #tpu.memory_space<hbm>>
          tpu.wait_dma2 semaphore(%arg9 : memref<!tpu.dma_semaphore, #tpu.memory_space<semaphore_mem>>) src(%dma_wait3A_566 : memref<1x64xf32, #tpu.memory_space<hbm>>) dst(%dma_wait3A_564 : memref<1x64xf32, #tpu.memory_space<vmem>>)
          %dma_wait3A_567 = arith.constant 0 : i32
          %dma_wait3A_568 = tpu.memref_slice %arg8[%add3A_178, %dma_wait3A_567] : memref<64x64xf32, #tpu.memory_space<vmem>> -> memref<1x64xf32, #tpu.memory_space<vmem>>
          %dma_wait3A_569 = arith.constant 0 : i32
          %dma_wait3A_570 = tpu.memref_slice %arg3[%squeeze3A_174, %dma_wait3A_569] : memref<100000x64xf32, #tpu.memory_space<hbm>> -> memref<1x64xf32, #tpu.memory_space<hbm>>
          %dma_wait3A_571 = arith.constant 0 : i32
          %dma_wait3A_572 = tpu.memref_slice %arg8[%add3A_178, %dma_wait3A_571] : memref<64x64xf32, #tpu.memory_space<vmem>> -> memref<1x64xf32, #tpu.memory_space<vmem>>
          %dma_wait3A_573 = arith.constant 0 : i32
          %dma_wait3A_574 = tpu.memref_slice %arg3[%squeeze3A_174, %dma_wait3A_573] : memref<100000x64xf32, #tpu.memory_space<hbm>> -> memref<1x64xf32, #tpu.memory_space<hbm>>
          tpu.wait_dma2 semaphore(%arg9 : memref<!tpu.dma_semaphore, #tpu.memory_space<semaphore_mem>>) src(%dma_wait3A_574 : memref<1x64xf32, #tpu.memory_space<hbm>>) dst(%dma_wait3A_572 : memref<1x64xf32, #tpu.memory_space<vmem>>)
          %dma_wait3A_575 = arith.constant 0 : i32
          %dma_wait3A_576 = tpu.memref_slice %arg8[%add3A_192, %dma_wait3A_575] : memref<64x64xf32, #tpu.memory_space<vmem>> -> memref<1x64xf32, #tpu.memory_space<vmem>>
          %dma_wait3A_577 = arith.constant 0 : i32
          %dma_wait3A_578 = tpu.memref_slice %arg3[%squeeze3A_188, %dma_wait3A_577] : memref<100000x64xf32, #tpu.memory_space<hbm>> -> memref<1x64xf32, #tpu.memory_space<hbm>>
          %dma_wait3A_579 = arith.constant 0 : i32
          %dma_wait3A_580 = tpu.memref_slice %arg8[%add3A_192, %dma_wait3A_579] : memref<64x64xf32, #tpu.memory_space<vmem>> -> memref<1x64xf32, #tpu.memory_space<vmem>>
          %dma_wait3A_581 = arith.constant 0 : i32
          %dma_wait3A_582 = tpu.memref_slice %arg3[%squeeze3A_188, %dma_wait3A_581] : memref<100000x64xf32, #tpu.memory_space<hbm>> -> memref<1x64xf32, #tpu.memory_space<hbm>>
          tpu.wait_dma2 semaphore(%arg9 : memref<!tpu.dma_semaphore, #tpu.memory_space<semaphore_mem>>) src(%dma_wait3A_582 : memref<1x64xf32, #tpu.memory_space<hbm>>) dst(%dma_wait3A_580 : memref<1x64xf32, #tpu.memory_space<vmem>>)
          %dma_wait3A_583 = arith.constant 0 : i32
          %dma_wait3A_584 = tpu.memref_slice %arg8[%add3A_206, %dma_wait3A_583] : memref<64x64xf32, #tpu.memory_space<vmem>> -> memref<1x64xf32, #tpu.memory_space<vmem>>
          %dma_wait3A_585 = arith.constant 0 : i32
          %dma_wait3A_586 = tpu.memref_slice %arg3[%squeeze3A_202, %dma_wait3A_585] : memref<100000x64xf32, #tpu.memory_space<hbm>> -> memref<1x64xf32, #tpu.memory_space<hbm>>
          %dma_wait3A_587 = arith.constant 0 : i32
          %dma_wait3A_588 = tpu.memref_slice %arg8[%add3A_206, %dma_wait3A_587] : memref<64x64xf32, #tpu.memory_space<vmem>> -> memref<1x64xf32, #tpu.memory_space<vmem>>
          %dma_wait3A_589 = arith.constant 0 : i32
          %dma_wait3A_590 = tpu.memref_slice %arg3[%squeeze3A_202, %dma_wait3A_589] : memref<100000x64xf32, #tpu.memory_space<hbm>> -> memref<1x64xf32, #tpu.memory_space<hbm>>
          tpu.wait_dma2 semaphore(%arg9 : memref<!tpu.dma_semaphore, #tpu.memory_space<semaphore_mem>>) src(%dma_wait3A_590 : memref<1x64xf32, #tpu.memory_space<hbm>>) dst(%dma_wait3A_588 : memref<1x64xf32, #tpu.memory_space<vmem>>)
          %dma_wait3A_591 = arith.constant 0 : i32
          %dma_wait3A_592 = tpu.memref_slice %arg8[%add3A_220, %dma_wait3A_591] : memref<64x64xf32, #tpu.memory_space<vmem>> -> memref<1x64xf32, #tpu.memory_space<vmem>>
          %dma_wait3A_593 = arith.constant 0 : i32
          %dma_wait3A_594 = tpu.memref_slice %arg3[%squeeze3A_216, %dma_wait3A_593] : memref<100000x64xf32, #tpu.memory_space<hbm>> -> memref<1x64xf32, #tpu.memory_space<hbm>>
          %dma_wait3A_595 = arith.constant 0 : i32
          %dma_wait3A_596 = tpu.memref_slice %arg8[%add3A_220, %dma_wait3A_595] : memref<64x64xf32, #tpu.memory_space<vmem>> -> memref<1x64xf32, #tpu.memory_space<vmem>>
          %dma_wait3A_597 = arith.constant 0 : i32
          %dma_wait3A_598 = tpu.memref_slice %arg3[%squeeze3A_216, %dma_wait3A_597] : memref<100000x64xf32, #tpu.memory_space<hbm>> -> memref<1x64xf32, #tpu.memory_space<hbm>>
          tpu.wait_dma2 semaphore(%arg9 : memref<!tpu.dma_semaphore, #tpu.memory_space<semaphore_mem>>) src(%dma_wait3A_598 : memref<1x64xf32, #tpu.memory_space<hbm>>) dst(%dma_wait3A_596 : memref<1x64xf32, #tpu.memory_space<vmem>>)
          %dma_wait3A_599 = arith.constant 0 : i32
          %dma_wait3A_600 = tpu.memref_slice %arg8[%add3A_234, %dma_wait3A_599] : memref<64x64xf32, #tpu.memory_space<vmem>> -> memref<1x64xf32, #tpu.memory_space<vmem>>
          %dma_wait3A_601 = arith.constant 0 : i32
          %dma_wait3A_602 = tpu.memref_slice %arg3[%squeeze3A_230, %dma_wait3A_601] : memref<100000x64xf32, #tpu.memory_space<hbm>> -> memref<1x64xf32, #tpu.memory_space<hbm>>
          %dma_wait3A_603 = arith.constant 0 : i32
          %dma_wait3A_604 = tpu.memref_slice %arg8[%add3A_234, %dma_wait3A_603] : memref<64x64xf32, #tpu.memory_space<vmem>> -> memref<1x64xf32, #tpu.memory_space<vmem>>
          %dma_wait3A_605 = arith.constant 0 : i32
          %dma_wait3A_606 = tpu.memref_slice %arg3[%squeeze3A_230, %dma_wait3A_605] : memref<100000x64xf32, #tpu.memory_space<hbm>> -> memref<1x64xf32, #tpu.memory_space<hbm>>
          tpu.wait_dma2 semaphore(%arg9 : memref<!tpu.dma_semaphore, #tpu.memory_space<semaphore_mem>>) src(%dma_wait3A_606 : memref<1x64xf32, #tpu.memory_space<hbm>>) dst(%dma_wait3A_604 : memref<1x64xf32, #tpu.memory_space<vmem>>)
          %dma_wait3A_607 = arith.constant 0 : i32
          %dma_wait3A_608 = tpu.memref_slice %arg8[%add3A_248, %dma_wait3A_607] : memref<64x64xf32, #tpu.memory_space<vmem>> -> memref<1x64xf32, #tpu.memory_space<vmem>>
          %dma_wait3A_609 = arith.constant 0 : i32
          %dma_wait3A_610 = tpu.memref_slice %arg3[%squeeze3A_244, %dma_wait3A_609] : memref<100000x64xf32, #tpu.memory_space<hbm>> -> memref<1x64xf32, #tpu.memory_space<hbm>>
          %dma_wait3A_611 = arith.constant 0 : i32
          %dma_wait3A_612 = tpu.memref_slice %arg8[%add3A_248, %dma_wait3A_611] : memref<64x64xf32, #tpu.memory_space<vmem>> -> memref<1x64xf32, #tpu.memory_space<vmem>>
          %dma_wait3A_613 = arith.constant 0 : i32
          %dma_wait3A_614 = tpu.memref_slice %arg3[%squeeze3A_244, %dma_wait3A_613] : memref<100000x64xf32, #tpu.memory_space<hbm>> -> memref<1x64xf32, #tpu.memory_space<hbm>>
          tpu.wait_dma2 semaphore(%arg9 : memref<!tpu.dma_semaphore, #tpu.memory_space<semaphore_mem>>) src(%dma_wait3A_614 : memref<1x64xf32, #tpu.memory_space<hbm>>) dst(%dma_wait3A_612 : memref<1x64xf32, #tpu.memory_space<vmem>>)
          %dma_wait3A_615 = arith.constant 0 : i32
          %dma_wait3A_616 = tpu.memref_slice %arg8[%add3A_262, %dma_wait3A_615] : memref<64x64xf32, #tpu.memory_space<vmem>> -> memref<1x64xf32, #tpu.memory_space<vmem>>
          %dma_wait3A_617 = arith.constant 0 : i32
          %dma_wait3A_618 = tpu.memref_slice %arg3[%squeeze3A_258, %dma_wait3A_617] : memref<100000x64xf32, #tpu.memory_space<hbm>> -> memref<1x64xf32, #tpu.memory_space<hbm>>
          %dma_wait3A_619 = arith.constant 0 : i32
          %dma_wait3A_620 = tpu.memref_slice %arg8[%add3A_262, %dma_wait3A_619] : memref<64x64xf32, #tpu.memory_space<vmem>> -> memref<1x64xf32, #tpu.memory_space<vmem>>
          %dma_wait3A_621 = arith.constant 0 : i32
          %dma_wait3A_622 = tpu.memref_slice %arg3[%squeeze3A_258, %dma_wait3A_621] : memref<100000x64xf32, #tpu.memory_space<hbm>> -> memref<1x64xf32, #tpu.memory_space<hbm>>
          tpu.wait_dma2 semaphore(%arg9 : memref<!tpu.dma_semaphore, #tpu.memory_space<semaphore_mem>>) src(%dma_wait3A_622 : memref<1x64xf32, #tpu.memory_space<hbm>>) dst(%dma_wait3A_620 : memref<1x64xf32, #tpu.memory_space<vmem>>)
          %dma_wait3A_623 = arith.constant 0 : i32
          %dma_wait3A_624 = tpu.memref_slice %arg8[%add3A_276, %dma_wait3A_623] : memref<64x64xf32, #tpu.memory_space<vmem>> -> memref<1x64xf32, #tpu.memory_space<vmem>>
          %dma_wait3A_625 = arith.constant 0 : i32
          %dma_wait3A_626 = tpu.memref_slice %arg3[%squeeze3A_272, %dma_wait3A_625] : memref<100000x64xf32, #tpu.memory_space<hbm>> -> memref<1x64xf32, #tpu.memory_space<hbm>>
          %dma_wait3A_627 = arith.constant 0 : i32
          %dma_wait3A_628 = tpu.memref_slice %arg8[%add3A_276, %dma_wait3A_627] : memref<64x64xf32, #tpu.memory_space<vmem>> -> memref<1x64xf32, #tpu.memory_space<vmem>>
          %dma_wait3A_629 = arith.constant 0 : i32
          %dma_wait3A_630 = tpu.memref_slice %arg3[%squeeze3A_272, %dma_wait3A_629] : memref<100000x64xf32, #tpu.memory_space<hbm>> -> memref<1x64xf32, #tpu.memory_space<hbm>>
          tpu.wait_dma2 semaphore(%arg9 : memref<!tpu.dma_semaphore, #tpu.memory_space<semaphore_mem>>) src(%dma_wait3A_630 : memref<1x64xf32, #tpu.memory_space<hbm>>) dst(%dma_wait3A_628 : memref<1x64xf32, #tpu.memory_space<vmem>>)
          %dma_wait3A_631 = arith.constant 0 : i32
          %dma_wait3A_632 = tpu.memref_slice %arg8[%add3A_290, %dma_wait3A_631] : memref<64x64xf32, #tpu.memory_space<vmem>> -> memref<1x64xf32, #tpu.memory_space<vmem>>
          %dma_wait3A_633 = arith.constant 0 : i32
          %dma_wait3A_634 = tpu.memref_slice %arg3[%squeeze3A_286, %dma_wait3A_633] : memref<100000x64xf32, #tpu.memory_space<hbm>> -> memref<1x64xf32, #tpu.memory_space<hbm>>
          %dma_wait3A_635 = arith.constant 0 : i32
          %dma_wait3A_636 = tpu.memref_slice %arg8[%add3A_290, %dma_wait3A_635] : memref<64x64xf32, #tpu.memory_space<vmem>> -> memref<1x64xf32, #tpu.memory_space<vmem>>
          %dma_wait3A_637 = arith.constant 0 : i32
          %dma_wait3A_638 = tpu.memref_slice %arg3[%squeeze3A_286, %dma_wait3A_637] : memref<100000x64xf32, #tpu.memory_space<hbm>> -> memref<1x64xf32, #tpu.memory_space<hbm>>
          tpu.wait_dma2 semaphore(%arg9 : memref<!tpu.dma_semaphore, #tpu.memory_space<semaphore_mem>>) src(%dma_wait3A_638 : memref<1x64xf32, #tpu.memory_space<hbm>>) dst(%dma_wait3A_636 : memref<1x64xf32, #tpu.memory_space<vmem>>)
          %dma_wait3A_639 = arith.constant 0 : i32
          %dma_wait3A_640 = tpu.memref_slice %arg8[%add3A_304, %dma_wait3A_639] : memref<64x64xf32, #tpu.memory_space<vmem>> -> memref<1x64xf32, #tpu.memory_space<vmem>>
          %dma_wait3A_641 = arith.constant 0 : i32
          %dma_wait3A_642 = tpu.memref_slice %arg3[%squeeze3A_300, %dma_wait3A_641] : memref<100000x64xf32, #tpu.memory_space<hbm>> -> memref<1x64xf32, #tpu.memory_space<hbm>>
          %dma_wait3A_643 = arith.constant 0 : i32
          %dma_wait3A_644 = tpu.memref_slice %arg8[%add3A_304, %dma_wait3A_643] : memref<64x64xf32, #tpu.memory_space<vmem>> -> memref<1x64xf32, #tpu.memory_space<vmem>>
          %dma_wait3A_645 = arith.constant 0 : i32
          %dma_wait3A_646 = tpu.memref_slice %arg3[%squeeze3A_300, %dma_wait3A_645] : memref<100000x64xf32, #tpu.memory_space<hbm>> -> memref<1x64xf32, #tpu.memory_space<hbm>>
          tpu.wait_dma2 semaphore(%arg9 : memref<!tpu.dma_semaphore, #tpu.memory_space<semaphore_mem>>) src(%dma_wait3A_646 : memref<1x64xf32, #tpu.memory_space<hbm>>) dst(%dma_wait3A_644 : memref<1x64xf32, #tpu.memory_space<vmem>>)
          %dma_wait3A_647 = arith.constant 0 : i32
          %dma_wait3A_648 = tpu.memref_slice %arg8[%add3A_318, %dma_wait3A_647] : memref<64x64xf32, #tpu.memory_space<vmem>> -> memref<1x64xf32, #tpu.memory_space<vmem>>
          %dma_wait3A_649 = arith.constant 0 : i32
          %dma_wait3A_650 = tpu.memref_slice %arg3[%squeeze3A_314, %dma_wait3A_649] : memref<100000x64xf32, #tpu.memory_space<hbm>> -> memref<1x64xf32, #tpu.memory_space<hbm>>
          %dma_wait3A_651 = arith.constant 0 : i32
          %dma_wait3A_652 = tpu.memref_slice %arg8[%add3A_318, %dma_wait3A_651] : memref<64x64xf32, #tpu.memory_space<vmem>> -> memref<1x64xf32, #tpu.memory_space<vmem>>
          %dma_wait3A_653 = arith.constant 0 : i32
          %dma_wait3A_654 = tpu.memref_slice %arg3[%squeeze3A_314, %dma_wait3A_653] : memref<100000x64xf32, #tpu.memory_space<hbm>> -> memref<1x64xf32, #tpu.memory_space<hbm>>
          tpu.wait_dma2 semaphore(%arg9 : memref<!tpu.dma_semaphore, #tpu.memory_space<semaphore_mem>>) src(%dma_wait3A_654 : memref<1x64xf32, #tpu.memory_space<hbm>>) dst(%dma_wait3A_652 : memref<1x64xf32, #tpu.memory_space<vmem>>)
          %dma_wait3A_655 = arith.constant 0 : i32
          %dma_wait3A_656 = tpu.memref_slice %arg8[%add3A_332, %dma_wait3A_655] : memref<64x64xf32, #tpu.memory_space<vmem>> -> memref<1x64xf32, #tpu.memory_space<vmem>>
          %dma_wait3A_657 = arith.constant 0 : i32
          %dma_wait3A_658 = tpu.memref_slice %arg3[%squeeze3A_328, %dma_wait3A_657] : memref<100000x64xf32, #tpu.memory_space<hbm>> -> memref<1x64xf32, #tpu.memory_space<hbm>>
          %dma_wait3A_659 = arith.constant 0 : i32
          %dma_wait3A_660 = tpu.memref_slice %arg8[%add3A_332, %dma_wait3A_659] : memref<64x64xf32, #tpu.memory_space<vmem>> -> memref<1x64xf32, #tpu.memory_space<vmem>>
          %dma_wait3A_661 = arith.constant 0 : i32
          %dma_wait3A_662 = tpu.memref_slice %arg3[%squeeze3A_328, %dma_wait3A_661] : memref<100000x64xf32, #tpu.memory_space<hbm>> -> memref<1x64xf32, #tpu.memory_space<hbm>>
          tpu.wait_dma2 semaphore(%arg9 : memref<!tpu.dma_semaphore, #tpu.memory_space<semaphore_mem>>) src(%dma_wait3A_662 : memref<1x64xf32, #tpu.memory_space<hbm>>) dst(%dma_wait3A_660 : memref<1x64xf32, #tpu.memory_space<vmem>>)
          %dma_wait3A_663 = arith.constant 0 : i32
          %dma_wait3A_664 = tpu.memref_slice %arg8[%add3A_346, %dma_wait3A_663] : memref<64x64xf32, #tpu.memory_space<vmem>> -> memref<1x64xf32, #tpu.memory_space<vmem>>
          %dma_wait3A_665 = arith.constant 0 : i32
          %dma_wait3A_666 = tpu.memref_slice %arg3[%squeeze3A_342, %dma_wait3A_665] : memref<100000x64xf32, #tpu.memory_space<hbm>> -> memref<1x64xf32, #tpu.memory_space<hbm>>
          %dma_wait3A_667 = arith.constant 0 : i32
          %dma_wait3A_668 = tpu.memref_slice %arg8[%add3A_346, %dma_wait3A_667] : memref<64x64xf32, #tpu.memory_space<vmem>> -> memref<1x64xf32, #tpu.memory_space<vmem>>
          %dma_wait3A_669 = arith.constant 0 : i32
          %dma_wait3A_670 = tpu.memref_slice %arg3[%squeeze3A_342, %dma_wait3A_669] : memref<100000x64xf32, #tpu.memory_space<hbm>> -> memref<1x64xf32, #tpu.memory_space<hbm>>
          tpu.wait_dma2 semaphore(%arg9 : memref<!tpu.dma_semaphore, #tpu.memory_space<semaphore_mem>>) src(%dma_wait3A_670 : memref<1x64xf32, #tpu.memory_space<hbm>>) dst(%dma_wait3A_668 : memref<1x64xf32, #tpu.memory_space<vmem>>)
          %dma_wait3A_671 = arith.constant 0 : i32
          %dma_wait3A_672 = tpu.memref_slice %arg8[%add3A_360, %dma_wait3A_671] : memref<64x64xf32, #tpu.memory_space<vmem>> -> memref<1x64xf32, #tpu.memory_space<vmem>>
          %dma_wait3A_673 = arith.constant 0 : i32
          %dma_wait3A_674 = tpu.memref_slice %arg3[%squeeze3A_356, %dma_wait3A_673] : memref<100000x64xf32, #tpu.memory_space<hbm>> -> memref<1x64xf32, #tpu.memory_space<hbm>>
          %dma_wait3A_675 = arith.constant 0 : i32
          %dma_wait3A_676 = tpu.memref_slice %arg8[%add3A_360, %dma_wait3A_675] : memref<64x64xf32, #tpu.memory_space<vmem>> -> memref<1x64xf32, #tpu.memory_space<vmem>>
          %dma_wait3A_677 = arith.constant 0 : i32
          %dma_wait3A_678 = tpu.memref_slice %arg3[%squeeze3A_356, %dma_wait3A_677] : memref<100000x64xf32, #tpu.memory_space<hbm>> -> memref<1x64xf32, #tpu.memory_space<hbm>>
          tpu.wait_dma2 semaphore(%arg9 : memref<!tpu.dma_semaphore, #tpu.memory_space<semaphore_mem>>) src(%dma_wait3A_678 : memref<1x64xf32, #tpu.memory_space<hbm>>) dst(%dma_wait3A_676 : memref<1x64xf32, #tpu.memory_space<vmem>>)
          %dma_wait3A_679 = arith.constant 0 : i32
          %dma_wait3A_680 = tpu.memref_slice %arg8[%add3A_374, %dma_wait3A_679] : memref<64x64xf32, #tpu.memory_space<vmem>> -> memref<1x64xf32, #tpu.memory_space<vmem>>
          %dma_wait3A_681 = arith.constant 0 : i32
          %dma_wait3A_682 = tpu.memref_slice %arg3[%squeeze3A_370, %dma_wait3A_681] : memref<100000x64xf32, #tpu.memory_space<hbm>> -> memref<1x64xf32, #tpu.memory_space<hbm>>
          %dma_wait3A_683 = arith.constant 0 : i32
          %dma_wait3A_684 = tpu.memref_slice %arg8[%add3A_374, %dma_wait3A_683] : memref<64x64xf32, #tpu.memory_space<vmem>> -> memref<1x64xf32, #tpu.memory_space<vmem>>
          %dma_wait3A_685 = arith.constant 0 : i32
          %dma_wait3A_686 = tpu.memref_slice %arg3[%squeeze3A_370, %dma_wait3A_685] : memref<100000x64xf32, #tpu.memory_space<hbm>> -> memref<1x64xf32, #tpu.memory_space<hbm>>
          tpu.wait_dma2 semaphore(%arg9 : memref<!tpu.dma_semaphore, #tpu.memory_space<semaphore_mem>>) src(%dma_wait3A_686 : memref<1x64xf32, #tpu.memory_space<hbm>>) dst(%dma_wait3A_684 : memref<1x64xf32, #tpu.memory_space<vmem>>)
          %dma_wait3A_687 = arith.constant 0 : i32
          %dma_wait3A_688 = tpu.memref_slice %arg8[%add3A_388, %dma_wait3A_687] : memref<64x64xf32, #tpu.memory_space<vmem>> -> memref<1x64xf32, #tpu.memory_space<vmem>>
          %dma_wait3A_689 = arith.constant 0 : i32
          %dma_wait3A_690 = tpu.memref_slice %arg3[%squeeze3A_384, %dma_wait3A_689] : memref<100000x64xf32, #tpu.memory_space<hbm>> -> memref<1x64xf32, #tpu.memory_space<hbm>>
          %dma_wait3A_691 = arith.constant 0 : i32
          %dma_wait3A_692 = tpu.memref_slice %arg8[%add3A_388, %dma_wait3A_691] : memref<64x64xf32, #tpu.memory_space<vmem>> -> memref<1x64xf32, #tpu.memory_space<vmem>>
          %dma_wait3A_693 = arith.constant 0 : i32
          %dma_wait3A_694 = tpu.memref_slice %arg3[%squeeze3A_384, %dma_wait3A_693] : memref<100000x64xf32, #tpu.memory_space<hbm>> -> memref<1x64xf32, #tpu.memory_space<hbm>>
          tpu.wait_dma2 semaphore(%arg9 : memref<!tpu.dma_semaphore, #tpu.memory_space<semaphore_mem>>) src(%dma_wait3A_694 : memref<1x64xf32, #tpu.memory_space<hbm>>) dst(%dma_wait3A_692 : memref<1x64xf32, #tpu.memory_space<vmem>>)
          %dma_wait3A_695 = arith.constant 0 : i32
          %dma_wait3A_696 = tpu.memref_slice %arg8[%add3A_402, %dma_wait3A_695] : memref<64x64xf32, #tpu.memory_space<vmem>> -> memref<1x64xf32, #tpu.memory_space<vmem>>
          %dma_wait3A_697 = arith.constant 0 : i32
          %dma_wait3A_698 = tpu.memref_slice %arg3[%squeeze3A_398, %dma_wait3A_697] : memref<100000x64xf32, #tpu.memory_space<hbm>> -> memref<1x64xf32, #tpu.memory_space<hbm>>
          %dma_wait3A_699 = arith.constant 0 : i32
          %dma_wait3A_700 = tpu.memref_slice %arg8[%add3A_402, %dma_wait3A_699] : memref<64x64xf32, #tpu.memory_space<vmem>> -> memref<1x64xf32, #tpu.memory_space<vmem>>
          %dma_wait3A_701 = arith.constant 0 : i32
          %dma_wait3A_702 = tpu.memref_slice %arg3[%squeeze3A_398, %dma_wait3A_701] : memref<100000x64xf32, #tpu.memory_space<hbm>> -> memref<1x64xf32, #tpu.memory_space<hbm>>
          tpu.wait_dma2 semaphore(%arg9 : memref<!tpu.dma_semaphore, #tpu.memory_space<semaphore_mem>>) src(%dma_wait3A_702 : memref<1x64xf32, #tpu.memory_space<hbm>>) dst(%dma_wait3A_700 : memref<1x64xf32, #tpu.memory_space<vmem>>)
          %dma_wait3A_703 = arith.constant 0 : i32
          %dma_wait3A_704 = tpu.memref_slice %arg8[%add3A_416, %dma_wait3A_703] : memref<64x64xf32, #tpu.memory_space<vmem>> -> memref<1x64xf32, #tpu.memory_space<vmem>>
          %dma_wait3A_705 = arith.constant 0 : i32
          %dma_wait3A_706 = tpu.memref_slice %arg3[%squeeze3A_412, %dma_wait3A_705] : memref<100000x64xf32, #tpu.memory_space<hbm>> -> memref<1x64xf32, #tpu.memory_space<hbm>>
          %dma_wait3A_707 = arith.constant 0 : i32
          %dma_wait3A_708 = tpu.memref_slice %arg8[%add3A_416, %dma_wait3A_707] : memref<64x64xf32, #tpu.memory_space<vmem>> -> memref<1x64xf32, #tpu.memory_space<vmem>>
          %dma_wait3A_709 = arith.constant 0 : i32
          %dma_wait3A_710 = tpu.memref_slice %arg3[%squeeze3A_412, %dma_wait3A_709] : memref<100000x64xf32, #tpu.memory_space<hbm>> -> memref<1x64xf32, #tpu.memory_space<hbm>>
          tpu.wait_dma2 semaphore(%arg9 : memref<!tpu.dma_semaphore, #tpu.memory_space<semaphore_mem>>) src(%dma_wait3A_710 : memref<1x64xf32, #tpu.memory_space<hbm>>) dst(%dma_wait3A_708 : memref<1x64xf32, #tpu.memory_space<vmem>>)
          %dma_wait3A_711 = arith.constant 0 : i32
          %dma_wait3A_712 = tpu.memref_slice %arg8[%add3A_430, %dma_wait3A_711] : memref<64x64xf32, #tpu.memory_space<vmem>> -> memref<1x64xf32, #tpu.memory_space<vmem>>
          %dma_wait3A_713 = arith.constant 0 : i32
          %dma_wait3A_714 = tpu.memref_slice %arg3[%squeeze3A_426, %dma_wait3A_713] : memref<100000x64xf32, #tpu.memory_space<hbm>> -> memref<1x64xf32, #tpu.memory_space<hbm>>
          %dma_wait3A_715 = arith.constant 0 : i32
          %dma_wait3A_716 = tpu.memref_slice %arg8[%add3A_430, %dma_wait3A_715] : memref<64x64xf32, #tpu.memory_space<vmem>> -> memref<1x64xf32, #tpu.memory_space<vmem>>
          %dma_wait3A_717 = arith.constant 0 : i32
          %dma_wait3A_718 = tpu.memref_slice %arg3[%squeeze3A_426, %dma_wait3A_717] : memref<100000x64xf32, #tpu.memory_space<hbm>> -> memref<1x64xf32, #tpu.memory_space<hbm>>
          tpu.wait_dma2 semaphore(%arg9 : memref<!tpu.dma_semaphore, #tpu.memory_space<semaphore_mem>>) src(%dma_wait3A_718 : memref<1x64xf32, #tpu.memory_space<hbm>>) dst(%dma_wait3A_716 : memref<1x64xf32, #tpu.memory_space<vmem>>)
          %dma_wait3A_719 = arith.constant 0 : i32
          %dma_wait3A_720 = tpu.memref_slice %arg8[%add3A_444, %dma_wait3A_719] : memref<64x64xf32, #tpu.memory_space<vmem>> -> memref<1x64xf32, #tpu.memory_space<vmem>>
          %dma_wait3A_721 = arith.constant 0 : i32
          %dma_wait3A_722 = tpu.memref_slice %arg3[%squeeze3A_440, %dma_wait3A_721] : memref<100000x64xf32, #tpu.memory_space<hbm>> -> memref<1x64xf32, #tpu.memory_space<hbm>>
          %dma_wait3A_723 = arith.constant 0 : i32
          %dma_wait3A_724 = tpu.memref_slice %arg8[%add3A_444, %dma_wait3A_723] : memref<64x64xf32, #tpu.memory_space<vmem>> -> memref<1x64xf32, #tpu.memory_space<vmem>>
          %dma_wait3A_725 = arith.constant 0 : i32
          %dma_wait3A_726 = tpu.memref_slice %arg3[%squeeze3A_440, %dma_wait3A_725] : memref<100000x64xf32, #tpu.memory_space<hbm>> -> memref<1x64xf32, #tpu.memory_space<hbm>>
          tpu.wait_dma2 semaphore(%arg9 : memref<!tpu.dma_semaphore, #tpu.memory_space<semaphore_mem>>) src(%dma_wait3A_726 : memref<1x64xf32, #tpu.memory_space<hbm>>) dst(%dma_wait3A_724 : memref<1x64xf32, #tpu.memory_space<vmem>>)
          %dma_wait3A_727 = arith.constant 0 : i32
          %dma_wait3A_728 = tpu.memref_slice %arg8[%add3A_458, %dma_wait3A_727] : memref<64x64xf32, #tpu.memory_space<vmem>> -> memref<1x64xf32, #tpu.memory_space<vmem>>
          %dma_wait3A_729 = arith.constant 0 : i32
          %dma_wait3A_730 = tpu.memref_slice %arg3[%squeeze3A_454, %dma_wait3A_729] : memref<100000x64xf32, #tpu.memory_space<hbm>> -> memref<1x64xf32, #tpu.memory_space<hbm>>
          %dma_wait3A_731 = arith.constant 0 : i32
          %dma_wait3A_732 = tpu.memref_slice %arg8[%add3A_458, %dma_wait3A_731] : memref<64x64xf32, #tpu.memory_space<vmem>> -> memref<1x64xf32, #tpu.memory_space<vmem>>
          %dma_wait3A_733 = arith.constant 0 : i32
          %dma_wait3A_734 = tpu.memref_slice %arg3[%squeeze3A_454, %dma_wait3A_733] : memref<100000x64xf32, #tpu.memory_space<hbm>> -> memref<1x64xf32, #tpu.memory_space<hbm>>
          tpu.wait_dma2 semaphore(%arg9 : memref<!tpu.dma_semaphore, #tpu.memory_space<semaphore_mem>>) src(%dma_wait3A_734 : memref<1x64xf32, #tpu.memory_space<hbm>>) dst(%dma_wait3A_732 : memref<1x64xf32, #tpu.memory_space<vmem>>)
          %dma_wait3A_735 = arith.constant 0 : i32
          %dma_wait3A_736 = tpu.memref_slice %arg8[%add3A_472, %dma_wait3A_735] : memref<64x64xf32, #tpu.memory_space<vmem>> -> memref<1x64xf32, #tpu.memory_space<vmem>>
          %dma_wait3A_737 = arith.constant 0 : i32
          %dma_wait3A_738 = tpu.memref_slice %arg3[%squeeze3A_468, %dma_wait3A_737] : memref<100000x64xf32, #tpu.memory_space<hbm>> -> memref<1x64xf32, #tpu.memory_space<hbm>>
          %dma_wait3A_739 = arith.constant 0 : i32
          %dma_wait3A_740 = tpu.memref_slice %arg8[%add3A_472, %dma_wait3A_739] : memref<64x64xf32, #tpu.memory_space<vmem>> -> memref<1x64xf32, #tpu.memory_space<vmem>>
          %dma_wait3A_741 = arith.constant 0 : i32
          %dma_wait3A_742 = tpu.memref_slice %arg3[%squeeze3A_468, %dma_wait3A_741] : memref<100000x64xf32, #tpu.memory_space<hbm>> -> memref<1x64xf32, #tpu.memory_space<hbm>>
          tpu.wait_dma2 semaphore(%arg9 : memref<!tpu.dma_semaphore, #tpu.memory_space<semaphore_mem>>) src(%dma_wait3A_742 : memref<1x64xf32, #tpu.memory_space<hbm>>) dst(%dma_wait3A_740 : memref<1x64xf32, #tpu.memory_space<vmem>>)
          %dma_wait3A_743 = arith.constant 0 : i32
          %dma_wait3A_744 = tpu.memref_slice %arg8[%add3A_486, %dma_wait3A_743] : memref<64x64xf32, #tpu.memory_space<vmem>> -> memref<1x64xf32, #tpu.memory_space<vmem>>
          %dma_wait3A_745 = arith.constant 0 : i32
          %dma_wait3A_746 = tpu.memref_slice %arg3[%squeeze3A_482, %dma_wait3A_745] : memref<100000x64xf32, #tpu.memory_space<hbm>> -> memref<1x64xf32, #tpu.memory_space<hbm>>
          %dma_wait3A_747 = arith.constant 0 : i32
          %dma_wait3A_748 = tpu.memref_slice %arg8[%add3A_486, %dma_wait3A_747] : memref<64x64xf32, #tpu.memory_space<vmem>> -> memref<1x64xf32, #tpu.memory_space<vmem>>
          %dma_wait3A_749 = arith.constant 0 : i32
          %dma_wait3A_750 = tpu.memref_slice %arg3[%squeeze3A_482, %dma_wait3A_749] : memref<100000x64xf32, #tpu.memory_space<hbm>> -> memref<1x64xf32, #tpu.memory_space<hbm>>
          tpu.wait_dma2 semaphore(%arg9 : memref<!tpu.dma_semaphore, #tpu.memory_space<semaphore_mem>>) src(%dma_wait3A_750 : memref<1x64xf32, #tpu.memory_space<hbm>>) dst(%dma_wait3A_748 : memref<1x64xf32, #tpu.memory_space<vmem>>)
        }
        %scan3A_21 = arith.constant 2 : i32
        %mul3A_22 = arith.constant 64 : i32
        %mul3A_23 = arith.muli %scan3A_15, %mul3A_22 : i32
        %add3A_24 = arith.addi %mul3A_9, %mul3A_23 : i32
        %dma_start3A = arith.constant 0 : i32
        %dma_start3A_25 = tpu.memref_slice %arg6[%add3A_24, %dma_start3A] : memref<16384x64xf32, #tpu.memory_space<hbm>> -> memref<64x64xf32, #tpu.memory_space<hbm>>
        %dma_start3A_26 = arith.constant 0 : i32
        %dma_start3A_27 = tpu.memref_slice %arg6[%add3A_24, %dma_start3A_26] : memref<16384x64xf32, #tpu.memory_space<hbm>> -> memref<64x64xf32, #tpu.memory_space<hbm>>
        tpu.enqueue_dma source(%arg8 : memref<64x64xf32, #tpu.memory_space<vmem>>) target(%dma_start3A_27 : memref<64x64xf32, #tpu.memory_space<hbm>>) target_semaphore(%arg10 : memref<!tpu.dma_semaphore, #tpu.memory_space<semaphore_mem>>)
        %dma_wait3A = arith.constant 0 : i32
        %dma_wait3A_28 = tpu.memref_slice %arg6[%add3A_24, %dma_wait3A] : memref<16384x64xf32, #tpu.memory_space<hbm>> -> memref<64x64xf32, #tpu.memory_space<hbm>>
        %dma_wait3A_29 = arith.constant 0 : i32
        %dma_wait3A_30 = tpu.memref_slice %arg6[%add3A_24, %dma_wait3A_29] : memref<16384x64xf32, #tpu.memory_space<hbm>> -> memref<64x64xf32, #tpu.memory_space<hbm>>
        tpu.wait_dma2 semaphore(%arg10 : memref<!tpu.dma_semaphore, #tpu.memory_space<semaphore_mem>>) src(%arg8 : memref<64x64xf32, #tpu.memory_space<vmem>>) dst(%dma_wait3A_30 : memref<64x64xf32, #tpu.memory_space<hbm>>)
      }
      %scan3A_14 = arith.constant 16 : i32
    } else {
    }
    return
  }
}

module attributes {stable_mosaic.version = 14 : i64} {
  func.func @_dense_body(%arg0: i32, %arg1: memref<2048x768xf32, #tpu.memory_space<vmem>>, %arg2: memref<2048x768xf32, #tpu.memory_space<vmem>>, %arg3: memref<2048x64xf32, #tpu.memory_space<vmem>>, %arg4: memref<2048x64xf32, #tpu.memory_space<vmem>>, %arg5: memref<768x128xf32, #tpu.memory_space<vmem>>, %arg6: memref<768x128xf32, #tpu.memory_space<vmem>>, %arg7: memref<64x128xf32, #tpu.memory_space<vmem>>, %arg8: memref<64x128xf32, #tpu.memory_space<vmem>>, %arg9: memref<1x128xf32, #tpu.memory_space<vmem>>, %arg10: memref<128x64xf32, #tpu.memory_space<vmem>>, %arg11: memref<1x64xf32, #tpu.memory_space<vmem>>, %arg12: memref<64x1xf32, #tpu.memory_space<vmem>>, %arg13: memref<1x1xf32, #tpu.memory_space<vmem>>, %arg14: memref<2048x1xf32, #tpu.memory_space<vmem>>) attributes {dimension_semantics = [#tpu.dimension_semantics<arbitrary>], iteration_bounds = array<i64: 8>, scalar_prefetch = 0 : i64, scratch_operands = 0 : i64, tpu.core_type = #tpu.core_type<tc>, window_params = [{transform_indices = @transform_0, window_bounds = array<i64: 2048, 768>}, {transform_indices = @transform_1, window_bounds = array<i64: 2048, 768>}, {transform_indices = @transform_2, window_bounds = array<i64: 2048, 64>}, {transform_indices = @transform_3, window_bounds = array<i64: 2048, 64>}, {pipeline_mode = #tpu.pipeline_mode<synchronous>, transform_indices = @transform_4, window_bounds = array<i64: 768, 128>}, {pipeline_mode = #tpu.pipeline_mode<synchronous>, transform_indices = @transform_5, window_bounds = array<i64: 768, 128>}, {pipeline_mode = #tpu.pipeline_mode<synchronous>, transform_indices = @transform_6, window_bounds = array<i64: 64, 128>}, {pipeline_mode = #tpu.pipeline_mode<synchronous>, transform_indices = @transform_7, window_bounds = array<i64: 64, 128>}, {pipeline_mode = #tpu.pipeline_mode<synchronous>, transform_indices = @transform_8, window_bounds = array<i64: 1, 128>}, {pipeline_mode = #tpu.pipeline_mode<synchronous>, transform_indices = @transform_9, window_bounds = array<i64: 128, 64>}, {pipeline_mode = #tpu.pipeline_mode<synchronous>, transform_indices = @transform_10, window_bounds = array<i64: 1, 64>}, {pipeline_mode = #tpu.pipeline_mode<synchronous>, transform_indices = @transform_11, window_bounds = array<i64: 64, 1>}, {pipeline_mode = #tpu.pipeline_mode<synchronous>, transform_indices = @transform_12, window_bounds = array<i64: 1, 1>}, {transform_indices = @transform_13, window_bounds = array<i64: 2048, 1>}]} {
    %get3A = arith.constant 0 : index
    %get3A_0 = arith.constant 0 : index
    %get3A_1 = vector.load %arg1[%get3A, %get3A_0] : memref<2048x768xf32, #tpu.memory_space<vmem>>, vector<2048x768xf32>
    %get3A_2 = arith.constant 0 : index
    %get3A_3 = arith.constant 0 : index
    %get3A_4 = vector.load %arg5[%get3A_2, %get3A_3] : memref<768x128xf32, #tpu.memory_space<vmem>>, vector<768x128xf32>
    %dot_general3A = arith.constant dense<0.000000e+00> : vector<2048x128xf32>
    %dot_general3A_5 = tpu.matmul %get3A_1, %get3A_4, %dot_general3A {dimension_numbers = #tpu.dot_dimension_numbers<[1], [0], [0], [1], [0, 0, 1, 1], [], []>, transpose_lhs_hint = false} : vector<2048x768xf32>, vector<768x128xf32>, vector<2048x128xf32> -> vector<2048x128xf32>
    %get3A_6 = arith.constant 0 : index
    %get3A_7 = arith.constant 0 : index
    %get3A_8 = vector.load %arg2[%get3A_6, %get3A_7] : memref<2048x768xf32, #tpu.memory_space<vmem>>, vector<2048x768xf32>
    %get3A_9 = arith.constant 0 : index
    %get3A_10 = arith.constant 0 : index
    %get3A_11 = vector.load %arg6[%get3A_9, %get3A_10] : memref<768x128xf32, #tpu.memory_space<vmem>>, vector<768x128xf32>
    %dot_general3A_12 = arith.constant dense<0.000000e+00> : vector<2048x128xf32>
    %dot_general3A_13 = tpu.matmul %get3A_8, %get3A_11, %dot_general3A_12 {dimension_numbers = #tpu.dot_dimension_numbers<[1], [0], [0], [1], [0, 0, 1, 1], [], []>, transpose_lhs_hint = false} : vector<2048x768xf32>, vector<768x128xf32>, vector<2048x128xf32> -> vector<2048x128xf32>
    %add3A = arith.addf %dot_general3A_5, %dot_general3A_13 : vector<2048x128xf32>
    %get3A_14 = arith.constant 0 : index
    %get3A_15 = arith.constant 0 : index
    %get3A_16 = vector.load %arg3[%get3A_14, %get3A_15] : memref<2048x64xf32, #tpu.memory_space<vmem>>, vector<2048x64xf32>
    %get3A_17 = arith.constant 0 : index
    %get3A_18 = arith.constant 0 : index
    %get3A_19 = vector.load %arg7[%get3A_17, %get3A_18] : memref<64x128xf32, #tpu.memory_space<vmem>>, vector<64x128xf32>
    %dot_general3A_20 = arith.constant dense<0.000000e+00> : vector<2048x128xf32>
    %dot_general3A_21 = tpu.matmul %get3A_16, %get3A_19, %dot_general3A_20 {dimension_numbers = #tpu.dot_dimension_numbers<[1], [0], [0], [1], [0, 0, 1, 1], [], []>, transpose_lhs_hint = false} : vector<2048x64xf32>, vector<64x128xf32>, vector<2048x128xf32> -> vector<2048x128xf32>
    %add3A_22 = arith.addf %add3A, %dot_general3A_21 : vector<2048x128xf32>
    %get3A_23 = arith.constant 0 : index
    %get3A_24 = arith.constant 0 : index
    %get3A_25 = vector.load %arg4[%get3A_23, %get3A_24] : memref<2048x64xf32, #tpu.memory_space<vmem>>, vector<2048x64xf32>
    %get3A_26 = arith.constant 0 : index
    %get3A_27 = arith.constant 0 : index
    %get3A_28 = vector.load %arg8[%get3A_26, %get3A_27] : memref<64x128xf32, #tpu.memory_space<vmem>>, vector<64x128xf32>
    %dot_general3A_29 = arith.constant dense<0.000000e+00> : vector<2048x128xf32>
    %dot_general3A_30 = tpu.matmul %get3A_25, %get3A_28, %dot_general3A_29 {dimension_numbers = #tpu.dot_dimension_numbers<[1], [0], [0], [1], [0, 0, 1, 1], [], []>, transpose_lhs_hint = false} : vector<2048x64xf32>, vector<64x128xf32>, vector<2048x128xf32> -> vector<2048x128xf32>
    %add3A_31 = arith.addf %add3A_22, %dot_general3A_30 : vector<2048x128xf32>
    %get3A_32 = arith.constant 0 : index
    %get3A_33 = arith.constant 0 : index
    %get3A_34 = vector.load %arg9[%get3A_32, %get3A_33] : memref<1x128xf32, #tpu.memory_space<vmem>>, vector<1x128xf32>
    %add3A_35 = vector.broadcast %get3A_34 : vector<1x128xf32> to vector<2048x128xf32>
    %add3A_36 = arith.addf %add3A_31, %add3A_35 : vector<2048x128xf32>
    %max3A = arith.constant 0.000000e+00 : f32
    %max3A_37 = vector.broadcast %max3A : f32 to vector<2048x128xf32>
    %max3A_38 = arith.maximumf %add3A_36, %max3A_37 : vector<2048x128xf32>
    %get3A_39 = arith.constant 0 : index
    %get3A_40 = arith.constant 0 : index
    %get3A_41 = vector.load %arg10[%get3A_39, %get3A_40] : memref<128x64xf32, #tpu.memory_space<vmem>>, vector<128x64xf32>
    %dot_general3A_42 = arith.constant dense<0.000000e+00> : vector<2048x64xf32>
    %dot_general3A_43 = tpu.matmul %max3A_38, %get3A_41, %dot_general3A_42 {dimension_numbers = #tpu.dot_dimension_numbers<[1], [0], [0], [1], [0, 0, 1, 1], [], []>, transpose_lhs_hint = false} : vector<2048x128xf32>, vector<128x64xf32>, vector<2048x64xf32> -> vector<2048x64xf32>
    %get3A_44 = arith.constant 0 : index
    %get3A_45 = arith.constant 0 : index
    %get3A_46 = vector.load %arg11[%get3A_44, %get3A_45] : memref<1x64xf32, #tpu.memory_space<vmem>>, vector<1x64xf32>
    %add3A_47 = vector.broadcast %get3A_46 : vector<1x64xf32> to vector<2048x64xf32>
    %add3A_48 = arith.addf %dot_general3A_43, %add3A_47 : vector<2048x64xf32>
    %max3A_49 = arith.constant 0.000000e+00 : f32
    %max3A_50 = vector.broadcast %max3A_49 : f32 to vector<2048x64xf32>
    %max3A_51 = arith.maximumf %add3A_48, %max3A_50 : vector<2048x64xf32>
    %get3A_52 = arith.constant 0 : index
    %get3A_53 = arith.constant 0 : index
    %get3A_54 = vector.load %arg12[%get3A_52, %get3A_53] : memref<64x1xf32, #tpu.memory_space<vmem>>, vector<64x1xf32>
    %dot_general3A_55 = arith.constant dense<0.000000e+00> : vector<2048x1xf32>
    %dot_general3A_56 = tpu.matmul %max3A_51, %get3A_54, %dot_general3A_55 {dimension_numbers = #tpu.dot_dimension_numbers<[1], [0], [0], [1], [0, 0, 1, 1], [], []>, transpose_lhs_hint = false} : vector<2048x64xf32>, vector<64x1xf32>, vector<2048x1xf32> -> vector<2048x1xf32>
    %get3A_57 = arith.constant 0 : index
    %get3A_58 = arith.constant 0 : index
    %get3A_59 = vector.load %arg13[%get3A_57, %get3A_58] : memref<1x1xf32, #tpu.memory_space<vmem>>, vector<1x1xf32>
    %add3A_60 = vector.broadcast %get3A_59 : vector<1x1xf32> to vector<2048x1xf32>
    %add3A_61 = arith.addf %dot_general3A_56, %add3A_60 : vector<2048x1xf32>
    %swap3A = arith.constant 0 : index
    %swap3A_62 = arith.constant 0 : index
    %swap3A_63 = vector.load %arg14[%swap3A, %swap3A_62] : memref<2048x1xf32, #tpu.memory_space<vmem>>, vector<2048x1xf32>
    tpu.vector_store %arg14[%swap3A, %swap3A_62], %add3A_61 {strides = array<i32>} : memref<2048x1xf32, #tpu.memory_space<vmem>>, vector<2048x1xf32>,
    return
  }
  func.func @transform_0(%arg0: i32) -> (i32, i32) {
    %c0_i32 = arith.constant 0 : i32
    %c0_i32_0 = arith.constant 0 : i32
    return %arg0, %c0_i32 : i32, i32
  }
  func.func @transform_1(%arg0: i32) -> (i32, i32) {
    %c0_i32 = arith.constant 0 : i32
    %c0_i32_0 = arith.constant 0 : i32
    return %arg0, %c0_i32 : i32, i32
  }
  func.func @transform_2(%arg0: i32) -> (i32, i32) {
    %c0_i32 = arith.constant 0 : i32
    %c0_i32_0 = arith.constant 0 : i32
    return %arg0, %c0_i32 : i32, i32
  }
  func.func @transform_3(%arg0: i32) -> (i32, i32) {
    %c0_i32 = arith.constant 0 : i32
    %c0_i32_0 = arith.constant 0 : i32
    return %arg0, %c0_i32 : i32, i32
  }
  func.func @transform_4(%arg0: i32) -> (i32, i32) {
    %c0_i32 = arith.constant 0 : i32
    %c0_i32_0 = arith.constant 0 : i32
    %c0_i32_1 = arith.constant 0 : i32
    return %c0_i32, %c0_i32_0 : i32, i32
  }
  func.func @transform_5(%arg0: i32) -> (i32, i32) {
    %c0_i32 = arith.constant 0 : i32
    %c0_i32_0 = arith.constant 0 : i32
    %c0_i32_1 = arith.constant 0 : i32
    return %c0_i32, %c0_i32_0 : i32, i32
  }
  func.func @transform_6(%arg0: i32) -> (i32, i32) {
    %c0_i32 = arith.constant 0 : i32
    %c0_i32_0 = arith.constant 0 : i32
    %c0_i32_1 = arith.constant 0 : i32
    return %c0_i32, %c0_i32_0 : i32, i32
  }
  func.func @transform_7(%arg0: i32) -> (i32, i32) {
    %c0_i32 = arith.constant 0 : i32
    %c0_i32_0 = arith.constant 0 : i32
    %c0_i32_1 = arith.constant 0 : i32
    return %c0_i32, %c0_i32_0 : i32, i32
  }
  func.func @transform_8(%arg0: i32) -> (i32, i32) {
    %c0_i32 = arith.constant 0 : i32
    %c0_i32_0 = arith.constant 0 : i32
    %c0_i32_1 = arith.constant 0 : i32
    return %c0_i32, %c0_i32_0 : i32, i32
  }
  func.func @transform_9(%arg0: i32) -> (i32, i32) {
    %c0_i32 = arith.constant 0 : i32
    %c0_i32_0 = arith.constant 0 : i32
    %c0_i32_1 = arith.constant 0 : i32
    return %c0_i32, %c0_i32_0 : i32, i32
  }
  func.func @transform_10(%arg0: i32) -> (i32, i32) {
    %c0_i32 = arith.constant 0 : i32
    %c0_i32_0 = arith.constant 0 : i32
    %c0_i32_1 = arith.constant 0 : i32
    return %c0_i32, %c0_i32_0 : i32, i32
  }
  func.func @transform_11(%arg0: i32) -> (i32, i32) {
    %c0_i32 = arith.constant 0 : i32
    %c0_i32_0 = arith.constant 0 : i32
    %c0_i32_1 = arith.constant 0 : i32
    return %c0_i32, %c0_i32_0 : i32, i32
  }
  func.func @transform_12(%arg0: i32) -> (i32, i32) {
    %c0_i32 = arith.constant 0 : i32
    %c0_i32_0 = arith.constant 0 : i32
    %c0_i32_1 = arith.constant 0 : i32
    return %c0_i32, %c0_i32_0 : i32, i32
  }
  func.func @transform_13(%arg0: i32) -> (i32, i32) {
    %c0_i32 = arith.constant 0 : i32
    %c0_i32_0 = arith.constant 0 : i32
    return %arg0, %c0_i32 : i32, i32
  }
}

</mosaic_0001>

<sc_bundles>
// kernel: kernel.4.cloned.1.call-start
scs
__scs_entry_jumppad:
0x0: {  	(pc) =	sbr.rel $0x88, $3  }
0x1: {  	(tag) =	ssettag $0x0;
	lr =	simm.s32 $0x1  }
0x2: {  	[smem:$0x3F8B] =	sst lr;
	_ =	strace $0xD0000000  }
0x3: {  	_ = 	snop  }
0x4: {  	_ = 	snop  }
0x5: {  	_ = 	snop  }
0x6: {  	_ = 	snop  }
0x7: {  	_ = 	snop  }
__scs_overlays_trampoline_lowered:
0x8: {  	[smem:$0x3F9A] =	sst s0  }
0x9: {  	[smem:$0x3F9B] =	sst s1  }
0xa: {  	[smem:$0x3F9C] =	sst s2  }
0xb: {  	[smem:$0x3F9D] =	sst s3  }
0xc: {  	[smem:$0x3F9E] =	sst s4  }
0xd: {  	[smem:$0x3F9F] =	sst s5  }
0xe: {  	[smem:$0x3FA0] =	sst s6  }
0xf: {  	[smem:$0x3FA1] =	sst s7  }
0x10: {  	[smem:$0x3FA2] =	sst s8  }
0x11: {  	[smem:$0x3FA3] =	sst s9;
	s0 =	simm.s32 @!p0 $0x0  }
0x12: {  	s1 =	sld [smem:$0x3F89];
	s0 =	simm.s32 @p0 $0x1  }
0x13: {  	[smem:$0x3FA4] =	sst s0;
	s0 =	simm.s32 @!p1 $0x0  }
0x14: {  	s2 =	sld [smem:$0x3F88];
	s0 =	simm.s32 @p1 $0x1  }
0x15: {  	[smem:$0x3FA5] =	sst s0;
	s0 =	simm.s32 @!p2 $0x0  }
0x16: {  	s3 =	sld [smem:$0x3FDB];
	s0 =	simm.s32 @p2 $0x1  }
0x17: {  	s4 =	simm.s32 $0x1BF5;
	[smem:$0x3FA7] =	sst s0  }
0x18: {  	s0 =	sld [smem:$0x3F8A];
	_ =	swait.ge [sflag:s4], $0x0  }
0x19: {  	s7 =	sld [smem:$0x3F8B]  }
0x1a: {  	s8 =	sadd.s32 $0xFFFFE003, lr  }
0x1b: {  	s9 =	sadd.s32 $0xFFFFFEF7, lr;
	s5 =	simm.s32 $0xFFFFFFFF;
	p2 =	slt.u32 s8, $0xFFFFF086  }
0x1c: {  	p1 =	slt.u32 s9, $0xF7A;
	s5 =	simm.s32 @!p2 $0x0  }
0x1d: {  	s5 =	simm.s32 @p1 $0x1;
	p0 =	seq.s32 s7, s2  }
0x1e: {  	s7 =	smul.u32 @!p0 $0xF7A, s2;
	p2 =	seq.s32 @!p0 s5, $0x0  }
0x1f: {  	s9 =	smul.u32 $0xF7A, s1;
	s8 =	simm.s32 @!p0 $0x1BF5;
	p2 =	por !p2, p0  }
0x20: {  	[sflag:s8] =	ssyncset.s32 @!p0 $0xFFFFF086;
	s6 =	sadd.s32 @!p0 s3, s7;
	s7 =	simm.s32 @!p0 $0x108  }
0x21: {  	s3 =	sadd.s32 s3, s9;
	s6 =	sadd.s32 @!p0 $0x88, s6;
	s7 =	simm.s32 @p2 $0x1082  }
0x22: {  	[simem:s7], [sflag:s8] =	dma.local @!p0 [hbm:s6], $0xF7A  }
0x23: {  	s9 =	sor.u32 $0xD0000000, s2;
	s6 =	simm.s32 $0x108;
	_ =	swait.ge @!p0 [sflag:s8], $0x0  }
0x24: {  	s3 =	sadd.s32 $0x88, s3;
	s6 =	simm.s32 @!p1 $0x1082;
	[sflag:s4] =	ssyncset.s32 $0xFFFFF086  }
0x25: {  	[simem:s6], [sflag:s4] =	dma.local [hbm:s3], $0xF7A  }
0x26: {  	[smem:$0x3F8B] =	sst s1;
	(tag) =	ssettag s2;
	_ =	strace s9  }
0x27: {  	s1 =	sld [smem:$0x3F9B]  }
0x28: {  	s2 =	sld [smem:$0x3F9C]  }
0x29: {  	s4 =	sld [smem:$0x3F9E]  }
0x2a: {  	p0 =	seq.s32 s5, $0x0;
	s5 =	sld [smem:$0x3F9F]  }
0x2b: {  	s6 =	sld [smem:$0x3FA0]  }
0x2c: {  	s7 =	sld [smem:$0x3FA1]  }
0x2d: {  	s3 =	simm.s32 $0x108;
	s8 =	sld [smem:$0x3FA2]  }
0x2e: {  	s3 =	simm.s32 @!p0 $0x1082;
	s9 =	sld [smem:$0x3FA3]  }
0x2f: {  	lr =	sadd.s32 s0, s3;
	s0 =	sld [smem:$0x3F9A]  }
0x30: {  	s3 =	sld [smem:$0x3F9D]  }
0x31: {  	[smem:$0x3FA6] =	sst s10  }
0x32: {  	s10 =	sld [smem:$0x3FA4];
	_ =	sdelay $0x3  }
0x33: {  	p0 =	seq.s32 s10, $0x1;
	s10 =	sld [smem:$0x3FA6];
	_ =	sdelay $0x3  }
0x34: {  	[smem:$0x3FA6] =	sst s10  }
0x35: {  	s10 =	sld [smem:$0x3FA5];
	_ =	sdelay $0x3  }
0x36: {  	p1 =	seq.s32 s10, $0x1;
	s10 =	sld [smem:$0x3FA6];
	_ =	sdelay $0x3  }
0x37: {  	[smem:$0x3FA6] =	sst s10  }
0x38: {  	s10 =	sld [smem:$0x3FA7]  }
0x39: {  	_ = 	snop;
	(pc) =	sbr.ind lr, $3  }
0x3a: {  	_ = 	snop  }
0x3b: {  	_ = 	snop  }
0x3c: {  	p2 =	seq.s32 s10, $0x1;
	s10 =	sld [smem:$0x3FA6]  }
0x3d: {  	_ =	shalt  }
0x3e: {  	_ =	shalt  }
0x3f: {  	_ =	shalt  }
0x40: {  	_ =	shalt  }
0x41: {  	_ =	shalt  }
0x42: {  	_ =	shalt  }
0x43: {  	_ =	shalt  }
0x44: {  	_ =	shalt  }
0x45: {  	_ =	shalt  }
0x46: {  	_ =	shalt  }
0x47: {  	_ =	shalt  }
0x48: {  	_ =	shalt  }
0x49: {  	_ =	shalt  }
0x4a: {  	_ =	shalt  }
0x4b: {  	_ =	shalt  }
0x4c: {  	_ =	shalt  }
0x4d: {  	_ =	shalt  }
0x4e: {  	_ =	shalt  }
0x4f: {  	_ =	shalt  }
0x50: {  	_ =	shalt  }
0x51: {  	_ =	shalt  }
0x52: {  	_ =	shalt  }
0x53: {  	_ =	shalt  }
0x54: {  	_ =	shalt  }
0x55: {  	_ =	shalt  }
0x56: {  	_ =	shalt  }
0x57: {  	_ =	shalt  }
0x58: {  	_ =	shalt  }
0x59: {  	_ =	shalt  }
0x5a: {  	_ =	shalt  }
0x5b: {  	_ =	shalt  }
0x5c: {  	_ =	shalt  }
0x5d: {  	_ =	shalt  }
0x5e: {  	_ =	shalt  }
0x5f: {  	_ =	shalt  }
0x60: {  	_ =	shalt  }
0x61: {  	_ =	shalt  }
0x62: {  	_ =	shalt  }
0x63: {  	_ =	shalt  }
0x64: {  	_ =	shalt  }
0x65: {  	_ =	shalt  }
0x66: {  	_ =	shalt  }
0x67: {  	_ =	shalt  }
0x68: {  	_ =	shalt  }
0x69: {  	_ =	shalt  }
0x6a: {  	_ =	shalt  }
0x6b: {  	_ =	shalt  }
0x6c: {  	_ =	shalt  }
0x6d: {  	_ =	shalt  }
0x6e: {  	_ =	shalt  }
0x6f: {  	_ =	shalt  }
0x70: {  	_ =	shalt  }
0x71: {  	_ =	shalt  }
0x72: {  	_ =	shalt  }
0x73: {  	_ =	shalt  }
0x74: {  	_ =	shalt  }
0x75: {  	_ =	shalt  }
0x76: {  	_ =	shalt  }
0x77: {  	_ =	shalt  }
0x78: {  	_ =	shalt  }
0x79: {  	_ =	shalt  }
0x7a: {  	_ =	shalt  }
0x7b: {  	_ =	shalt  }
0x7c: {  	_ =	shalt  }
0x7d: {  	_ =	shalt  }
0x7e: {  	_ =	shalt  }
0x7f: {  	_ =	shalt  }
0x80: {  	_ =	shalt  }
0x81: {  	_ =	shalt  }
0x82: {  	_ =	shalt  }
0x83: {  	_ =	shalt  }
0x84: {  	_ =	shalt  }
0x85: {  	_ =	shalt  }
0x86: {  	_ =	shalt  }
0x87: {  	_ =	shalt  }
.Lfunc_end0:
.L_simem_size_0:
called_computation_lowered:
.L_overlay_start_0:
0x88: {  	s2 =	sld [smem:$0x3FD9]  }
0x89: {  	s3 =	sld [smem:$0x3FFE];
	_ =	sdelay $0x1  }
0x8a: {  	s1 =	srdreg.scid  }
0x8b: {  	s0 =	sand.u32 $0x1, s1  }
0x8c: {  	s16 =	sshll.u32 s0, $0xA;
	s2 =	sadd.s32 s3, s2  }
0x8d: {  	s2 =	sadd.s32 s2, s16  }
0x8e: {  	[smem:$0x3FB2] =	sst s2  }
0x8f: {  	_ = 	snop  }
0x90: {  	(tm) =	ssettm $0x1  }
0x91: {  	s17 =	sld [smem:$0x3FFB];
	_ =	sdelay $0x3  }
0x92: {  	_ =	strace s17  }
0x93: {  	s2 =	sld [smem:$0x3FFC];
	_ =	sdelay $0x3  }
0x94: {  	_ =	strace s2  }
0x95: {  	s2 =	sld [smem:$0x3FFD];
	_ =	sdelay $0x3  }
0x96: {  	_ =	strace s2  }
0x97: {  	_ =	strace $0x8FFFFFFF  }
0x98: {  	s18 =	sld [smem:$0x3FDB];
	_ =	sdelay $0x1  }
0x99: {  	s19 =	simm.s32 $_scs_section_size  }
0x9a: {  	s4 =	simm.s32 $_size__tile_overlayer_lowered;
	s5 =	simm.s32 $_tile_overlayer_lowered  }
0x9b: {  	s22 =	simm.s32 $0x1BFF;
	s21 =	sshll.u32 s5, $0x1;
	s2 =	sadd.s32 s19, s18  }
0x9c: {  	s6 =	simm.s32 $0x0;
	s20 =	sshll.u32 s4, $0x1;
	s4 =	sadd.s32 s21, s2  }
0x9d: {  	[timem:s6], [sflag:s22] =	dma.local [hbm:s4], s20  }
0x9e: {  	_ =	swait.ge [sflag:s22], s20  }
0x9f: {  	s3 =	ssub.s32 $0x0, s20;
	[sflag:s22] =	ssyncset.done $0x0  }
0xa0: {  	[sflag:s22] =	ssyncadd.s32 s3;
	_ =	sdelay $0x1  }
0xa1: {  	s23 =	simm.s32 $0x1B8B  }
0xa2: {  	_ =	swait.ge [sflag:s23], $0x1  }
0xa3: {  	[sflag:s23] =	ssyncset.done $0x0  }
0xa4: {  	s25 =	simm.s32 $0x1B8E;
	s24 =	sld [smem:$0x3FFE];
	[sflag:s23] =	ssyncadd.s32 $0xFFFFFFFF  }
0xa5: {  	s26 =	simm.s32 $execute0_lowered;
	[smem:$0x3FD2] =	sst s25  }
0xa6: {  	s4 =	sshll.u32 s26, $0x1;
	_ =	strace $0x80000046;
	[dreg:$0x1] =	wrdreg $0xFFFFFFFF  }
0xa7: {  	s28 =	simm.s32 $_size_execute0_lowered;
	s2 =	sadd.s32 s2, s4;
	[dreg:$0x0] =	wrdreg $0x0  }
0xa8: {  	s4 =	sshll.u32 s28, $0x1;
	[dreg:$0x2] =	wrdreg s2  }
0xa9: {  	[dreg:$0x3] =	wrdreg s4  }
0xaa: {  	[dreg:$0x4] =	wrdreg $0xC0  }
0xab: {  	_ =	task [dreg:s6], $0x5FFFF  }
0xac: {  	[dreg:$0x1] =	wrdreg $0xFFFFFFFF  }
0xad: {  	[dreg:$0x0] =	wrdreg $0x60  }
0xae: {  	[dreg:$0x2] =	wrdreg s24  }
0xaf: {  	[dreg:$0x3] =	wrdreg $0x9  }
0xb0: {  	_ =	task.clear_ibuf [dreg:s6], $0x4FFFF;
	_ =	strace $0x90000046  }
0xb1: {  	s29 =	simm.s32 $0x9;
	_ =	strace $0x80000048  }
0xb2: {  	_ =	swait.ge [sflag:s29], $0x1  }
0xb3: {  	[sflag:s29] =	ssyncadd.s32 $0xFFFFFFFF  }
0xb4: {  	_ =	strace $0x90000048  }
0xb5: {  	_ =	sfence  }
0xb6: {  	s30 =	sld [smem:$0x0];
	_ =	sdelay $0x2  }
0xb7: {  	s31 =	sshll.u32 s1, $0xD;
	s1 =	sshrl.u32 s1, $0x2  }
0xb8: {  	s3 =	sand.u32 $0x4000, s31;
	s1 =	sadd.s32 s1, s30  }
0xb9: {  	s0 =	sor.u32 s3, s0;
	s1 =	sshll.u32 s1, $0x11  }
0xba: {  	s0 =	sor.u32 s1, s0  }
0xbb: {  	s0 =	sadd.s32 $0x8F2B, s0  }
0xbc: {  	[sflag:s0] =	ssyncadd.remote.s32 $0x1  }
0xbd: {  	_ =	sfence.sel $0xFFFF  }
0xbe: {  	[dreg:$0x0] =	wrdreg $0xFFFFFFFF;
	(pc) =	sbr.abs _section_cstart, $3  }
0xbf: {  	[dreg:$0x1] =	wrdreg $0xFFFFFFFF  }
0xc0: {  	_ =	task.clear_ibuf [dreg:s6], $0x2FFFF;
	_ =	strace $0x9FFFFFFF  }
0xc1: {  	(tm) =	ssettm $0x7FFFFFFF  }
tec
execute0_lowered:
.L_overlay_start_1:
0x0: {  	(tag) =	ssettag $0x1  }
0x1: {  	s5 =	rddreg [dreg:$0x0]  }
0x2: {  	s0 =	rddreg [dreg:$0x1];
	s2 =	simm.s32 $0x0  }
0x3: {  	s1 =	stileid.u32;
	s4 =	srdreg.scid;
	s12 =	simm.s32 $0x3  }
0x4: {  	s13 =	simm.s32 $0x2;
	s14 =	simm.s32 $0x0;
	[smem:$0x7FF] =	sst s2  }
0x5: {  	s3 =	sadd.s32 $0x2600, s5;
	s6 =	sshll.u32 s1, $0x8;
	s7 =	sand.u32 $0x1, s4  }
0x6: {  	s8 =	sshll.u32 s1, $0x1;
	s4 =	sadd.s32 $0xF44A00, s5;
	p0 =	sgt.u32 s1, $0x7  }
0x7: {  	_ =	strace $0x80000047;
	s6 =	sand.u32 $0xC00, s6;
	s8 =	sor.u32 s7, s8  }
0x8: {  	s7 =	ssub.s32 $0x2, s7;
	s6 =	sadd.s32 s6, s5;
	s9 =	sshll.u32 s8, $0xE  }
.Ltmp0:
0x9: {  	s10 =	sshll.u32 s8, $0x4;
	s11 =	sshrl.u32 s7, $0x1;
	(pc) =	sbr.rel .LBB2_1-.Ltmp0, $4  }
0xa: {  	s31 =	sshll.u32 s8, $0x11;
	s9 =	sadd.s32 s9, s5;
	s10 =	sand.u32 $0x70, s10  }
0xb: {  	s5 =	sadd.s32 $0x110C400, s5;
	s30 =	ssub.s32 s7, s11;
	s7 =	sadd.s32 $0xFFE00000, s31  }
0xc: {  	s11 =	simm.s32 $0x400;
	s6 =	sadd.s32 s10, s6;
	s8 =	sadd.s32 $0x10CC400, s9  }
0xd: {  	s9 =	smax.u32 s30, $0x1;
	s10 =	simm.s32 $0x80;
	s6 =	sadd.s32 $0x10CB400, s6  }
.LBB2_8:
0xe: {  	s14 =	sadd.s32 $0x1, s14  }
0xf: {  	p1 =	sne.s32 s14, s9  }
.Ltmp1:
0x10: {  	_ = 	snop;
	(pc) =	sbr.rel @!p1 .LBB2_9-.Ltmp1, $1  }
0x11: {  	_ =	sdelay $0x3  }
.LBB2_1:
.Ltmp2:
0x12: {  	(pc) =	sbr.rel @p0 .LBB2_5-.Ltmp2, $4  }
0x13: {  	[tilespmem:s2], [sflag:$0x3] =	stream.strided.gather [hbm4b:s6+s10], $0x400, s11, s10, $0x38;
	[tilespmem:$0x2400] =	vst v63  }
0x14: {  	_ =	swait.ge [sflag:s12], $0x400  }
0x15: {  	[sflag:s12] =	ssyncset.done $0x0  }
0x16: {  	s16 =	simm.s32 $0x0;
	s15 =	simm.s32 $0x0;
	[sflag:s12] =	ssyncadd.s32 $0xFFFFFC00  }
.LBB2_2:
0x17: {  	s15 =	sshll.u32 s16, $0x6  }
0x18: {  	s17 =	sand.u32 $0x3FFFFFC0, s15  }
0x19: {  	v0 =	vmov s17;
	_ =	sdelay $0x1  }
0x1a: {  	p1 =	por $0x1, $0x1;
	s15 =	simm.s32 $0x0  }
.LBB2_3:
0x1b: {  	s17 =	sshll.u32 s15, $0x5  }
0x1c: {  	s17 =	sand.u32 $0x3FFFFFE0, s17  }
0x1d: {  	v1 =	vld.idx.msk [tilespmem:v0+s17+$0x0 ss:$0x1], $0xffff;
	_ =	sdelay $0x4  }
0x1e: {  	v1 =	vshll.u32 v1, $0x4  }
0x1f: {  	(v2sf) =	vpush v1, $0x0;
	_ =	sdelay $0x1  }
0x20: {  	(v2sf) =	vpush v1, $0x1;
	_ =	sdelay $0x1  }
0x21: {  	(v2sf) =	vpush v1, $0x2;
	_ =	sdelay $0x2  }
0x22: {  	(v2sf) =	vpush v1, $0x3;
	_ =	sdelay $0x7  }
0x23: {  	s18 =	spop (v2sf);
	(v2sf) =	vpush v1, $0x4;
	_ =	sdelay $0x1  }
0x24: {  	s19 =	spop (v2sf);
	(v2sf) =	vpush v1, $0x5;
	_ =	sdelay $0x1  }
0x25: {  	s21 =	spop (v2sf);
	(v2sf) =	vpush v1, $0x6;
	_ =	sdelay $0x2  }
0x26: {  	s23 =	spop (v2sf);
	(v2sf) =	vpush v1, $0x7;
	_ =	sdelay $0x4  }
0x27: {  	s30 =	sshll.u32 s15, $0xC  }
0x28: {  	s15 =	sand.u32 $0x3FFFF000, s30  }
0x29: {  	s31 =	sor.u32 $0x400, s15;
	s18 =	sand.u32 $0x1FFFFFF0, s18  }
0x2a: {  	v2 =	vld.idx.msk [tilespmem:v0+s17+$0x10 ss:$0x1], $0xffff;
	s18 =	sadd.s32 s3, s18;
	s17 =	sand.u32 $0x1FFFFFF0, s19;
	s25 =	spop (v2sf);
	(v2sf) =	vpush v1, $0x8  }
0x2b: {  	[tilespmem:s31], [sflag:$0x1] =	stream.linear.gather [hbm4b:s18+s2], $0x80, $0x38;
	[tilespmem:$0x2400] =	vst v63  }
0x2c: {  	s20 =	sor.u32 $0x480, s15;
	s17 =	sadd.s32 s3, s17;
	s28 =	spop (v2sf);
	(v2sf) =	vpush v1, $0x9  }
0x2d: {  	[tilespmem:s20], [sflag:$0x1] =	stream.linear.gather [hbm4b:s17+s2], $0x80, $0x38;
	[tilespmem:$0x2400] =	vst v63  }
0x2e: {  	s17 =	sand.u32 $0x1FFFFFF0, s21;
	s30 =	spop (v2sf);
	(v2sf) =	vpush v1, $0xA  }
0x2f: {  	s22 =	sor.u32 $0x500, s15;
	s17 =	sadd.s32 s3, s17  }
0x30: {  	[tilespmem:s22], [sflag:$0x1] =	stream.linear.gather [hbm4b:s17+s2], $0x80, $0x38;
	[tilespmem:$0x2400] =	vst v63  }
0x31: {  	s19 =	spop (v2sf);
	(v2sf) =	vpush v1, $0xB  }
0x32: {  	s17 =	sand.u32 $0x1FFFFFF0, s23  }
0x33: {  	s24 =	sor.u32 $0x580, s15;
	s17 =	sadd.s32 s3, s17  }
0x34: {  	[tilespmem:s24], [sflag:$0x1] =	stream.linear.gather [hbm4b:s17+s2], $0x80, $0x38;
	[tilespmem:$0x2400] =	vst v63  }
0x35: {  	s17 =	sand.u32 $0x1FFFFFF0, s25  }
0x36: {  	s26 =	sor.u32 $0x600, s15;
	s17 =	sadd.s32 s3, s17  }
0x37: {  	[tilespmem:s26], [sflag:$0x1] =	stream.linear.gather [hbm4b:s17+s2], $0x80, $0x38;
	[tilespmem:$0x2400] =	vst v63  }
0x38: {  	s17 =	sand.u32 $0x1FFFFFF0, s28  }
0x39: {  	s29 =	sor.u32 $0x680, s15;
	s17 =	sadd.s32 s3, s17;
	s21 =	spop (v2sf);
	(v2sf) =	vpush v1, $0xC  }
0x3a: {  	[tilespmem:s29], [sflag:$0x1] =	stream.linear.gather [hbm4b:s17+s2], $0x80, $0x38;
	[tilespmem:$0x2400] =	vst v63  }
0x3b: {  	s23 =	spop (v2sf);
	(v2sf) =	vpush v1, $0xD  }
0x3c: {  	s17 =	sand.u32 $0x1FFFFFF0, s30  }
0x3d: {  	s31 =	sor.u32 $0x700, s15;
	s17 =	sadd.s32 s3, s17;
	s25 =	spop (v2sf);
	(v2sf) =	vpush v1, $0xE  }
0x3e: {  	[tilespmem:s31], [sflag:$0x1] =	stream.linear.gather [hbm4b:s17+s2], $0x80, $0x38;
	[tilespmem:$0x2400] =	vst v63  }
0x3f: {  	s17 =	sand.u32 $0x1FFFFFF0, s19  }
0x40: {  	s20 =	sor.u32 $0x780, s15;
	s17 =	sadd.s32 s3, s17;
	s28 =	spop (v2sf);
	(v2sf) =	vpush v1, $0xF  }
0x41: {  	[tilespmem:s20], [sflag:$0x1] =	stream.linear.gather [hbm4b:s17+s2], $0x80, $0x38;
	[tilespmem:$0x2400] =	vst v63  }
0x42: {  	s17 =	sand.u32 $0x1FFFFFF0, s21  }
0x43: {  	s22 =	sor.u32 $0x800, s15;
	s17 =	sadd.s32 s3, s17  }
0x44: {  	[tilespmem:s22], [sflag:$0x1] =	stream.linear.gather [hbm4b:s17+s2], $0x80, $0x38;
	[tilespmem:$0x2400] =	vst v63  }
0x45: {  	s17 =	sand.u32 $0x1FFFFFF0, s23  }
0x46: {  	s24 =	sor.u32 $0x880, s15;
	s17 =	sadd.s32 s3, s17  }
0x47: {  	v1 =	vshll.u32 v2, $0x4;
	[tilespmem:s24], [sflag:$0x1] =	stream.linear.gather [hbm4b:s17+s2], $0x80, $0x38;
	[tilespmem:$0x2400] =	vst v63  }
0x48: {  	s30 =	spop (v2sf);
	(v2sf) =	vpush v1, $0x0  }
0x49: {  	s17 =	sand.u32 $0x1FFFFFF0, s25  }
0x4a: {  	s26 =	sor.u32 $0x900, s15;
	s17 =	sadd.s32 s3, s17;
	s19 =	spop (v2sf);
	(v2sf) =	vpush v1, $0x1  }
0x4b: {  	[tilespmem:s26], [sflag:$0x1] =	stream.linear.gather [hbm4b:s17+s2], $0x80, $0x38;
	[tilespmem:$0x2400] =	vst v63  }
0x4c: {  	s17 =	sand.u32 $0x1FFFFFF0, s28;
	s21 =	spop (v2sf);
	(v2sf) =	vpush v1, $0x2  }
0x4d: {  	s29 =	sor.u32 $0x980, s15;
	s17 =	sadd.s32 s3, s17  }
0x4e: {  	[tilespmem:s29], [sflag:$0x1] =	stream.linear.gather [hbm4b:s17+s2], $0x80, $0x38;
	[tilespmem:$0x2400] =	vst v63  }
0x4f: {  	s23 =	spop (v2sf);
	(v2sf) =	vpush v1, $0x3  }
0x50: {  	s17 =	sand.u32 $0x1FFFFFF0, s30  }
0x51: {  	s31 =	sor.u32 $0xA00, s15;
	s17 =	sadd.s32 s3, s17  }
0x52: {  	[tilespmem:s31], [sflag:$0x1] =	stream.linear.gather [hbm4b:s17+s2], $0x80, $0x38;
	[tilespmem:$0x2400] =	vst v63  }
0x53: {  	s17 =	sand.u32 $0x1FFFFFF0, s19  }
0x54: {  	s20 =	sor.u32 $0xA80, s15;
	s17 =	sadd.s32 s3, s17  }
0x55: {  	[tilespmem:s20], [sflag:$0x1] =	stream.linear.gather [hbm4b:s17+s2], $0x80, $0x38;
	[tilespmem:$0x2400] =	vst v63  }
0x56: {  	s17 =	sand.u32 $0x1FFFFFF0, s21  }
0x57: {  	s22 =	sor.u32 $0xB00, s15;
	s17 =	sadd.s32 s3, s17;
	s25 =	spop (v2sf);
	(v2sf) =	vpush v1, $0x4  }
0x58: {  	[tilespmem:s22], [sflag:$0x1] =	stream.linear.gather [hbm4b:s17+s2], $0x80, $0x38;
	[tilespmem:$0x2400] =	vst v63  }
0x59: {  	s28 =	spop (v2sf);
	(v2sf) =	vpush v1, $0x5  }
0x5a: {  	s17 =	sand.u32 $0x1FFFFFF0, s23  }
0x5b: {  	s24 =	sor.u32 $0xB80, s15;
	s17 =	sadd.s32 s3, s17;
	s30 =	spop (v2sf);
	(v2sf) =	vpush v1, $0x6  }
0x5c: {  	[tilespmem:s24], [sflag:$0x1] =	stream.linear.gather [hbm4b:s17+s2], $0x80, $0x38;
	[tilespmem:$0x2400] =	vst v63  }
0x5d: {  	s17 =	sand.u32 $0x1FFFFFF0, s25  }
0x5e: {  	s26 =	sor.u32 $0xC00, s15;
	s17 =	sadd.s32 s3, s17;
	s19 =	spop (v2sf);
	(v2sf) =	vpush v1, $0x7  }
0x5f: {  	[tilespmem:s26], [sflag:$0x1] =	stream.linear.gather [hbm4b:s17+s2], $0x80, $0x38;
	[tilespmem:$0x2400] =	vst v63  }
0x60: {  	s17 =	sand.u32 $0x1FFFFFF0, s28  }
0x61: {  	s29 =	sor.u32 $0xC80, s15;
	s17 =	sadd.s32 s3, s17  }
0x62: {  	[tilespmem:s29], [sflag:$0x1] =	stream.linear.gather [hbm4b:s17+s2], $0x80, $0x38;
	[tilespmem:$0x2400] =	vst v63  }
0x63: {  	s17 =	sand.u32 $0x1FFFFFF0, s30  }
0x64: {  	s31 =	sor.u32 $0xD00, s15;
	s17 =	sadd.s32 s3, s17  }
0x65: {  	[tilespmem:s31], [sflag:$0x1] =	stream.linear.gather [hbm4b:s17+s2], $0x80, $0x38;
	[tilespmem:$0x2400] =	vst v63  }
0x66: {  	s21 =	spop (v2sf);
	(v2sf) =	vpush v1, $0x8  }
0x67: {  	s17 =	sand.u32 $0x1FFFFFF0, s19  }
0x68: {  	s20 =	sor.u32 $0xD80, s15;
	s17 =	sadd.s32 s3, s17;
	s23 =	spop (v2sf);
	(v2sf) =	vpush v1, $0x9  }
0x69: {  	[tilespmem:s20], [sflag:$0x1] =	stream.linear.gather [hbm4b:s17+s2], $0x80, $0x38;
	[tilespmem:$0x2400] =	vst v63  }
0x6a: {  	s17 =	sand.u32 $0x1FFFFFF0, s21;
	s25 =	spop (v2sf);
	(v2sf) =	vpush v1, $0xA  }
0x6b: {  	s22 =	sor.u32 $0xE00, s15;
	s17 =	sadd.s32 s3, s17  }
0x6c: {  	[tilespmem:s22], [sflag:$0x1] =	stream.linear.gather [hbm4b:s17+s2], $0x80, $0x38;
	[tilespmem:$0x2400] =	vst v63  }
0x6d: {  	s28 =	spop (v2sf);
	(v2sf) =	vpush v1, $0xB  }
0x6e: {  	s17 =	sand.u32 $0x1FFFFFF0, s23  }
0x6f: {  	s24 =	sor.u32 $0xE80, s15;
	s17 =	sadd.s32 s3, s17  }
0x70: {  	[tilespmem:s24], [sflag:$0x1] =	stream.linear.gather [hbm4b:s17+s2], $0x80, $0x38;
	[tilespmem:$0x2400] =	vst v63  }
0x71: {  	s17 =	sand.u32 $0x1FFFFFF0, s25  }
0x72: {  	s26 =	sor.u32 $0xF00, s15;
	s17 =	sadd.s32 s3, s17  }
0x73: {  	[tilespmem:s26], [sflag:$0x1] =	stream.linear.gather [hbm4b:s17+s2], $0x80, $0x38;
	[tilespmem:$0x2400] =	vst v63  }
0x74: {  	s17 =	sand.u32 $0x1FFFFFF0, s28  }
0x75: {  	s29 =	sor.u32 $0xF80, s15;
	s17 =	sadd.s32 s3, s17;
	s30 =	spop (v2sf);
	(v2sf) =	vpush v1, $0xC  }
0x76: {  	[tilespmem:s29], [sflag:$0x1] =	stream.linear.gather [hbm4b:s17+s2], $0x80, $0x38;
	[tilespmem:$0x2400] =	vst v63  }
0x77: {  	s18 =	spop (v2sf);
	(v2sf) =	vpush v1, $0xD  }
0x78: {  	s17 =	sand.u32 $0x1FFFFFF0, s30  }
0x79: {  	s31 =	sadd.s32 $0x1000, s15;
	s17 =	sadd.s32 s3, s17;
	s20 =	spop (v2sf)  }
0x7a: {  	(v2sf) =	vpush v1, $0xE;
	[tilespmem:s31], [sflag:$0x1] =	stream.linear.gather [hbm4b:s17+s2], $0x80, $0x38;
	[tilespmem:$0x2400] =	vst v63  }
0x7b: {  	s17 =	sand.u32 $0x1FFFFFF0, s18  }
0x7c: {  	s19 =	sadd.s32 $0x1080, s15;
	s22 =	spop (v2sf);
	s17 =	sadd.s32 s3, s17  }
0x7d: {  	(v2sf) =	vpush v1, $0xF;
	[tilespmem:s19], [sflag:$0x1] =	stream.linear.gather [hbm4b:s17+s2], $0x80, $0x38;
	[tilespmem:$0x2400] =	vst v63  }
0x7e: {  	s17 =	sand.u32 $0x1FFFFFF0, s20  }
0x7f: {  	s21 =	sadd.s32 $0x1100, s15;
	s17 =	sadd.s32 s3, s17  }
0x80: {  	[tilespmem:s21], [sflag:$0x1] =	stream.linear.gather [hbm4b:s17+s2], $0x80, $0x38;
	[tilespmem:$0x2400] =	vst v63  }
0x81: {  	s17 =	sand.u32 $0x1FFFFFF0, s22  }
0x82: {  	s23 =	sadd.s32 $0x1180, s15;
	s17 =	sadd.s32 s3, s17  }
0x83: {  	[tilespmem:s23], [sflag:$0x1] =	stream.linear.gather [hbm4b:s17+s2], $0x80, $0x38;
	[tilespmem:$0x2400] =	vst v63  }
0x84: {  	s24 =	spop (v2sf)  }
0x85: {  	s17 =	sand.u32 $0x1FFFFFF0, s24  }
0x86: {  	s25 =	sadd.s32 $0x1200, s15;
	s26 =	spop (v2sf);
	s17 =	sadd.s32 s3, s17  }
0x87: {  	[tilespmem:s25], [sflag:$0x1] =	stream.linear.gather [hbm4b:s17+s2], $0x80, $0x38;
	[tilespmem:$0x2400] =	vst v63  }
0x88: {  	s17 =	sand.u32 $0x1FFFFFF0, s26  }
0x89: {  	s28 =	sadd.s32 $0x1280, s15;
	s29 =	spop (v2sf);
	s17 =	sadd.s32 s3, s17  }
0x8a: {  	[tilespmem:s28], [sflag:$0x1] =	stream.linear.gather [hbm4b:s17+s2], $0x80, $0x38;
	[tilespmem:$0x2400] =	vst v63  }
0x8b: {  	s17 =	sand.u32 $0x1FFFFFF0, s29  }
0x8c: {  	s30 =	sadd.s32 $0x1300, s15;
	s31 =	spop (v2sf);
	s17 =	sadd.s32 s3, s17  }
0x8d: {  	[tilespmem:s30], [sflag:$0x1] =	stream.linear.gather [hbm4b:s17+s2], $0x80, $0x38;
	[tilespmem:$0x2400] =	vst v63  }
0x8e: {  	s17 =	sand.u32 $0x1FFFFFF0, s31  }
0x8f: {  	s15 =	sadd.s32 $0x1380, s15;
	s17 =	sadd.s32 s3, s17  }
0x90: {  	[tilespmem:s15], [sflag:$0x1] =	stream.linear.gather [hbm4b:s17+s2], $0x80, $0x38;
	[tilespmem:$0x2400] =	vst v63  }
0x91: {  	s15 =	simm.s32 $0x1  }
0x92: {  	_ =	swait.ge [sflag:s15], $0x80  }
0x93: {  	[sflag:s15] =	ssyncset.done $0x0  }
0x94: {  	[sflag:s15] =	ssyncadd.s32 $0xFFFFFF80  }
0x95: {  	_ =	swait.ge [sflag:s15], $0x80  }
0x96: {  	[sflag:s15] =	ssyncset.done $0x0  }
0x97: {  	[sflag:s15] =	ssyncadd.s32 $0xFFFFFF80  }
0x98: {  	_ =	swait.ge [sflag:s15], $0x80  }
0x99: {  	[sflag:s15] =	ssyncset.done $0x0  }
0x9a: {  	[sflag:s15] =	ssyncadd.s32 $0xFFFFFF80  }
0x9b: {  	_ =	swait.ge [sflag:s15], $0x80  }
0x9c: {  	[sflag:s15] =	ssyncset.done $0x0  }
0x9d: {  	[sflag:s15] =	ssyncadd.s32 $0xFFFFFF80  }
0x9e: {  	_ =	swait.ge [sflag:s15], $0x80  }
0x9f: {  	[sflag:s15] =	ssyncset.done $0x0  }
0xa0: {  	[sflag:s15] =	ssyncadd.s32 $0xFFFFFF80  }
0xa1: {  	_ =	swait.ge [sflag:s15], $0x80  }
0xa2: {  	[sflag:s15] =	ssyncset.done $0x0  }
0xa3: {  	[sflag:s15] =	ssyncadd.s32 $0xFFFFFF80  }
0xa4: {  	_ =	swait.ge [sflag:s15], $0x80  }
0xa5: {  	[sflag:s15] =	ssyncset.done $0x0  }
0xa6: {  	[sflag:s15] =	ssyncadd.s32 $0xFFFFFF80  }
0xa7: {  	_ =	swait.ge [sflag:s15], $0x80  }
0xa8: {  	[sflag:s15] =	ssyncset.done $0x0  }
0xa9: {  	[sflag:s15] =	ssyncadd.s32 $0xFFFFFF80  }
0xaa: {  	_ =	swait.ge [sflag:s15], $0x80  }
0xab: {  	[sflag:s15] =	ssyncset.done $0x0  }
0xac: {  	[sflag:s15] =	ssyncadd.s32 $0xFFFFFF80  }
0xad: {  	_ =	swait.ge [sflag:s15], $0x80  }
0xae: {  	[sflag:s15] =	ssyncset.done $0x0  }
0xaf: {  	[sflag:s15] =	ssyncadd.s32 $0xFFFFFF80  }
0xb0: {  	_ =	swait.ge [sflag:s15], $0x80  }
0xb1: {  	[sflag:s15] =	ssyncset.done $0x0  }
0xb2: {  	[sflag:s15] =	ssyncadd.s32 $0xFFFFFF80  }
0xb3: {  	_ =	swait.ge [sflag:s15], $0x80  }
0xb4: {  	[sflag:s15] =	ssyncset.done $0x0  }
0xb5: {  	[sflag:s15] =	ssyncadd.s32 $0xFFFFFF80  }
0xb6: {  	_ =	swait.ge [sflag:s15], $0x80  }
0xb7: {  	[sflag:s15] =	ssyncset.done $0x0  }
0xb8: {  	[sflag:s15] =	ssyncadd.s32 $0xFFFFFF80  }
0xb9: {  	_ =	swait.ge [sflag:s15], $0x80  }
0xba: {  	[sflag:s15] =	ssyncset.done $0x0  }
0xbb: {  	[sflag:s15] =	ssyncadd.s32 $0xFFFFFF80  }
0xbc: {  	_ =	swait.ge [sflag:s15], $0x80  }
0xbd: {  	[sflag:s15] =	ssyncset.done $0x0  }
0xbe: {  	[sflag:s15] =	ssyncadd.s32 $0xFFFFFF80  }
0xbf: {  	_ =	swait.ge [sflag:s15], $0x80  }
0xc0: {  	[sflag:s15] =	ssyncset.done $0x0  }
0xc1: {  	[sflag:s15] =	ssyncadd.s32 $0xFFFFFF80  }
0xc2: {  	_ =	swait.ge [sflag:s15], $0x80  }
0xc3: {  	[sflag:s15] =	ssyncset.done $0x0  }
0xc4: {  	[sflag:s15] =	ssyncadd.s32 $0xFFFFFF80  }
0xc5: {  	_ =	swait.ge [sflag:s15], $0x80  }
0xc6: {  	[sflag:s15] =	ssyncset.done $0x0  }
0xc7: {  	[sflag:s15] =	ssyncadd.s32 $0xFFFFFF80  }
0xc8: {  	_ =	swait.ge [sflag:s15], $0x80  }
0xc9: {  	[sflag:s15] =	ssyncset.done $0x0  }
0xca: {  	[sflag:s15] =	ssyncadd.s32 $0xFFFFFF80  }
0xcb: {  	_ =	swait.ge [sflag:s15], $0x80  }
0xcc: {  	[sflag:s15] =	ssyncset.done $0x0  }
0xcd: {  	[sflag:s15] =	ssyncadd.s32 $0xFFFFFF80  }
0xce: {  	_ =	swait.ge [sflag:s15], $0x80  }
0xcf: {  	[sflag:s15] =	ssyncset.done $0x0  }
0xd0: {  	[sflag:s15] =	ssyncadd.s32 $0xFFFFFF80  }
0xd1: {  	_ =	swait.ge [sflag:s15], $0x80  }
0xd2: {  	[sflag:s15] =	ssyncset.done $0x0  }
0xd3: {  	[sflag:s15] =	ssyncadd.s32 $0xFFFFFF80  }
0xd4: {  	_ =	swait.ge [sflag:s15], $0x80  }
0xd5: {  	[sflag:s15] =	ssyncset.done $0x0  }
0xd6: {  	[sflag:s15] =	ssyncadd.s32 $0xFFFFFF80  }
0xd7: {  	_ =	swait.ge [sflag:s15], $0x80  }
0xd8: {  	[sflag:s15] =	ssyncset.done $0x0  }
0xd9: {  	[sflag:s15] =	ssyncadd.s32 $0xFFFFFF80  }
0xda: {  	_ =	swait.ge [sflag:s15], $0x80  }
0xdb: {  	[sflag:s15] =	ssyncset.done $0x0  }
0xdc: {  	[sflag:s15] =	ssyncadd.s32 $0xFFFFFF80  }
0xdd: {  	_ =	swait.ge [sflag:s15], $0x80  }
0xde: {  	[sflag:s15] =	ssyncset.done $0x0  }
0xdf: {  	[sflag:s15] =	ssyncadd.s32 $0xFFFFFF80  }
0xe0: {  	_ =	swait.ge [sflag:s15], $0x80  }
0xe1: {  	[sflag:s15] =	ssyncset.done $0x0  }
0xe2: {  	[sflag:s15] =	ssyncadd.s32 $0xFFFFFF80  }
0xe3: {  	_ =	swait.ge [sflag:s15], $0x80  }
0xe4: {  	[sflag:s15] =	ssyncset.done $0x0  }
0xe5: {  	[sflag:s15] =	ssyncadd.s32 $0xFFFFFF80  }
0xe6: {  	_ =	swait.ge [sflag:s15], $0x80  }
0xe7: {  	[sflag:s15] =	ssyncset.done $0x0  }
0xe8: {  	[sflag:s15] =	ssyncadd.s32 $0xFFFFFF80  }
0xe9: {  	_ =	swait.ge [sflag:s15], $0x80  }
0xea: {  	[sflag:s15] =	ssyncset.done $0x0  }
0xeb: {  	[sflag:s15] =	ssyncadd.s32 $0xFFFFFF80  }
0xec: {  	p2 =	por p1, p1;
	_ =	swait.ge [sflag:s15], $0x80  }
.Ltmp3:
0xed: {  	[sflag:s15] =	ssyncset.done $0x0;
	(pc) =	sbr.rel @p2 .LBB2_3-.Ltmp3, $4  }
0xee: {  	[sflag:s15] =	ssyncadd.s32 $0xFFFFFF80  }
0xef: {  	_ =	swait.ge [sflag:s15], $0x80  }
0xf0: {  	[sflag:s15] =	ssyncset.done $0x0  }
0xf1: {  	p1 =	por $0x0, $0x0;
	[sflag:s15] =	ssyncadd.s32 $0xFFFFFF80  }
0xf2: {  	s15 =	sshll.u32 s16, $0xA;
	s16 =	sadd.s32 $0x1, s16  }
0xf3: {  	s15 =	sadd.s32 s15, s8;
	p1 =	seq.s32 s16, $0x10  }
0xf4: {  	[hbm4b:s15+s2] =	stream.linear.scatter [tilespmem:s11], [sflag:$0x2], $0x2000, $0x38;
	[tilespmem:$0x2400] =	vst v63  }
.Ltmp4:
0xf5: {  	_ = 	snop;
	(pc) =	sbr.rel @!p1 .LBB2_2-.Ltmp4, $4  }
.Ltmp5:
0xf6: {  	_ = 	snop;
	(pc) =	sbr.rel @p1 .LBB2_8-.Ltmp5, $4  }
0xf7: {  	_ =	swait.ge [sflag:s13], $0x2000  }
0xf8: {  	[sflag:s13] =	ssyncset.done $0x0  }
0xf9: {  	[sflag:s13] =	ssyncadd.s32 $0xFFFFE000  }
0xfa: {  	_ = 	snop  }
.LBB2_5:
0xfb: {  	s16 =	sshll.u32 s15, $0x6  }
0xfc: {  	s17 =	sand.u32 $0x3FFFFFC0, s16  }
0xfd: {  	v0 =	vmov s17;
	_ =	sdelay $0x1  }
0xfe: {  	p1 =	por $0x1, $0x1;
	s16 =	simm.s32 $0x0  }
.LBB2_6:
0xff: {  	s17 =	sshll.u32 s16, $0x5  }
0x100: {  	s17 =	sand.u32 $0x3FFFFFE0, s17  }
0x101: {  	v1 =	vld.idx.msk [tilespmem:v0+s17+$0x0 ss:$0x1], $0xffff;
	_ =	sdelay $0x4  }
0x102: {  	v1 =	vshll.u32 v1, $0x4  }
0x103: {  	(v2sf) =	vpush v1, $0x0;
	_ =	sdelay $0x1  }
0x104: {  	(v2sf) =	vpush v1, $0x1;
	_ =	sdelay $0x1  }
0x105: {  	(v2sf) =	vpush v1, $0x2;
	_ =	sdelay $0x2  }
0x106: {  	(v2sf) =	vpush v1, $0x3;
	_ =	sdelay $0x7  }
0x107: {  	s18 =	spop (v2sf);
	(v2sf) =	vpush v1, $0x4;
	_ =	sdelay $0x1  }
0x108: {  	s19 =	spop (v2sf);
	(v2sf) =	vpush v1, $0x5;
	_ =	sdelay $0x1  }
0x109: {  	s21 =	spop (v2sf);
	(v2sf) =	vpush v1, $0x6;
	_ =	sdelay $0x2  }
0x10a: {  	s23 =	spop (v2sf);
	(v2sf) =	vpush v1, $0x7;
	_ =	sdelay $0x4  }
0x10b: {  	s30 =	sshll.u32 s16, $0xC  }
0x10c: {  	s16 =	sand.u32 $0x3FFFF000, s30  }
0x10d: {  	s31 =	sor.u32 $0x400, s16;
	s18 =	sand.u32 $0x1FFFFFF0, s18  }
0x10e: {  	v2 =	vld.idx.msk [tilespmem:v0+s17+$0x10 ss:$0x1], $0xffff;
	s18 =	sadd.s32 s4, s18;
	s17 =	sand.u32 $0x1FFFFFF0, s19;
	s25 =	spop (v2sf);
	(v2sf) =	vpush v1, $0x8  }
0x10f: {  	[tilespmem:s31], [sflag:$0x1] =	stream.linear.gather [hbm4b:s18+s2], $0x80, $0x38;
	[tilespmem:$0x2400] =	vst v63  }
0x110: {  	s20 =	sor.u32 $0x480, s16;
	s17 =	sadd.s32 s4, s17;
	s28 =	spop (v2sf);
	(v2sf) =	vpush v1, $0x9  }
0x111: {  	[tilespmem:s20], [sflag:$0x1] =	stream.linear.gather [hbm4b:s17+s2], $0x80, $0x38;
	[tilespmem:$0x2400] =	vst v63  }
0x112: {  	s17 =	sand.u32 $0x1FFFFFF0, s21;
	s30 =	spop (v2sf);
	(v2sf) =	vpush v1, $0xA  }
0x113: {  	s22 =	sor.u32 $0x500, s16;
	s17 =	sadd.s32 s4, s17  }
0x114: {  	[tilespmem:s22], [sflag:$0x1] =	stream.linear.gather [hbm4b:s17+s2], $0x80, $0x38;
	[tilespmem:$0x2400] =	vst v63  }
0x115: {  	s19 =	spop (v2sf);
	(v2sf) =	vpush v1, $0xB  }
0x116: {  	s17 =	sand.u32 $0x1FFFFFF0, s23  }
0x117: {  	s24 =	sor.u32 $0x580, s16;
	s17 =	sadd.s32 s4, s17  }
0x118: {  	[tilespmem:s24], [sflag:$0x1] =	stream.linear.gather [hbm4b:s17+s2], $0x80, $0x38;
	[tilespmem:$0x2400] =	vst v63  }
0x119: {  	s17 =	sand.u32 $0x1FFFFFF0, s25  }
0x11a: {  	s26 =	sor.u32 $0x600, s16;
	s17 =	sadd.s32 s4, s17  }
0x11b: {  	[tilespmem:s26], [sflag:$0x1] =	stream.linear.gather [hbm4b:s17+s2], $0x80, $0x38;
	[tilespmem:$0x2400] =	vst v63  }
0x11c: {  	s17 =	sand.u32 $0x1FFFFFF0, s28  }
0x11d: {  	s29 =	sor.u32 $0x680, s16;
	s17 =	sadd.s32 s4, s17;
	s21 =	spop (v2sf);
	(v2sf) =	vpush v1, $0xC  }
0x11e: {  	[tilespmem:s29], [sflag:$0x1] =	stream.linear.gather [hbm4b:s17+s2], $0x80, $0x38;
	[tilespmem:$0x2400] =	vst v63  }
0x11f: {  	s23 =	spop (v2sf);
	(v2sf) =	vpush v1, $0xD  }
0x120: {  	s17 =	sand.u32 $0x1FFFFFF0, s30  }
0x121: {  	s31 =	sor.u32 $0x700, s16;
	s17 =	sadd.s32 s4, s17;
	s25 =	spop (v2sf);
	(v2sf) =	vpush v1, $0xE  }
0x122: {  	[tilespmem:s31], [sflag:$0x1] =	stream.linear.gather [hbm4b:s17+s2], $0x80, $0x38;
	[tilespmem:$0x2400] =	vst v63  }
0x123: {  	s17 =	sand.u32 $0x1FFFFFF0, s19  }
0x124: {  	s20 =	sor.u32 $0x780, s16;
	s17 =	sadd.s32 s4, s17;
	s28 =	spop (v2sf);
	(v2sf) =	vpush v1, $0xF  }
0x125: {  	[tilespmem:s20], [sflag:$0x1] =	stream.linear.gather [hbm4b:s17+s2], $0x80, $0x38;
	[tilespmem:$0x2400] =	vst v63  }
0x126: {  	s17 =	sand.u32 $0x1FFFFFF0, s21  }
0x127: {  	s22 =	sor.u32 $0x800, s16;
	s17 =	sadd.s32 s4, s17  }
0x128: {  	[tilespmem:s22], [sflag:$0x1] =	stream.linear.gather [hbm4b:s17+s2], $0x80, $0x38;
	[tilespmem:$0x2400] =	vst v63  }
0x129: {  	s17 =	sand.u32 $0x1FFFFFF0, s23  }
0x12a: {  	s24 =	sor.u32 $0x880, s16;
	s17 =	sadd.s32 s4, s17  }
0x12b: {  	v1 =	vshll.u32 v2, $0x4;
	[tilespmem:s24], [sflag:$0x1] =	stream.linear.gather [hbm4b:s17+s2], $0x80, $0x38;
	[tilespmem:$0x2400] =	vst v63  }
0x12c: {  	s30 =	spop (v2sf);
	(v2sf) =	vpush v1, $0x0  }
0x12d: {  	s17 =	sand.u32 $0x1FFFFFF0, s25  }
0x12e: {  	s26 =	sor.u32 $0x900, s16;
	s17 =	sadd.s32 s4, s17;
	s19 =	spop (v2sf);
	(v2sf) =	vpush v1, $0x1  }
0x12f: {  	[tilespmem:s26], [sflag:$0x1] =	stream.linear.gather [hbm4b:s17+s2], $0x80, $0x38;
	[tilespmem:$0x2400] =	vst v63  }
0x130: {  	s17 =	sand.u32 $0x1FFFFFF0, s28;
	s21 =	spop (v2sf);
	(v2sf) =	vpush v1, $0x2  }
0x131: {  	s29 =	sor.u32 $0x980, s16;
	s17 =	sadd.s32 s4, s17  }
0x132: {  	[tilespmem:s29], [sflag:$0x1] =	stream.linear.gather [hbm4b:s17+s2], $0x80, $0x38;
	[tilespmem:$0x2400] =	vst v63  }
0x133: {  	s23 =	spop (v2sf);
	(v2sf) =	vpush v1, $0x3  }
0x134: {  	s17 =	sand.u32 $0x1FFFFFF0, s30  }
0x135: {  	s31 =	sor.u32 $0xA00, s16;
	s17 =	sadd.s32 s4, s17  }
0x136: {  	[tilespmem:s31], [sflag:$0x1] =	stream.linear.gather [hbm4b:s17+s2], $0x80, $0x38;
	[tilespmem:$0x2400] =	vst v63  }
0x137: {  	s17 =	sand.u32 $0x1FFFFFF0, s19  }
0x138: {  	s20 =	sor.u32 $0xA80, s16;
	s17 =	sadd.s32 s4, s17  }
0x139: {  	[tilespmem:s20], [sflag:$0x1] =	stream.linear.gather [hbm4b:s17+s2], $0x80, $0x38;
	[tilespmem:$0x2400] =	vst v63  }
0x13a: {  	s17 =	sand.u32 $0x1FFFFFF0, s21  }
0x13b: {  	s22 =	sor.u32 $0xB00, s16;
	s17 =	sadd.s32 s4, s17;
	s25 =	spop (v2sf);
	(v2sf) =	vpush v1, $0x4  }
0x13c: {  	[tilespmem:s22], [sflag:$0x1] =	stream.linear.gather [hbm4b:s17+s2], $0x80, $0x38;
	[tilespmem:$0x2400] =	vst v63  }
0x13d: {  	s28 =	spop (v2sf);
	(v2sf) =	vpush v1, $0x5  }
0x13e: {  	s17 =	sand.u32 $0x1FFFFFF0, s23  }
0x13f: {  	s24 =	sor.u32 $0xB80, s16;
	s17 =	sadd.s32 s4, s17;
	s30 =	spop (v2sf);
	(v2sf) =	vpush v1, $0x6  }
0x140: {  	[tilespmem:s24], [sflag:$0x1] =	stream.linear.gather [hbm4b:s17+s2], $0x80, $0x38;
	[tilespmem:$0x2400] =	vst v63  }
0x141: {  	s17 =	sand.u32 $0x1FFFFFF0, s25  }
0x142: {  	s26 =	sor.u32 $0xC00, s16;
	s17 =	sadd.s32 s4, s17;
	s19 =	spop (v2sf);
	(v2sf) =	vpush v1, $0x7  }
0x143: {  	[tilespmem:s26], [sflag:$0x1] =	stream.linear.gather [hbm4b:s17+s2], $0x80, $0x38;
	[tilespmem:$0x2400] =	vst v63  }
0x144: {  	s17 =	sand.u32 $0x1FFFFFF0, s28  }
0x145: {  	s29 =	sor.u32 $0xC80, s16;
	s17 =	sadd.s32 s4, s17  }
0x146: {  	[tilespmem:s29], [sflag:$0x1] =	stream.linear.gather [hbm4b:s17+s2], $0x80, $0x38;
	[tilespmem:$0x2400] =	vst v63  }
0x147: {  	s17 =	sand.u32 $0x1FFFFFF0, s30  }
0x148: {  	s31 =	sor.u32 $0xD00, s16;
	s17 =	sadd.s32 s4, s17  }
0x149: {  	[tilespmem:s31], [sflag:$0x1] =	stream.linear.gather [hbm4b:s17+s2], $0x80, $0x38;
	[tilespmem:$0x2400] =	vst v63  }
0x14a: {  	s21 =	spop (v2sf);
	(v2sf) =	vpush v1, $0x8  }
0x14b: {  	s17 =	sand.u32 $0x1FFFFFF0, s19  }
0x14c: {  	s20 =	sor.u32 $0xD80, s16;
	s17 =	sadd.s32 s4, s17;
	s23 =	spop (v2sf);
	(v2sf) =	vpush v1, $0x9  }
0x14d: {  	[tilespmem:s20], [sflag:$0x1] =	stream.linear.gather [hbm4b:s17+s2], $0x80, $0x38;
	[tilespmem:$0x2400] =	vst v63  }
0x14e: {  	s17 =	sand.u32 $0x1FFFFFF0, s21;
	s25 =	spop (v2sf);
	(v2sf) =	vpush v1, $0xA  }
0x14f: {  	s22 =	sor.u32 $0xE00, s16;
	s17 =	sadd.s32 s4, s17  }
0x150: {  	[tilespmem:s22], [sflag:$0x1] =	stream.linear.gather [hbm4b:s17+s2], $0x80, $0x38;
	[tilespmem:$0x2400] =	vst v63  }
0x151: {  	s28 =	spop (v2sf);
	(v2sf) =	vpush v1, $0xB  }
0x152: {  	s17 =	sand.u32 $0x1FFFFFF0, s23  }
0x153: {  	s24 =	sor.u32 $0xE80, s16;
	s17 =	sadd.s32 s4, s17  }
0x154: {  	[tilespmem:s24], [sflag:$0x1] =	stream.linear.gather [hbm4b:s17+s2], $0x80, $0x38;
	[tilespmem:$0x2400] =	vst v63  }
0x155: {  	s17 =	sand.u32 $0x1FFFFFF0, s25  }
0x156: {  	s26 =	sor.u32 $0xF00, s16;
	s17 =	sadd.s32 s4, s17  }
0x157: {  	[tilespmem:s26], [sflag:$0x1] =	stream.linear.gather [hbm4b:s17+s2], $0x80, $0x38;
	[tilespmem:$0x2400] =	vst v63  }
0x158: {  	s17 =	sand.u32 $0x1FFFFFF0, s28  }
0x159: {  	s29 =	sor.u32 $0xF80, s16;
	s17 =	sadd.s32 s4, s17;
	s30 =	spop (v2sf);
	(v2sf) =	vpush v1, $0xC  }
0x15a: {  	[tilespmem:s29], [sflag:$0x1] =	stream.linear.gather [hbm4b:s17+s2], $0x80, $0x38;
	[tilespmem:$0x2400] =	vst v63  }
0x15b: {  	s18 =	spop (v2sf);
	(v2sf) =	vpush v1, $0xD  }
0x15c: {  	s17 =	sand.u32 $0x1FFFFFF0, s30  }
0x15d: {  	s31 =	sadd.s32 $0x1000, s16;
	s17 =	sadd.s32 s4, s17;
	s20 =	spop (v2sf)  }
0x15e: {  	(v2sf) =	vpush v1, $0xE;
	[tilespmem:s31], [sflag:$0x1] =	stream.linear.gather [hbm4b:s17+s2], $0x80, $0x38;
	[tilespmem:$0x2400] =	vst v63  }
0x15f: {  	s17 =	sand.u32 $0x1FFFFFF0, s18  }
0x160: {  	s19 =	sadd.s32 $0x1080, s16;
	s22 =	spop (v2sf);
	s17 =	sadd.s32 s4, s17  }
0x161: {  	(v2sf) =	vpush v1, $0xF;
	[tilespmem:s19], [sflag:$0x1] =	stream.linear.gather [hbm4b:s17+s2], $0x80, $0x38;
	[tilespmem:$0x2400] =	vst v63  }
0x162: {  	s17 =	sand.u32 $0x1FFFFFF0, s20  }
0x163: {  	s21 =	sadd.s32 $0x1100, s16;
	s17 =	sadd.s32 s4, s17  }
0x164: {  	[tilespmem:s21], [sflag:$0x1] =	stream.linear.gather [hbm4b:s17+s2], $0x80, $0x38;
	[tilespmem:$0x2400] =	vst v63  }
0x165: {  	s17 =	sand.u32 $0x1FFFFFF0, s22  }
0x166: {  	s23 =	sadd.s32 $0x1180, s16;
	s17 =	sadd.s32 s4, s17  }
0x167: {  	[tilespmem:s23], [sflag:$0x1] =	stream.linear.gather [hbm4b:s17+s2], $0x80, $0x38;
	[tilespmem:$0x2400] =	vst v63  }
0x168: {  	s24 =	spop (v2sf)  }
0x169: {  	s17 =	sand.u32 $0x1FFFFFF0, s24  }
0x16a: {  	s25 =	sadd.s32 $0x1200, s16;
	s26 =	spop (v2sf);
	s17 =	sadd.s32 s4, s17  }
0x16b: {  	[tilespmem:s25], [sflag:$0x1] =	stream.linear.gather [hbm4b:s17+s2], $0x80, $0x38;
	[tilespmem:$0x2400] =	vst v63  }
0x16c: {  	s17 =	sand.u32 $0x1FFFFFF0, s26  }
0x16d: {  	s28 =	sadd.s32 $0x1280, s16;
	s29 =	spop (v2sf);
	s17 =	sadd.s32 s4, s17  }
0x16e: {  	[tilespmem:s28], [sflag:$0x1] =	stream.linear.gather [hbm4b:s17+s2], $0x80, $0x38;
	[tilespmem:$0x2400] =	vst v63  }
0x16f: {  	s17 =	sand.u32 $0x1FFFFFF0, s29  }
0x170: {  	s30 =	sadd.s32 $0x1300, s16;
	s31 =	spop (v2sf);
	s17 =	sadd.s32 s4, s17  }
0x171: {  	[tilespmem:s30], [sflag:$0x1] =	stream.linear.gather [hbm4b:s17+s2], $0x80, $0x38;
	[tilespmem:$0x2400] =	vst v63  }
0x172: {  	s17 =	sand.u32 $0x1FFFFFF0, s31  }
0x173: {  	s16 =	sadd.s32 $0x1380, s16;
	s17 =	sadd.s32 s4, s17  }
0x174: {  	[tilespmem:s16], [sflag:$0x1] =	stream.linear.gather [hbm4b:s17+s2], $0x80, $0x38;
	[tilespmem:$0x2400] =	vst v63  }
0x175: {  	s16 =	simm.s32 $0x1  }
0x176: {  	_ =	swait.ge [sflag:s16], $0x80  }
0x177: {  	[sflag:s16] =	ssyncset.done $0x0  }
0x178: {  	[sflag:s16] =	ssyncadd.s32 $0xFFFFFF80  }
0x179: {  	_ =	swait.ge [sflag:s16], $0x80  }
0x17a: {  	[sflag:s16] =	ssyncset.done $0x0  }
0x17b: {  	[sflag:s16] =	ssyncadd.s32 $0xFFFFFF80  }
0x17c: {  	_ =	swait.ge [sflag:s16], $0x80  }
0x17d: {  	[sflag:s16] =	ssyncset.done $0x0  }
0x17e: {  	[sflag:s16] =	ssyncadd.s32 $0xFFFFFF80  }
0x17f: {  	_ =	swait.ge [sflag:s16], $0x80  }
0x180: {  	[sflag:s16] =	ssyncset.done $0x0  }
0x181: {  	[sflag:s16] =	ssyncadd.s32 $0xFFFFFF80  }
0x182: {  	_ =	swait.ge [sflag:s16], $0x80  }
0x183: {  	[sflag:s16] =	ssyncset.done $0x0  }
0x184: {  	[sflag:s16] =	ssyncadd.s32 $0xFFFFFF80  }
0x185: {  	_ =	swait.ge [sflag:s16], $0x80  }
0x186: {  	[sflag:s16] =	ssyncset.done $0x0  }
0x187: {  	[sflag:s16] =	ssyncadd.s32 $0xFFFFFF80  }
0x188: {  	_ =	swait.ge [sflag:s16], $0x80  }
0x189: {  	[sflag:s16] =	ssyncset.done $0x0  }
0x18a: {  	[sflag:s16] =	ssyncadd.s32 $0xFFFFFF80  }
0x18b: {  	_ =	swait.ge [sflag:s16], $0x80  }
0x18c: {  	[sflag:s16] =	ssyncset.done $0x0  }
0x18d: {  	[sflag:s16] =	ssyncadd.s32 $0xFFFFFF80  }
0x18e: {  	_ =	swait.ge [sflag:s16], $0x80  }
0x18f: {  	[sflag:s16] =	ssyncset.done $0x0  }
0x190: {  	[sflag:s16] =	ssyncadd.s32 $0xFFFFFF80  }
0x191: {  	_ =	swait.ge [sflag:s16], $0x80  }
0x192: {  	[sflag:s16] =	ssyncset.done $0x0  }
0x193: {  	[sflag:s16] =	ssyncadd.s32 $0xFFFFFF80  }
0x194: {  	_ =	swait.ge [sflag:s16], $0x80  }
0x195: {  	[sflag:s16] =	ssyncset.done $0x0  }
0x196: {  	[sflag:s16] =	ssyncadd.s32 $0xFFFFFF80  }
0x197: {  	_ =	swait.ge [sflag:s16], $0x80  }
0x198: {  	[sflag:s16] =	ssyncset.done $0x0  }
0x199: {  	[sflag:s16] =	ssyncadd.s32 $0xFFFFFF80  }
0x19a: {  	_ =	swait.ge [sflag:s16], $0x80  }
0x19b: {  	[sflag:s16] =	ssyncset.done $0x0  }
0x19c: {  	[sflag:s16] =	ssyncadd.s32 $0xFFFFFF80  }
0x19d: {  	_ =	swait.ge [sflag:s16], $0x80  }
0x19e: {  	[sflag:s16] =	ssyncset.done $0x0  }
0x19f: {  	[sflag:s16] =	ssyncadd.s32 $0xFFFFFF80  }
0x1a0: {  	_ =	swait.ge [sflag:s16], $0x80  }
0x1a1: {  	[sflag:s16] =	ssyncset.done $0x0  }
0x1a2: {  	[sflag:s16] =	ssyncadd.s32 $0xFFFFFF80  }
0x1a3: {  	_ =	swait.ge [sflag:s16], $0x80  }
0x1a4: {  	[sflag:s16] =	ssyncset.done $0x0  }
0x1a5: {  	[sflag:s16] =	ssyncadd.s32 $0xFFFFFF80  }
0x1a6: {  	_ =	swait.ge [sflag:s16], $0x80  }
0x1a7: {  	[sflag:s16] =	ssyncset.done $0x0  }
0x1a8: {  	[sflag:s16] =	ssyncadd.s32 $0xFFFFFF80  }
0x1a9: {  	_ =	swait.ge [sflag:s16], $0x80  }
0x1aa: {  	[sflag:s16] =	ssyncset.done $0x0  }
0x1ab: {  	[sflag:s16] =	ssyncadd.s32 $0xFFFFFF80  }
0x1ac: {  	_ =	swait.ge [sflag:s16], $0x80  }
0x1ad: {  	[sflag:s16] =	ssyncset.done $0x0  }
0x1ae: {  	[sflag:s16] =	ssyncadd.s32 $0xFFFFFF80  }
0x1af: {  	_ =	swait.ge [sflag:s16], $0x80  }
0x1b0: {  	[sflag:s16] =	ssyncset.done $0x0  }
0x1b1: {  	[sflag:s16] =	ssyncadd.s32 $0xFFFFFF80  }
0x1b2: {  	_ =	swait.ge [sflag:s16], $0x80  }
0x1b3: {  	[sflag:s16] =	ssyncset.done $0x0  }
0x1b4: {  	[sflag:s16] =	ssyncadd.s32 $0xFFFFFF80  }
0x1b5: {  	_ =	swait.ge [sflag:s16], $0x80  }
0x1b6: {  	[sflag:s16] =	ssyncset.done $0x0  }
0x1b7: {  	[sflag:s16] =	ssyncadd.s32 $0xFFFFFF80  }
0x1b8: {  	_ =	swait.ge [sflag:s16], $0x80  }
0x1b9: {  	[sflag:s16] =	ssyncset.done $0x0  }
0x1ba: {  	[sflag:s16] =	ssyncadd.s32 $0xFFFFFF80  }
0x1bb: {  	_ =	swait.ge [sflag:s16], $0x80  }
0x1bc: {  	[sflag:s16] =	ssyncset.done $0x0  }
0x1bd: {  	[sflag:s16] =	ssyncadd.s32 $0xFFFFFF80  }
0x1be: {  	_ =	swait.ge [sflag:s16], $0x80  }
0x1bf: {  	[sflag:s16] =	ssyncset.done $0x0  }
0x1c0: {  	[sflag:s16] =	ssyncadd.s32 $0xFFFFFF80  }
0x1c1: {  	_ =	swait.ge [sflag:s16], $0x80  }
0x1c2: {  	[sflag:s16] =	ssyncset.done $0x0  }
0x1c3: {  	[sflag:s16] =	ssyncadd.s32 $0xFFFFFF80  }
0x1c4: {  	_ =	swait.ge [sflag:s16], $0x80  }
0x1c5: {  	[sflag:s16] =	ssyncset.done $0x0  }
0x1c6: {  	[sflag:s16] =	ssyncadd.s32 $0xFFFFFF80  }
0x1c7: {  	_ =	swait.ge [sflag:s16], $0x80  }
0x1c8: {  	[sflag:s16] =	ssyncset.done $0x0  }
0x1c9: {  	[sflag:s16] =	ssyncadd.s32 $0xFFFFFF80  }
0x1ca: {  	_ =	swait.ge [sflag:s16], $0x80  }
0x1cb: {  	[sflag:s16] =	ssyncset.done $0x0  }
0x1cc: {  	[sflag:s16] =	ssyncadd.s32 $0xFFFFFF80  }
0x1cd: {  	_ =	swait.ge [sflag:s16], $0x80  }
0x1ce: {  	[sflag:s16] =	ssyncset.done $0x0  }
0x1cf: {  	[sflag:s16] =	ssyncadd.s32 $0xFFFFFF80  }
0x1d0: {  	p2 =	por p1, p1;
	_ =	swait.ge [sflag:s16], $0x80  }
.Ltmp6:
0x1d1: {  	[sflag:s16] =	ssyncset.done $0x0;
	(pc) =	sbr.rel @p2 .LBB2_6-.Ltmp6, $4  }
0x1d2: {  	[sflag:s16] =	ssyncadd.s32 $0xFFFFFF80  }
0x1d3: {  	_ =	swait.ge [sflag:s16], $0x80  }
0x1d4: {  	[sflag:s16] =	ssyncset.done $0x0  }
0x1d5: {  	p1 =	por $0x0, $0x0;
	[sflag:s16] =	ssyncadd.s32 $0xFFFFFF80  }
0x1d6: {  	s16 =	sshll.u32 s15, $0xD  }
0x1d7: {  	s16 =	sadd.s32 s7, s16  }
0x1d8: {  	s15 =	sadd.s32 $0x1, s15;
	s16 =	sshrl.u32 s16, $0x3  }
0x1d9: {  	p1 =	sne.s32 s15, $0x10;
	s16 =	sadd.s32 s5, s16  }
0x1da: {  	[hbm4b:s16+s2] =	stream.linear.scatter [tilespmem:s11], [sflag:$0x2], $0x2000, $0x38;
	[tilespmem:$0x2400] =	vst v63  }
.Ltmp7:
0x1db: {  	_ = 	snop;
	(pc) =	sbr.rel @p1 .LBB2_5-.Ltmp7, $4  }
.Ltmp8:
0x1dc: {  	_ = 	snop;
	(pc) =	sbr.rel @!p1 .LBB2_8-.Ltmp8, $4  }
0x1dd: {  	_ =	swait.ge [sflag:s13], $0x2000  }
0x1de: {  	[sflag:s13] =	ssyncset.done $0x0  }
0x1df: {  	[sflag:s13] =	ssyncadd.s32 $0xFFFFE000  }
0x1e0: {  	_ = 	snop  }
.LBB2_9:
0x1e1: {  	_ =	sfence.sel $0x180000  }
0x1e2: {  	[bflag:$0x0] =	sbarrier.arrive $0xFFFF  }
0x1e3: {  	p0 =	sne.s32 s1, $0x0;
	_ =	strace $0x90000047  }
0x1e4: {  	s0 =	sadd.s32 @!p0 $0x100000, s0;
	[bflag:$0x2] =	sbarrier.arrive $0xFFFF  }
0x1e5: {  	[sflag:s0] =	ssyncadd.tile.s32 @!p0 $0x1;
	_ =	shalt  }
.Lfunc_end2:
_tile_overlayer_lowered:
.L_overlay_start_2:
0x1e6: {  	(tag) =	ssettag $0x2  }
0x1e7: {  	s0 =	rddreg [dreg:$0x0];
	s2 =	stileid.u32  }
0x1e8: {  	s1 =	rddreg [dreg:$0x1];
	p0 =	sne.s32 s2, $0x0  }
0x1e9: {  	s3 =	rddreg [dreg:$0x2];
	[bflag:$0x3] =	sbarrier.arrive $0xFFFF;
	s2 =	simm.s32 @!p0 $0x1C03  }
0x1ea: {  	[timem:s3], [sflag:s2] =	dma.local @!p0 [hbm:s0], s1  }
0x1eb: {  	s0 =	simm.s32 @!p0 $0x3  }
0x1ec: {  	_ =	swait.ge @!p0 [sflag:s0], s1  }
0x1ed: {  	s1 =	ssub.s32 @!p0 $0x0, s1;
	[sflag:s0] =	ssyncset.done @!p0 $0x0  }
0x1ee: {  	[sflag:s0] =	ssyncadd.s32 @!p0 s1  }
0x1ef: {  	[bflag:$0x3] =	sbarrier.arrive $0xFFFF  }
0x1f0: {  	_ =	shalt  }

</sc_bundles>
